<compile_context>
chip_gen: v7x
topology: tpu7x:2x2x1
jax: 0.10.2.dev20260603
libtpu: 0.0.44.dev20260713+nightly
codegen_flags: <defaults>
</compile_context>

<pallas_src>
import functools
import math

import jax
import jax.numpy as jnp
from jax import lax
from jax.experimental import pallas as pl
from jax.experimental.pallas import tpu as pltpu
from jax.experimental.pallas import tpu_sc as plsc

_EPS = 1e-06
_THETA = 10000.0
_NEG = -1e9


def _rms(x, w):
    var = jnp.mean(x * x, axis=-1, keepdims=True)
    return w * (x * jax.lax.rsqrt(var + _EPS))


def _dot_t(a, b):
    return jax.lax.dot_general(a, b, (((1,), (1,)), ((), ())),
                               preferred_element_type=jnp.float32)


def _dot(a, b):
    return jax.lax.dot_general(a, b, (((1,), (0,)), ((), ())),
                               preferred_element_type=jnp.float32)


def _iota(shape, dim):
    return jax.lax.broadcasted_iota(jnp.int32, shape, dim)


def _fiota(shape, dim):
    return _iota(shape, dim).astype(jnp.float32)


def _hi_dot(a, b):
    return jax.lax.dot_general(a, b, (((1,), (0,)), ((), ())),
                               preferred_element_type=jnp.float32,
                               precision=jax.lax.Precision.HIGHEST)


def _qkv_kernel(x_ref, ln1_ref, wq_ref, wk_ref, wv_ref, qn_ref, kn_ref,
                g_ref, gt_ref, q_ref, k_ref, v_ref, *, bs, hd, nh, nkv):
    sb = pl.program_id(1)
    xb = x_ref[0]
    hb = _rms(xb, ln1_ref[...]).astype(jnp.bfloat16)
    q = _dot_t(hb, wq_ref[...])
    k = _dot_t(hb, wk_ref[...])
    v = _dot_t(hb, wv_ref[...])

    half = hd // 2
    pos = sb * bs + _fiota((bs, 1), 0)
    lane_q = _iota((1, nh * hd), 1)
    invf_q = jnp.exp((-2.0 * math.log(_THETA) / hd)
                     * (lane_q & (half - 1)).astype(jnp.float32))
    ang_q = pos * invf_q
    cos_q = jnp.cos(ang_q)
    sin_q = jnp.sin(ang_q)

    def headnorm(t, wfull, n):
        sums = _hi_dot(t * t, g_ref[...][:, :n])
        r = jax.lax.rsqrt(sums * (1.0 / hd) + _EPS)
        return t * _hi_dot(r, gt_ref[...][:n, :]) * wfull

    def rot_half(t, n):
        parts = []
        for i in range(n):
            parts.append(-t[:, i * hd + half:(i + 1) * hd])
            parts.append(t[:, i * hd:i * hd + half])
        return jnp.concatenate(parts, axis=-1)

    qn = headnorm(q, qn_ref[...], nh)
    qf = qn * cos_q + rot_half(qn, nh) * sin_q
    kn = headnorm(k, kn_ref[...], nkv)
    kf = kn * cos_q[:, :nkv * hd] + rot_half(kn, nkv) * sin_q[:, :nkv * hd]
    for i in range(nh):
        q_ref[0, i] = qf[:, i * hd:(i + 1) * hd].astype(jnp.bfloat16)
    for i in range(nkv):
        k_ref[0, i] = kf[:, i * hd:(i + 1) * hd].astype(jnp.bfloat16)
        v_ref[0, i] = v[:, i * hd:(i + 1) * hd].astype(jnp.bfloat16)


def _attn_kernel(q_ref, k_ref, v_ref, o_ref, *, bq, seq, hd):
    qi = pl.program_id(2)
    q = q_ref[0, 0]
    k = k_ref[0, 0]
    v = v_ref[0, 0]
    s = _dot_t(q, k) * (hd ** -0.5)
    row = qi * bq + _iota((bq, seq), 0)
    col = _iota((bq, seq), 1)
    s = jnp.where(col <= row, s, _NEG)
    m = jnp.max(s, axis=-1, keepdims=True)
    p = jnp.exp(s - m)
    p = p / jnp.sum(p, axis=-1, keepdims=True)
    o_ref[0, 0] = _dot(p.astype(jnp.bfloat16), v).astype(jnp.bfloat16)


def _post_kernel(o_ref, x_ref, ln2_ref, wo_ref, rw_ref,
                 x2_ref, h2_ref, lg_ref, *, nh):
    o = jnp.concatenate([o_ref[0, i] for i in range(nh)], axis=-1)
    x2 = x_ref[0] + _dot_t(o, wo_ref[...])
    h2 = _rms(x2, ln2_ref[...])
    x2_ref[...] = x2
    h2_ref[...] = h2
    lg_ref[...] = jax.lax.dot_general(
        h2, rw_ref[...], (((1,), (1,)), ((), ())),
        preferred_element_type=jnp.float32,
        precision=jax.lax.Precision.HIGHEST)


def _route_stats_kernel(lg_ref, pk_ref, cnt_ref, carry, *, ne, bs):
    i = pl.program_id(0)

    @pl.when(i == 0)
    def _():
        carry[...] = jnp.zeros_like(carry)

    z = lg_ref[...]
    z = z - jnp.max(z, axis=-1, keepdims=True)
    p = jnp.exp(z)
    p = p / jnp.sum(p, axis=-1, keepdims=True)
    eio = _iota((bs, ne), 1)
    m1 = jnp.max(p, axis=-1, keepdims=True)
    i1 = jnp.min(jnp.where(p == m1, eio, ne), axis=-1, keepdims=True)
    oh1 = (eio == i1).astype(jnp.float32)
    p2 = jnp.where(eio == i1, -1.0, p)
    m2 = jnp.max(p2, axis=-1, keepdims=True)
    i2 = jnp.min(jnp.where(p2 == m2, eio, ne), axis=-1, keepdims=True)
    oh2 = (eio == i2).astype(jnp.float32)
    denom = m1 + m2
    w1 = m1 / denom
    w2 = m2 / denom

    cnt = oh1 + oh2
    tri = (_iota((bs, bs), 1) < _iota((bs, bs), 0)).astype(jnp.float32)
    ranks = _dot(tri, cnt) + carry[0:1, :ne]
    r1 = jnp.sum(ranks * oh1, axis=-1, keepdims=True)
    r2 = jnp.sum(ranks * oh2, axis=-1, keepdims=True)
    carry[0:1, :ne] += jnp.sum(cnt, axis=0, keepdims=True)
    cnt_ref[...] = carry[0:1, :ne]

    z1 = jnp.zeros((bs, 1), jnp.float32)
    pk_ref[...] = jnp.concatenate(
        [i1.astype(jnp.float32), i2.astype(jnp.float32), r1, r2, w1, w2,
         z1, z1], axis=-1)


def _route_final_kernel(pk_ref, cnt_ref, posw_ref, be_ref, meta_ref,
                        *, ne, nblk, blk, t):
    counts = cnt_ref[...]
    blocks = jnp.floor((counts + (blk - 1)) * (1.0 / blk))
    rio = _iota((ne, ne), 0)
    cio = _iota((ne, ne), 1)
    upper = (rio < cio).astype(jnp.float32)
    blk_start = _dot(blocks, upper)
    nu = jnp.sum(blocks)
    meta_ref[...] = jnp.full((1, 128), nu, jnp.float32)

    bio = _fiota((nblk, ne), 0)
    ge = (bio >= blk_start).astype(jnp.float32)
    be_ref[...] = jnp.sum(ge, axis=-1, keepdims=True) - 1.0

    e1 = pk_ref[:, 0:1]
    e2 = pk_ref[:, 1:2]
    tio = _fiota((t, ne), 1)
    s1 = jnp.sum((tio == e1).astype(jnp.float32) * blk_start, axis=-1,
                 keepdims=True) * blk + pk_ref[:, 2:3]
    s2 = jnp.sum((tio == e2).astype(jnp.float32) * blk_start, axis=-1,
                 keepdims=True) * blk + pk_ref[:, 3:4]
    z1 = jnp.zeros((t, 1), jnp.float32)
    posw_ref[...] = jnp.concatenate(
        [s1, s2, pk_ref[:, 4:5], pk_ref[:, 5:6], z1, z1, z1, z1], axis=-1)


def _sc_scatter_kernel(pos_hbm, src_hbm, w_hbm, gidx_hbm, sw_hbm,
                       pos_v, src_v, w_v, gidx_v, sw_v, *, ns, p, t):
    wid = lax.axis_index("s") * 2 + lax.axis_index("c")

    @pl.when(wid == 0)
    def _():
        pltpu.sync_copy(pos_hbm, pos_v)
        pltpu.sync_copy(src_hbm, src_v)
        pltpu.sync_copy(w_hbm, w_v)

        def zb(i, _):
            spread = (i * 16 + lax.broadcasted_iota(jnp.int32, (16,), 0)) & (t - 1)
            gidx_v[pl.ds(i * 16, 16)] = spread
            sw_v[pl.ds(i * 16, 16)] = jnp.zeros((16,), jnp.float32)
            return 0

        lax.fori_loop(0, p // 16, zb, 0)

        def sb(i, _):
            pv = pos_v[pl.ds(i * 16, 16)]
            plsc.store_scatter(gidx_v, [pv], src_v[pl.ds(i * 16, 16)])
            plsc.store_scatter(sw_v, [pv], w_v[pl.ds(i * 16, 16)])
            return 0

        lax.fori_loop(0, ns // 16, sb, 0)
        pltpu.sync_copy(gidx_v, gidx_hbm)
        pltpu.sync_copy(sw_v, sw_hbm)


def _sc_gather_kernel(gidx_hbm, h2_hbm, tg_hbm, idx_v, rows_a, rows_b, sem1,
                      sem2, *, nch, ch, rows_per_w):
    wid = lax.axis_index("s") * 2 + lax.axis_index("c")
    pltpu.sync_copy(gidx_hbm.at[wid], idx_v)

    def body(i, _):
        ci = 2 * i
        cp1 = pltpu.async_copy(h2_hbm.at[idx_v.at[ci]], rows_a, sem1)
        cp2 = pltpu.async_copy(h2_hbm.at[idx_v.at[ci + 1]], rows_b, sem2)
        cp1.wait()
        cp2.wait()
        base = wid * rows_per_w + ci * ch
        pltpu.sync_copy(rows_a, tg_hbm.at[pl.ds(base, ch)])
        pltpu.sync_copy(rows_b, tg_hbm.at[pl.ds(base + ch, ch)])
        return 0

    lax.fori_loop(0, nch // 2, body, 0)


def _sc_pair_kernel(p1_hbm, p2_hbm, ys_hbm, y1_hbm, y2_hbm,
                    i1_v, i2_v, r1_v, r2_v, sem1, sem2,
                    *, nch, ch, rows_per_w):
    wid = lax.axis_index("s") * 2 + lax.axis_index("c")
    pltpu.sync_copy(p1_hbm.at[wid], i1_v)
    pltpu.sync_copy(p2_hbm.at[wid], i2_v)

    def body(ci, _):
        cp1 = pltpu.async_copy(ys_hbm.at[i1_v.at[ci]], r1_v, sem1)
        cp2 = pltpu.async_copy(ys_hbm.at[i2_v.at[ci]], r2_v, sem2)
        cp1.wait()
        cp2.wait()
        base = wid * rows_per_w + ci * ch
        pltpu.sync_copy(r1_v, y1_hbm.at[pl.ds(base, ch)])
        pltpu.sync_copy(r2_v, y2_hbm.at[pl.ds(base, ch)])
        return 0

    lax.fori_loop(0, nch, body, 0)


def _moe_group_kernel(be_ref, nu_ref, tg_ref, sw_ref, gw_ref, uw_ref, dw_ref,
                      out_ref):
    i = pl.program_id(0)

    @pl.when(i < nu_ref[0])
    def _():
        tb = tg_ref[...].astype(jnp.bfloat16)
        g = _dot_t(tb, gw_ref[0])
        u = _dot_t(tb, uw_ref[0])
        he = (g * jax.lax.logistic(g) * u).astype(jnp.bfloat16)
        out_ref[...] = sw_ref[...] * _dot_t(he, dw_ref[0])

    @pl.when(i >= nu_ref[0])
    def _():
        out_ref[...] = jnp.zeros_like(out_ref)


def _combine_kernel(x2_ref, y1_ref, y2_ref, out_ref):
    out_ref[...] = x2_ref[...] + y1_ref[...] + y2_ref[...]


def kernel(x, ln1_w, ln2_w, wq, wk, wv, wo, q_norm_w, k_norm_w,
           router_w, gate_w, up_w, down_w):
    B, S, D = x.shape
    HD = q_norm_w.shape[0]
    NH = wq.shape[0] // HD
    NKV = wk.shape[0] // HD
    E, FF, _ = gate_w.shape
    T = B * S
    BS = min(256, S)
    NSB = S // BS
    f32 = jnp.float32
    i32 = jnp.int32

    ln1 = ln1_w.reshape(1, D)
    ln2 = ln2_w.reshape(1, D)
    qn = jnp.tile(q_norm_w, NH).reshape(1, NH * HD)
    kn = jnp.tile(k_norm_w, NKV).reshape(1, NKV * HD)
    gmat = (jnp.arange(NH * HD)[:, None] // HD
            == jnp.arange(NH)[None, :]).astype(jnp.float32)
    gtmat = gmat.T

    q, k, v = pl.pallas_call(
        functools.partial(_qkv_kernel, bs=BS, hd=HD, nh=NH, nkv=NKV),
        grid=(B, NSB),
        in_specs=[
            pl.BlockSpec((1, BS, D), lambda b, s: (b, s, 0)),
            pl.BlockSpec((1, D), lambda b, s: (0, 0)),
            pl.BlockSpec(wq.shape, lambda b, s: (0, 0)),
            pl.BlockSpec(wk.shape, lambda b, s: (0, 0)),
            pl.BlockSpec(wv.shape, lambda b, s: (0, 0)),
            pl.BlockSpec((1, NH * HD), lambda b, s: (0, 0)),
            pl.BlockSpec((1, NKV * HD), lambda b, s: (0, 0)),
            pl.BlockSpec(gmat.shape, lambda b, s: (0, 0)),
            pl.BlockSpec(gtmat.shape, lambda b, s: (0, 0)),
        ],
        out_specs=[
            pl.BlockSpec((1, NH, BS, HD), lambda b, s: (b, 0, s, 0)),
            pl.BlockSpec((1, NKV, BS, HD), lambda b, s: (b, 0, s, 0)),
            pl.BlockSpec((1, NKV, BS, HD), lambda b, s: (b, 0, s, 0)),
        ],
        out_shape=[
            jax.ShapeDtypeStruct((B, NH, S, HD), jnp.bfloat16),
            jax.ShapeDtypeStruct((B, NKV, S, HD), jnp.bfloat16),
            jax.ShapeDtypeStruct((B, NKV, S, HD), jnp.bfloat16),
        ],
    )(x, ln1, wq.astype(jnp.bfloat16), wk.astype(jnp.bfloat16),
      wv.astype(jnp.bfloat16), qn, kn, gmat, gtmat)

    BQ = min(256, S)
    o = pl.pallas_call(
        functools.partial(_attn_kernel, bq=BQ, seq=S, hd=HD),
        grid=(B, NH, S // BQ),
        in_specs=[
            pl.BlockSpec((1, 1, BQ, HD), lambda b, h, i: (b, h, i, 0)),
            pl.BlockSpec((1, 1, S, HD), lambda b, h, i: (b, h, 0, 0)),
            pl.BlockSpec((1, 1, S, HD), lambda b, h, i: (b, h, 0, 0)),
        ],
        out_specs=pl.BlockSpec((1, 1, BQ, HD), lambda b, h, i: (b, h, i, 0)),
        out_shape=jax.ShapeDtypeStruct((B, NH, S, HD), jnp.bfloat16),
    )(q, k, v)

    x2, h2, logits = pl.pallas_call(
        functools.partial(_post_kernel, nh=NH),
        grid=(B, NSB),
        in_specs=[
            pl.BlockSpec((1, NH, BS, HD), lambda b, s: (b, 0, s, 0)),
            pl.BlockSpec((1, BS, D), lambda b, s: (b, s, 0)),
            pl.BlockSpec((1, D), lambda b, s: (0, 0)),
            pl.BlockSpec(wo.shape, lambda b, s: (0, 0)),
            pl.BlockSpec(router_w.shape, lambda b, s: (0, 0)),
        ],
        out_specs=[
            pl.BlockSpec((BS, D), lambda b, s: (b * NSB + s, 0)),
            pl.BlockSpec((BS, D), lambda b, s: (b * NSB + s, 0)),
            pl.BlockSpec((BS, E), lambda b, s: (b * NSB + s, 0)),
        ],
        out_shape=[
            jax.ShapeDtypeStruct((T, D), f32),
            jax.ShapeDtypeStruct((T, D), f32),
            jax.ShapeDtypeStruct((T, E), f32),
        ],
    )(o, x, ln2, wo.astype(jnp.bfloat16), router_w)

    NTB = T // BS
    packed, counts = pl.pallas_call(
        functools.partial(_route_stats_kernel, ne=E, bs=BS),
        grid=(NTB,),
        in_specs=[pl.BlockSpec((BS, E), lambda i: (i, 0))],
        out_specs=[
            pl.BlockSpec((BS, 8), lambda i: (i, 0)),
            pl.BlockSpec((1, E), lambda i: (0, 0)),
        ],
        out_shape=[
            jax.ShapeDtypeStruct((T, 8), f32),
            jax.ShapeDtypeStruct((1, E), f32),
        ],
        scratch_shapes=[pltpu.VMEM((1, 128), f32)],
    )(logits)

    BLK = 256
    NBLK = T * 2 // BLK + E
    P = NBLK * BLK
    posw, be_f, meta = pl.pallas_call(
        functools.partial(_route_final_kernel, ne=E, nblk=NBLK, blk=BLK, t=T),
        in_specs=[
            pl.BlockSpec((T, 8), lambda: (0, 0)),
            pl.BlockSpec((1, E), lambda: (0, 0)),
        ],
        out_specs=[
            pl.BlockSpec((T, 8), lambda: (0, 0)),
            pl.BlockSpec((NBLK, 1), lambda: (0, 0)),
            pl.BlockSpec((1, 128), lambda: (0, 0)),
        ],
        out_shape=[
            jax.ShapeDtypeStruct((T, 8), f32),
            jax.ShapeDtypeStruct((NBLK, 1), f32),
            jax.ShapeDtypeStruct((1, 128), f32),
        ],
    )(packed, counts)

    pos_flat = posw[:, 0:2].astype(i32).reshape(2 * T)
    w_flat = posw[:, 2:4].reshape(2 * T)
    src_tok = jnp.repeat(jnp.arange(T, dtype=i32), 2)
    be_i32 = be_f.astype(i32).reshape(NBLK)
    nu_i32 = meta[0, 0:1].astype(i32)

    mesh = plsc.VectorSubcoreMesh(core_axis_name="c", subcore_axis_name="s")
    NS2 = 2 * T
    gidx, sw = pl.kernel(
        functools.partial(_sc_scatter_kernel, ns=NS2, p=P, t=T),
        mesh=mesh,
        compiler_params=pltpu.CompilerParams(needs_layout_passes=False),
        out_type=[
            jax.ShapeDtypeStruct((P,), i32),
            jax.ShapeDtypeStruct((P,), f32),
        ],
        scratch_types=[
            pltpu.VMEM((NS2,), i32),
            pltpu.VMEM((NS2,), i32),
            pltpu.VMEM((NS2,), f32),
            pltpu.VMEM((P,), i32),
            pltpu.VMEM((P,), f32),
        ],
    )(pos_flat, src_tok, w_flat)

    NW = 32
    RPW = P // NW
    CH = 32
    while RPW % (2 * CH):
        CH //= 2
    NCH = RPW // CH
    gidx3 = gidx.reshape(NW, NCH, CH)
    tg = pl.kernel(
        functools.partial(_sc_gather_kernel, nch=NCH, ch=CH, rows_per_w=RPW),
        mesh=mesh,
        compiler_params=pltpu.CompilerParams(needs_layout_passes=False),
        out_type=jax.ShapeDtypeStruct((P, D), f32),
        scratch_types=[
            pltpu.VMEM((NCH, CH), i32),
            pltpu.VMEM((CH, D), f32),
            pltpu.VMEM((CH, D), f32),
            pltpu.SemaphoreType.DMA,
            pltpu.SemaphoreType.DMA,
        ],
    )(gidx3, h2)

    sw2 = sw.reshape(P, 1)
    grid_spec = pltpu.PrefetchScalarGridSpec(
        num_scalar_prefetch=2,
        grid=(NBLK,),
        in_specs=[
            pl.BlockSpec((BLK, D), lambda i, be, nu: (i, 0)),
            pl.BlockSpec((BLK, 1), lambda i, be, nu: (i, 0)),
            pl.BlockSpec((1, FF, D), lambda i, be, nu: (be[i], 0, 0)),
            pl.BlockSpec((1, FF, D), lambda i, be, nu: (be[i], 0, 0)),
            pl.BlockSpec((1, D, FF), lambda i, be, nu: (be[i], 0, 0)),
        ],
        out_specs=pl.BlockSpec((BLK, D), lambda i, be, nu: (i, 0)),
    )
    bf16 = jnp.bfloat16
    ysw = pl.pallas_call(
        _moe_group_kernel,
        grid_spec=grid_spec,
        out_shape=jax.ShapeDtypeStruct((P, D), f32),
    )(be_i32, nu_i32, tg, sw2, gate_w.astype(bf16), up_w.astype(bf16),
      down_w.astype(bf16))

    RPW2 = T // NW
    CH2 = 32
    while RPW2 % CH2:
        CH2 //= 2
    NCH2 = RPW2 // CH2
    p1r = posw[:, 0].astype(i32).reshape(NW, NCH2, CH2)
    p2r = posw[:, 1].astype(i32).reshape(NW, NCH2, CH2)
    y1, y2 = pl.kernel(
        functools.partial(_sc_pair_kernel, nch=NCH2, ch=CH2, rows_per_w=RPW2),
        mesh=mesh,
        compiler_params=pltpu.CompilerParams(needs_layout_passes=False),
        out_type=[
            jax.ShapeDtypeStruct((T, D), f32),
            jax.ShapeDtypeStruct((T, D), f32),
        ],
        scratch_types=[
            pltpu.VMEM((NCH2, CH2), i32),
            pltpu.VMEM((NCH2, CH2), i32),
            pltpu.VMEM((CH2, D), f32),
            pltpu.VMEM((CH2, D), f32),
            pltpu.SemaphoreType.DMA,
            pltpu.SemaphoreType.DMA,
        ],
    )(p1r, p2r, ysw)

    BT = 512
    out = pl.pallas_call(
        _combine_kernel,
        grid=(T // BT,),
        in_specs=[
            pl.BlockSpec((BT, D), lambda i: (i, 0)),
            pl.BlockSpec((BT, D), lambda i: (i, 0)),
            pl.BlockSpec((BT, D), lambda i: (i, 0)),
        ],
        out_specs=pl.BlockSpec((BT, D), lambda i: (i, 0)),
        out_shape=jax.ShapeDtypeStruct((T, D), f32),
    )(x2, y1, y2)

    return out.reshape(B, S, D)

# --- scband reference (transcript-rebuilt; emitter-appended) ---
"""Pipeline reference for scband-qwen3-moe-block-39642548142374 (READ-ONLY COPY).

The authoritative reference and input builder live on the scoring server;
editing this copy changes nothing except your own understanding.
"""

import jax, jax.numpy as jnp
import numpy as np

B, S, D = 2, 2048, 1024
H, HD, KVH = 16, 64, 16
E, K, FF = 16, 2, 1024
EPS = 1e-06
THETA = 10000.0


def setup_inputs(seed: int = 0) -> dict:
    key = jax.random.key(seed)
    ks = jax.random.split(key, 12)

    def w(k, shape):
        return jax.random.normal(k, shape, dtype=jnp.float32) * 0.02

    return {
        'x': jax.random.normal(ks[0], (B, S, D), dtype=jnp.float32),
        'ln1_w': jnp.ones((D,), dtype=jnp.float32),
        'ln2_w': jnp.ones((D,), dtype=jnp.float32),
        'wq': w(ks[1], (H * HD, D)),
        'wk': w(ks[2], (KVH * HD, D)),
        'wv': w(ks[3], (KVH * HD, D)),
        'wo': w(ks[4], (D, H * HD)),
        'q_norm_w': jnp.ones((HD,), dtype=jnp.float32),
        'k_norm_w': jnp.ones((HD,), dtype=jnp.float32),
        'router_w': w(ks[5], (E, D)),
        'gate_w': w(ks[6], (E, FF, D)),
        'up_w': w(ks[7], (E, FF, D)),
        'down_w': w(ks[8], (E, D, FF)),
    }


def _rms(x, w, eps=EPS):
    xf = x.astype(jnp.float32)
    var = jnp.mean(xf * xf, axis=-1, keepdims=True)
    return w * (xf * jax.lax.rsqrt(var + eps))


def _rope(x, cos, sin):
    half = x.shape[-1] // 2
    x1, x2 = x[..., :half], x[..., half:]
    rot = jnp.concatenate([-x2, x1], axis=-1)
    return x * cos + rot * sin


def _forward(x, ln1_w, ln2_w, wq, wk, wv, wo, q_norm_w, k_norm_w, router_w, gate_w, up_w, down_w):
    Bx, Sx, Dx = x.shape
    # --- attention sublayer (pre-norm residual) ---
    residual = x
    h = _rms(x, ln1_w)
    q = (h @ wq.T).reshape(Bx, Sx, H, HD).transpose(0, 2, 1, 3)
    k = (h @ wk.T).reshape(Bx, Sx, KVH, HD).transpose(0, 2, 1, 3)
    v = (h @ wv.T).reshape(Bx, Sx, KVH, HD).transpose(0, 2, 1, 3)
    # Qwen3-style per-head q/k RMSNorm
    q = _rms(q, q_norm_w)
    k = _rms(k, k_norm_w)
    pos = jnp.arange(Sx, dtype=jnp.float32)
    inv = 1.0 / (THETA ** (jnp.arange(0, HD, 2, dtype=jnp.float32) / HD))
    ang = pos[:, None] * inv[None, :]
    cos = jnp.concatenate([jnp.cos(ang), jnp.cos(ang)], axis=-1)[None, None]
    sin = jnp.concatenate([jnp.sin(ang), jnp.sin(ang)], axis=-1)[None, None]
    q = _rope(q, cos, sin)
    k = _rope(k, cos, sin)
    scores = jnp.einsum('bhqd,bhkd->bhqk', q, k) / jnp.sqrt(jnp.float32(HD))
    causal = jnp.tril(jnp.ones((Sx, Sx), dtype=bool))
    scores = jnp.where(causal[None, None], scores, jnp.float32(-1e9))
    attn = jax.nn.softmax(scores, axis=-1)
    o = jnp.einsum('bhqk,bhkd->bhqd', attn, v).transpose(0, 2, 1, 3).reshape(Bx, Sx, H * HD)
    o = o @ wo.T
    x = residual + o
    # --- MoE FFN sublayer (pre-norm residual) ---
    residual = x
    h = _rms(x, ln2_w)
    t = h.reshape(-1, Dx)
    logits = t @ router_w.T
    probs = jax.nn.softmax(logits, axis=-1)
    topv, topi = jax.lax.top_k(probs, K)
    topv = topv / jnp.sum(topv, axis=-1, keepdims=True)
    T = t.shape[0]
    wdense = jnp.zeros((T, E), dtype=jnp.float32).at[jnp.arange(T)[:, None], topi].add(topv)
    out = jnp.zeros_like(t)
    for e in range(E):
        he = jax.nn.silu(t @ gate_w[e].T) * (t @ up_w[e].T)
        ye = he @ down_w[e].T
        out = out + wdense[:, e:e + 1] * ye
    moe = out.reshape(Bx, Sx, Dx)
    return residual + moe


def reference(x, ln1_w, ln2_w, wq, wk, wv, wo, q_norm_w, k_norm_w, router_w, gate_w, up_w, down_w):
    return _forward(x, ln1_w, ln2_w, wq, wk, wv, wo, q_norm_w, k_norm_w, router_w, gate_w, up_w, down_w)

if __name__ == "__main__":
    import jax
    _d = setup_inputs()
    print(jax.jit(kernel)(*tuple(_d.values())))

</pallas_src>

<mosaic_0001>
#map = affine_map<(d0, d1) -> (0, 0, 0)>
#map1 = affine_map<(d0, d1) -> (0, 0)>
module attributes {stable_mosaic.version = 14 : i64} {
  func.func @_sc_pair_kernel(%arg0: i32, %arg1: i32, %arg2: memref<32x4x32xi32, #tpu.memory_space<hbm>>, %arg3: memref<32x4x32xi32, #tpu.memory_space<hbm>>, %arg4: memref<12288x1024xf32, #tpu.memory_space<hbm>>, %arg5: memref<4096x1024xf32, #tpu.memory_space<hbm>>, %arg6: memref<4096x1024xf32, #tpu.memory_space<hbm>>, %arg7: memref<4x32xi32, #tpu.memory_space<vmem>>, %arg8: memref<4x32xi32, #tpu.memory_space<vmem>>, %arg9: memref<32x1024xf32, #tpu.memory_space<vmem>>, %arg10: memref<32x1024xf32, #tpu.memory_space<vmem>>, %arg11: memref<!tpu.dma_semaphore, #tpu.memory_space<semaphore_mem>>, %arg12: memref<!tpu.dma_semaphore, #tpu.memory_space<semaphore_mem>>) attributes {dimension_semantics = [#tpu.dimension_semantics<core_parallel>, #tpu.dimension_semantics<subcore_parallel>], iteration_bounds = array<i64: 2, 16>, scalar_prefetch = 0 : i64, scratch_operands = 6 : i64, tpu.core_type = #tpu.core_type<sc_vector_subcore>, window_params = [{transform_indices = #map}, {transform_indices = #map}, {transform_indices = #map1}, {transform_indices = #map1}, {transform_indices = #map1}]} {
    %mul3A = arith.constant 2 : i32
    %mul3A_0 = arith.muli %arg1, %mul3A : i32
    %add3A = arith.addi %mul3A_0, %arg0 : i32
    "tpu.region"() ({
      %run_scoped3A = tpu.sem_alloc : memref<!tpu.dma_semaphore, #tpu.memory_space<semaphore_mem>>
      %dma_start3A = arith.constant 0 : i32
      %dma_start3A_7 = arith.constant 0 : i32
      %dma_start3A_8 = tpu.memref_slice %arg2[%add3A, %dma_start3A, %dma_start3A_7] : memref<32x4x32xi32, #tpu.memory_space<hbm>> -> memref<1x4x32xi32, #tpu.memory_space<hbm>>
      %dma_start3A_9 = tpu.memref_squeeze %dma_start3A_8 : memref<1x4x32xi32, #tpu.memory_space<hbm>> -> memref<4x32xi32, #tpu.memory_space<hbm>>
      %dma_start3A_10 = arith.constant 0 : i32
      %dma_start3A_11 = arith.constant 0 : i32
      %dma_start3A_12 = tpu.memref_slice %arg2[%add3A, %dma_start3A_10, %dma_start3A_11] : memref<32x4x32xi32, #tpu.memory_space<hbm>> -> memref<1x4x32xi32, #tpu.memory_space<hbm>>
      %dma_start3A_13 = tpu.memref_squeeze %dma_start3A_12 : memref<1x4x32xi32, #tpu.memory_space<hbm>> -> memref<4x32xi32, #tpu.memory_space<hbm>>
      tpu.enqueue_dma source(%dma_start3A_13 : memref<4x32xi32, #tpu.memory_space<hbm>>) target(%arg7 : memref<4x32xi32, #tpu.memory_space<vmem>>) target_semaphore(%run_scoped3A : memref<!tpu.dma_semaphore, #tpu.memory_space<semaphore_mem>>)
      %dma_wait3A = arith.constant 0 : i32
      %dma_wait3A_14 = arith.constant 0 : i32
      %dma_wait3A_15 = tpu.memref_slice %arg2[%add3A, %dma_wait3A, %dma_wait3A_14] : memref<32x4x32xi32, #tpu.memory_space<hbm>> -> memref<1x4x32xi32, #tpu.memory_space<hbm>>
      %dma_wait3A_16 = tpu.memref_squeeze %dma_wait3A_15 : memref<1x4x32xi32, #tpu.memory_space<hbm>> -> memref<4x32xi32, #tpu.memory_space<hbm>>
      %dma_wait3A_17 = arith.constant 0 : i32
      %dma_wait3A_18 = arith.constant 0 : i32
      %dma_wait3A_19 = tpu.memref_slice %arg2[%add3A, %dma_wait3A_17, %dma_wait3A_18] : memref<32x4x32xi32, #tpu.memory_space<hbm>> -> memref<1x4x32xi32, #tpu.memory_space<hbm>>
      %dma_wait3A_20 = tpu.memref_squeeze %dma_wait3A_19 : memref<1x4x32xi32, #tpu.memory_space<hbm>> -> memref<4x32xi32, #tpu.memory_space<hbm>>
      tpu.wait_dma2 semaphore(%run_scoped3A : memref<!tpu.dma_semaphore, #tpu.memory_space<semaphore_mem>>) src(%dma_wait3A_20 : memref<4x32xi32, #tpu.memory_space<hbm>>) dst(%arg7 : memref<4x32xi32, #tpu.memory_space<vmem>>)
      tpu.yield
    }) : () -> ()
    "tpu.region"() ({
      %run_scoped3A = tpu.sem_alloc : memref<!tpu.dma_semaphore, #tpu.memory_space<semaphore_mem>>
      %dma_start3A = arith.constant 0 : i32
      %dma_start3A_7 = arith.constant 0 : i32
      %dma_start3A_8 = tpu.memref_slice %arg3[%add3A, %dma_start3A, %dma_start3A_7] : memref<32x4x32xi32, #tpu.memory_space<hbm>> -> memref<1x4x32xi32, #tpu.memory_space<hbm>>
      %dma_start3A_9 = tpu.memref_squeeze %dma_start3A_8 : memref<1x4x32xi32, #tpu.memory_space<hbm>> -> memref<4x32xi32, #tpu.memory_space<hbm>>
      %dma_start3A_10 = arith.constant 0 : i32
      %dma_start3A_11 = arith.constant 0 : i32
      %dma_start3A_12 = tpu.memref_slice %arg3[%add3A, %dma_start3A_10, %dma_start3A_11] : memref<32x4x32xi32, #tpu.memory_space<hbm>> -> memref<1x4x32xi32, #tpu.memory_space<hbm>>
      %dma_start3A_13 = tpu.memref_squeeze %dma_start3A_12 : memref<1x4x32xi32, #tpu.memory_space<hbm>> -> memref<4x32xi32, #tpu.memory_space<hbm>>
      tpu.enqueue_dma source(%dma_start3A_13 : memref<4x32xi32, #tpu.memory_space<hbm>>) target(%arg8 : memref<4x32xi32, #tpu.memory_space<vmem>>) target_semaphore(%run_scoped3A : memref<!tpu.dma_semaphore, #tpu.memory_space<semaphore_mem>>)
      %dma_wait3A = arith.constant 0 : i32
      %dma_wait3A_14 = arith.constant 0 : i32
      %dma_wait3A_15 = tpu.memref_slice %arg3[%add3A, %dma_wait3A, %dma_wait3A_14] : memref<32x4x32xi32, #tpu.memory_space<hbm>> -> memref<1x4x32xi32, #tpu.memory_space<hbm>>
      %dma_wait3A_16 = tpu.memref_squeeze %dma_wait3A_15 : memref<1x4x32xi32, #tpu.memory_space<hbm>> -> memref<4x32xi32, #tpu.memory_space<hbm>>
      %dma_wait3A_17 = arith.constant 0 : i32
      %dma_wait3A_18 = arith.constant 0 : i32
      %dma_wait3A_19 = tpu.memref_slice %arg3[%add3A, %dma_wait3A_17, %dma_wait3A_18] : memref<32x4x32xi32, #tpu.memory_space<hbm>> -> memref<1x4x32xi32, #tpu.memory_space<hbm>>
      %dma_wait3A_20 = tpu.memref_squeeze %dma_wait3A_19 : memref<1x4x32xi32, #tpu.memory_space<hbm>> -> memref<4x32xi32, #tpu.memory_space<hbm>>
      tpu.wait_dma2 semaphore(%run_scoped3A : memref<!tpu.dma_semaphore, #tpu.memory_space<semaphore_mem>>) src(%dma_wait3A_20 : memref<4x32xi32, #tpu.memory_space<hbm>>) dst(%arg8 : memref<4x32xi32, #tpu.memory_space<vmem>>)
      tpu.yield
    }) : () -> ()
    %scan3A = arith.constant 0 : i32
    %scan3A_1 = arith.constant 0 : i32
    %scan3A_2 = arith.constant 4 : i32
    %scan3A_3 = arith.addi %scan3A_1, %scan3A_2 : i32
    %scan3A_4 = arith.constant 1 : i32
    %scan3A_5 = scf.for %scan3A_7 = %scan3A_1 to %scan3A_3 step %scan3A_4 iter_args(%scan3A_8 = %scan3A) -> (i32)  : i32 {
      %dma_start3A = arith.constant 0 : i32
      %dma_start3A_9 = tpu.memref_slice %arg7[%scan3A_7, %dma_start3A] : memref<4x32xi32, #tpu.memory_space<vmem>> -> memref<1x32xi32, #tpu.memory_space<vmem>>
      %dma_start3A_10 = tpu.memref_squeeze %dma_start3A_9 : memref<1x32xi32, #tpu.memory_space<vmem>> -> memref<32xi32, #tpu.memory_space<vmem>>
      %dma_start3A_11 = arith.constant 0 : i32
      %dma_start3A_12 = arith.constant 0 : i32
      %dma_start3A_13 = tpu.memref_slice %arg4[%dma_start3A_11, %dma_start3A_12] : memref<12288x1024xf32, #tpu.memory_space<hbm>> -> memref<12288x1024xf32, #tpu.memory_space<hbm>>
      tpu.enqueue_indirect_dma source(%dma_start3A_13 : memref<12288x1024xf32, #tpu.memory_space<hbm>>) target(%arg9 : memref<32x1024xf32, #tpu.memory_space<vmem>>) offsets(%dma_start3A_10 : memref<32xi32, #tpu.memory_space<vmem>>) semaphore(%arg11 : memref<!tpu.dma_semaphore, #tpu.memory_space<semaphore_mem>>)
      %dma_start3A_14 = arith.constant 0 : i32
      %dma_start3A_15 = tpu.memref_slice %arg8[%scan3A_7, %dma_start3A_14] : memref<4x32xi32, #tpu.memory_space<vmem>> -> memref<1x32xi32, #tpu.memory_space<vmem>>
      %dma_start3A_16 = tpu.memref_squeeze %dma_start3A_15 : memref<1x32xi32, #tpu.memory_space<vmem>> -> memref<32xi32, #tpu.memory_space<vmem>>
      %dma_start3A_17 = arith.constant 0 : i32
      %dma_start3A_18 = arith.constant 0 : i32
      %dma_start3A_19 = tpu.memref_slice %arg4[%dma_start3A_17, %dma_start3A_18] : memref<12288x1024xf32, #tpu.memory_space<hbm>> -> memref<12288x1024xf32, #tpu.memory_space<hbm>>
      tpu.enqueue_indirect_dma source(%dma_start3A_19 : memref<12288x1024xf32, #tpu.memory_space<hbm>>) target(%arg10 : memref<32x1024xf32, #tpu.memory_space<vmem>>) offsets(%dma_start3A_16 : memref<32xi32, #tpu.memory_space<vmem>>) semaphore(%arg12 : memref<!tpu.dma_semaphore, #tpu.memory_space<semaphore_mem>>)
      %dma_wait3A = arith.constant 0 : i32
      %dma_wait3A_20 = tpu.memref_slice %arg7[%scan3A_7, %dma_wait3A] : memref<4x32xi32, #tpu.memory_space<vmem>> -> memref<1x32xi32, #tpu.memory_space<vmem>>
      %dma_wait3A_21 = tpu.memref_squeeze %dma_wait3A_20 : memref<1x32xi32, #tpu.memory_space<vmem>> -> memref<32xi32, #tpu.memory_space<vmem>>
      %dma_wait3A_22 = arith.constant 0 : i32
      %dma_wait3A_23 = arith.constant 0 : i32
      %dma_wait3A_24 = tpu.memref_slice %arg4[%dma_wait3A_22, %dma_wait3A_23] : memref<12288x1024xf32, #tpu.memory_space<hbm>> -> memref<12288x1024xf32, #tpu.memory_space<hbm>>
      tpu.wait_indirect_dma semaphore(%arg11 : memref<!tpu.dma_semaphore, #tpu.memory_space<semaphore_mem>>) src(%dma_wait3A_24 : memref<12288x1024xf32, #tpu.memory_space<hbm>>) dst(%arg9 : memref<32x1024xf32, #tpu.memory_space<vmem>>)
      %dma_wait3A_25 = arith.constant 0 : i32
      %dma_wait3A_26 = tpu.memref_slice %arg8[%scan3A_7, %dma_wait3A_25] : memref<4x32xi32, #tpu.memory_space<vmem>> -> memref<1x32xi32, #tpu.memory_space<vmem>>
      %dma_wait3A_27 = tpu.memref_squeeze %dma_wait3A_26 : memref<1x32xi32, #tpu.memory_space<vmem>> -> memref<32xi32, #tpu.memory_space<vmem>>
      %dma_wait3A_28 = arith.constant 0 : i32
      %dma_wait3A_29 = arith.constant 0 : i32
      %dma_wait3A_30 = tpu.memref_slice %arg4[%dma_wait3A_28, %dma_wait3A_29] : memref<12288x1024xf32, #tpu.memory_space<hbm>> -> memref<12288x1024xf32, #tpu.memory_space<hbm>>
      tpu.wait_indirect_dma semaphore(%arg12 : memref<!tpu.dma_semaphore, #tpu.memory_space<semaphore_mem>>) src(%dma_wait3A_30 : memref<12288x1024xf32, #tpu.memory_space<hbm>>) dst(%arg10 : memref<32x1024xf32, #tpu.memory_space<vmem>>)
      %mul3A_31 = arith.constant 128 : i32
      %mul3A_32 = arith.muli %add3A, %mul3A_31 : i32
      %mul3A_33 = arith.constant 32 : i32
      %mul3A_34 = arith.muli %scan3A_7, %mul3A_33 : i32
      %add3A_35 = arith.addi %mul3A_32, %mul3A_34 : i32
      "tpu.region"() ({
        %run_scoped3A = tpu.sem_alloc : memref<!tpu.dma_semaphore, #tpu.memory_space<semaphore_mem>>
        %dma_start3A_37 = arith.constant 0 : i32
        %dma_start3A_38 = tpu.memref_slice %arg5[%add3A_35, %dma_start3A_37] : memref<4096x1024xf32, #tpu.memory_space<hbm>> -> memref<32x1024xf32, #tpu.memory_space<hbm>>
        %dma_start3A_39 = arith.constant 0 : i32
        %dma_start3A_40 = tpu.memref_slice %arg5[%add3A_35, %dma_start3A_39] : memref<4096x1024xf32, #tpu.memory_space<hbm>> -> memref<32x1024xf32, #tpu.memory_space<hbm>>
        tpu.enqueue_dma source(%arg9 : memref<32x1024xf32, #tpu.memory_space<vmem>>) target(%dma_start3A_40 : memref<32x1024xf32, #tpu.memory_space<hbm>>) target_semaphore(%run_scoped3A : memref<!tpu.dma_semaphore, #tpu.memory_space<semaphore_mem>>)
        %dma_wait3A_41 = arith.constant 0 : i32
        %dma_wait3A_42 = tpu.memref_slice %arg5[%add3A_35, %dma_wait3A_41] : memref<4096x1024xf32, #tpu.memory_space<hbm>> -> memref<32x1024xf32, #tpu.memory_space<hbm>>
        %dma_wait3A_43 = arith.constant 0 : i32
        %dma_wait3A_44 = tpu.memref_slice %arg5[%add3A_35, %dma_wait3A_43] : memref<4096x1024xf32, #tpu.memory_space<hbm>> -> memref<32x1024xf32, #tpu.memory_space<hbm>>
        tpu.wait_dma2 semaphore(%run_scoped3A : memref<!tpu.dma_semaphore, #tpu.memory_space<semaphore_mem>>) src(%arg9 : memref<32x1024xf32, #tpu.memory_space<vmem>>) dst(%dma_wait3A_44 : memref<32x1024xf32, #tpu.memory_space<hbm>>)
        tpu.yield
      }) : () -> ()
      "tpu.region"() ({
        %run_scoped3A = tpu.sem_alloc : memref<!tpu.dma_semaphore, #tpu.memory_space<semaphore_mem>>
        %dma_start3A_37 = arith.constant 0 : i32
        %dma_start3A_38 = tpu.memref_slice %arg6[%add3A_35, %dma_start3A_37] : memref<4096x1024xf32, #tpu.memory_space<hbm>> -> memref<32x1024xf32, #tpu.memory_space<hbm>>
        %dma_start3A_39 = arith.constant 0 : i32
        %dma_start3A_40 = tpu.memref_slice %arg6[%add3A_35, %dma_start3A_39] : memref<4096x1024xf32, #tpu.memory_space<hbm>> -> memref<32x1024xf32, #tpu.memory_space<hbm>>
        tpu.enqueue_dma source(%arg10 : memref<32x1024xf32, #tpu.memory_space<vmem>>) target(%dma_start3A_40 : memref<32x1024xf32, #tpu.memory_space<hbm>>) target_semaphore(%run_scoped3A : memref<!tpu.dma_semaphore, #tpu.memory_space<semaphore_mem>>)
        %dma_wait3A_41 = arith.constant 0 : i32
        %dma_wait3A_42 = tpu.memref_slice %arg6[%add3A_35, %dma_wait3A_41] : memref<4096x1024xf32, #tpu.memory_space<hbm>> -> memref<32x1024xf32, #tpu.memory_space<hbm>>
        %dma_wait3A_43 = arith.constant 0 : i32
        %dma_wait3A_44 = tpu.memref_slice %arg6[%add3A_35, %dma_wait3A_43] : memref<4096x1024xf32, #tpu.memory_space<hbm>> -> memref<32x1024xf32, #tpu.memory_space<hbm>>
        tpu.wait_dma2 semaphore(%run_scoped3A : memref<!tpu.dma_semaphore, #tpu.memory_space<semaphore_mem>>) src(%arg10 : memref<32x1024xf32, #tpu.memory_space<vmem>>) dst(%dma_wait3A_44 : memref<32x1024xf32, #tpu.memory_space<hbm>>)
        tpu.yield
      }) : () -> ()
      %scan3A_36 = arith.constant 0 : i32
      scf.yield %scan3A_36 : i32
    }
    %scan3A_6 = arith.constant 4 : i32
    return
  }
}

#map = affine_map<(d0, d1) -> (0)>
module attributes {stable_mosaic.version = 14 : i64} {
  func.func @_sc_scatter_kernel(%arg0: i32, %arg1: i32, %arg2: memref<8192xi32, #tpu.memory_space<hbm>>, %arg3: memref<8192xi32, #tpu.memory_space<hbm>>, %arg4: memref<8192xf32, #tpu.memory_space<hbm>>, %arg5: memref<12288xi32, #tpu.memory_space<hbm>>, %arg6: memref<12288xf32, #tpu.memory_space<hbm>>, %arg7: memref<8192xi32, #tpu.memory_space<vmem>>, %arg8: memref<8192xi32, #tpu.memory_space<vmem>>, %arg9: memref<8192xf32, #tpu.memory_space<vmem>>, %arg10: memref<12288xi32, #tpu.memory_space<vmem>>, %arg11: memref<12288xf32, #tpu.memory_space<vmem>>) attributes {dimension_semantics = [#tpu.dimension_semantics<core_parallel>, #tpu.dimension_semantics<subcore_parallel>], iteration_bounds = array<i64: 2, 16>, scalar_prefetch = 0 : i64, scratch_operands = 5 : i64, tpu.core_type = #tpu.core_type<sc_vector_subcore>, window_params = [{transform_indices = #map}, {transform_indices = #map}, {transform_indices = #map}, {transform_indices = #map}, {transform_indices = #map}]} {
    %mul3A = arith.constant 2 : i32
    %mul3A_0 = arith.muli %arg1, %mul3A : i32
    %add3A = arith.addi %mul3A_0, %arg0 : i32
    %eq3A = arith.constant 0 : i32
    %eq3A_1 = arith.cmpi eq, %add3A, %eq3A : i32
    %convert_element_type3A = arith.extui %eq3A_1 : i1 to i32
    %cond3A = arith.constant 0 : i32
    %cond3A_2 = arith.cmpi ne, %convert_element_type3A, %cond3A : i32
    scf.if %cond3A_2 {
      "tpu.region"() ({
        %run_scoped3A = tpu.sem_alloc : memref<!tpu.dma_semaphore, #tpu.memory_space<semaphore_mem>>
        tpu.enqueue_dma source(%arg2 : memref<8192xi32, #tpu.memory_space<hbm>>) target(%arg7 : memref<8192xi32, #tpu.memory_space<vmem>>) target_semaphore(%run_scoped3A : memref<!tpu.dma_semaphore, #tpu.memory_space<semaphore_mem>>)
        tpu.wait_dma2 semaphore(%run_scoped3A : memref<!tpu.dma_semaphore, #tpu.memory_space<semaphore_mem>>) src(%arg2 : memref<8192xi32, #tpu.memory_space<hbm>>) dst(%arg7 : memref<8192xi32, #tpu.memory_space<vmem>>)
        tpu.yield
      }) : () -> ()
      "tpu.region"() ({
        %run_scoped3A = tpu.sem_alloc : memref<!tpu.dma_semaphore, #tpu.memory_space<semaphore_mem>>
        tpu.enqueue_dma source(%arg3 : memref<8192xi32, #tpu.memory_space<hbm>>) target(%arg8 : memref<8192xi32, #tpu.memory_space<vmem>>) target_semaphore(%run_scoped3A : memref<!tpu.dma_semaphore, #tpu.memory_space<semaphore_mem>>)
        tpu.wait_dma2 semaphore(%run_scoped3A : memref<!tpu.dma_semaphore, #tpu.memory_space<semaphore_mem>>) src(%arg3 : memref<8192xi32, #tpu.memory_space<hbm>>) dst(%arg8 : memref<8192xi32, #tpu.memory_space<vmem>>)
        tpu.yield
      }) : () -> ()
      "tpu.region"() ({
        %run_scoped3A = tpu.sem_alloc : memref<!tpu.dma_semaphore, #tpu.memory_space<semaphore_mem>>
        tpu.enqueue_dma source(%arg4 : memref<8192xf32, #tpu.memory_space<hbm>>) target(%arg9 : memref<8192xf32, #tpu.memory_space<vmem>>) target_semaphore(%run_scoped3A : memref<!tpu.dma_semaphore, #tpu.memory_space<semaphore_mem>>)
        tpu.wait_dma2 semaphore(%run_scoped3A : memref<!tpu.dma_semaphore, #tpu.memory_space<semaphore_mem>>) src(%arg4 : memref<8192xf32, #tpu.memory_space<hbm>>) dst(%arg9 : memref<8192xf32, #tpu.memory_space<vmem>>)
        tpu.yield
      }) : () -> ()
      %scan3A = arith.constant 0 : i32
      %scan3A_3 = arith.constant 0 : i32
      %scan3A_4 = arith.constant 768 : i32
      %scan3A_5 = arith.addi %scan3A_3, %scan3A_4 : i32
      %scan3A_6 = arith.constant 1 : i32
      %scan3A_7 = scf.for %scan3A_16 = %scan3A_3 to %scan3A_5 step %scan3A_6 iter_args(%scan3A_17 = %scan3A) -> (i32)  : i32 {
        %mul3A_18 = arith.constant 16 : i32
        %mul3A_19 = arith.muli %scan3A_16, %mul3A_18 : i32
        %iota3A = tpu.iota {dimensions = array<i32: 0>} : vector<16xi32>
        %add3A_20 = vector.broadcast %mul3A_19 : i32 to vector<16xi32>
        %add3A_21 = arith.addi %add3A_20, %iota3A : vector<16xi32>
        %and3A = arith.constant 4095 : i32
        %and3A_22 = vector.broadcast %and3A : i32 to vector<16xi32>
        %and3A_23 = arith.andi %add3A_21, %and3A_22 : vector<16xi32>
        %mul3A_24 = arith.constant 16 : i32
        %mul3A_25 = arith.muli %scan3A_16, %mul3A_24 : i32
        %swap3A = arith.index_cast %mul3A_25 : i32 to index
        %swap3A_26 = tpu.vector_load %arg10[%swap3A] {strides = array<i32>} : memref<12288xi32, #tpu.memory_space<vmem>>, vector<16xi32>,
        tpu.vector_store %arg10[%swap3A], %and3A_23 {strides = array<i32>} : memref<12288xi32, #tpu.memory_space<vmem>>, vector<16xi32>,
        %broadcast_in_dim3A = arith.constant 0.000000e+00 : f32
        %broadcast_in_dim3A_27 = vector.broadcast %broadcast_in_dim3A : f32 to vector<16xf32>
        %mul3A_28 = arith.constant 16 : i32
        %mul3A_29 = arith.muli %scan3A_16, %mul3A_28 : i32
        %swap3A_30 = arith.index_cast %mul3A_29 : i32 to index
        %swap3A_31 = tpu.vector_load %arg11[%swap3A_30] {strides = array<i32>} : memref<12288xf32, #tpu.memory_space<vmem>>, vector<16xf32>,
        tpu.vector_store %arg11[%swap3A_30], %broadcast_in_dim3A_27 {strides = array<i32>} : memref<12288xf32, #tpu.memory_space<vmem>>, vector<16xf32>,
        %scan3A_32 = arith.constant 0 : i32
        scf.yield %scan3A_32 : i32
      }
      %scan3A_8 = arith.constant 768 : i32
      %scan3A_9 = arith.constant 0 : i32
      %scan3A_10 = arith.constant 0 : i32
      %scan3A_11 = arith.constant 512 : i32
      %scan3A_12 = arith.addi %scan3A_10, %scan3A_11 : i32
      %scan3A_13 = arith.constant 1 : i32
      %scan3A_14 = scf.for %scan3A_16 = %scan3A_10 to %scan3A_12 step %scan3A_13 iter_args(%scan3A_17 = %scan3A_9) -> (i32)  : i32 {
        %mul3A_18 = arith.constant 16 : i32
        %mul3A_19 = arith.muli %scan3A_16, %mul3A_18 : i32
        %get3A = arith.index_cast %mul3A_19 : i32 to index
        %get3A_20 = tpu.vector_load %arg7[%get3A] {strides = array<i32>} : memref<8192xi32, #tpu.memory_space<vmem>>, vector<16xi32>,
        %mul3A_21 = arith.constant 16 : i32
        %mul3A_22 = arith.muli %scan3A_16, %mul3A_21 : i32
        %get3A_23 = arith.index_cast %mul3A_22 : i32 to index
        %get3A_24 = tpu.vector_load %arg8[%get3A_23] {strides = array<i32>} : memref<8192xi32, #tpu.memory_space<vmem>>, vector<16xi32>,
        tpu.vector_store_idx %arg10[%get3A_20], %get3A_24 : memref<12288xi32, #tpu.memory_space<vmem>>[vector<16xi32>], vector<16xi32>,
        %mul3A_25 = arith.constant 16 : i32
        %mul3A_26 = arith.muli %scan3A_16, %mul3A_25 : i32
        %get3A_27 = arith.index_cast %mul3A_26 : i32 to index
        %get3A_28 = tpu.vector_load %arg9[%get3A_27] {strides = array<i32>} : memref<8192xf32, #tpu.memory_space<vmem>>, vector<16xf32>,
        tpu.vector_store_idx %arg11[%get3A_20], %get3A_28 : memref<12288xf32, #tpu.memory_space<vmem>>[vector<16xi32>], vector<16xf32>,
        %scan3A_29 = arith.constant 0 : i32
        scf.yield %scan3A_29 : i32
      }
      %scan3A_15 = arith.constant 512 : i32
      "tpu.region"() ({
        %run_scoped3A = tpu.sem_alloc : memref<!tpu.dma_semaphore, #tpu.memory_space<semaphore_mem>>
        tpu.enqueue_dma source(%arg10 : memref<12288xi32, #tpu.memory_space<vmem>>) target(%arg5 : memref<12288xi32, #tpu.memory_space<hbm>>) target_semaphore(%run_scoped3A : memref<!tpu.dma_semaphore, #tpu.memory_space<semaphore_mem>>)
        tpu.wait_dma2 semaphore(%run_scoped3A : memref<!tpu.dma_semaphore, #tpu.memory_space<semaphore_mem>>) src(%arg10 : memref<12288xi32, #tpu.memory_space<vmem>>) dst(%arg5 : memref<12288xi32, #tpu.memory_space<hbm>>)
        tpu.yield
      }) : () -> ()
      "tpu.region"() ({
        %run_scoped3A = tpu.sem_alloc : memref<!tpu.dma_semaphore, #tpu.memory_space<semaphore_mem>>
        tpu.enqueue_dma source(%arg11 : memref<12288xf32, #tpu.memory_space<vmem>>) target(%arg6 : memref<12288xf32, #tpu.memory_space<hbm>>) target_semaphore(%run_scoped3A : memref<!tpu.dma_semaphore, #tpu.memory_space<semaphore_mem>>)
        tpu.wait_dma2 semaphore(%run_scoped3A : memref<!tpu.dma_semaphore, #tpu.memory_space<semaphore_mem>>) src(%arg11 : memref<12288xf32, #tpu.memory_space<vmem>>) dst(%arg6 : memref<12288xf32, #tpu.memory_space<hbm>>)
        tpu.yield
      }) : () -> ()
    } else {
    }
    return
  }
}

#map = affine_map<(d0, d1) -> (0, 0, 0)>
#map1 = affine_map<(d0, d1) -> (0, 0)>
module attributes {stable_mosaic.version = 14 : i64} {
  func.func @_sc_gather_kernel(%arg0: i32, %arg1: i32, %arg2: memref<32x12x32xi32, #tpu.memory_space<hbm>>, %arg3: memref<4096x1024xf32, #tpu.memory_space<hbm>>, %arg4: memref<12288x1024xf32, #tpu.memory_space<hbm>>, %arg5: memref<12x32xi32, #tpu.memory_space<vmem>>, %arg6: memref<32x1024xf32, #tpu.memory_space<vmem>>, %arg7: memref<32x1024xf32, #tpu.memory_space<vmem>>, %arg8: memref<!tpu.dma_semaphore, #tpu.memory_space<semaphore_mem>>, %arg9: memref<!tpu.dma_semaphore, #tpu.memory_space<semaphore_mem>>) attributes {dimension_semantics = [#tpu.dimension_semantics<core_parallel>, #tpu.dimension_semantics<subcore_parallel>], iteration_bounds = array<i64: 2, 16>, scalar_prefetch = 0 : i64, scratch_operands = 5 : i64, tpu.core_type = #tpu.core_type<sc_vector_subcore>, window_params = [{transform_indices = #map}, {transform_indices = #map1}, {transform_indices = #map1}]} {
    %mul3A = arith.constant 2 : i32
    %mul3A_0 = arith.muli %arg1, %mul3A : i32
    %add3A = arith.addi %mul3A_0, %arg0 : i32
    "tpu.region"() ({
      %run_scoped3A = tpu.sem_alloc : memref<!tpu.dma_semaphore, #tpu.memory_space<semaphore_mem>>
      %dma_start3A = arith.constant 0 : i32
      %dma_start3A_7 = arith.constant 0 : i32
      %dma_start3A_8 = tpu.memref_slice %arg2[%add3A, %dma_start3A, %dma_start3A_7] : memref<32x12x32xi32, #tpu.memory_space<hbm>> -> memref<1x12x32xi32, #tpu.memory_space<hbm>>
      %dma_start3A_9 = tpu.memref_squeeze %dma_start3A_8 : memref<1x12x32xi32, #tpu.memory_space<hbm>> -> memref<12x32xi32, #tpu.memory_space<hbm>>
      %dma_start3A_10 = arith.constant 0 : i32
      %dma_start3A_11 = arith.constant 0 : i32
      %dma_start3A_12 = tpu.memref_slice %arg2[%add3A, %dma_start3A_10, %dma_start3A_11] : memref<32x12x32xi32, #tpu.memory_space<hbm>> -> memref<1x12x32xi32, #tpu.memory_space<hbm>>
      %dma_start3A_13 = tpu.memref_squeeze %dma_start3A_12 : memref<1x12x32xi32, #tpu.memory_space<hbm>> -> memref<12x32xi32, #tpu.memory_space<hbm>>
      tpu.enqueue_dma source(%dma_start3A_13 : memref<12x32xi32, #tpu.memory_space<hbm>>) target(%arg5 : memref<12x32xi32, #tpu.memory_space<vmem>>) target_semaphore(%run_scoped3A : memref<!tpu.dma_semaphore, #tpu.memory_space<semaphore_mem>>)
      %dma_wait3A = arith.constant 0 : i32
      %dma_wait3A_14 = arith.constant 0 : i32
      %dma_wait3A_15 = tpu.memref_slice %arg2[%add3A, %dma_wait3A, %dma_wait3A_14] : memref<32x12x32xi32, #tpu.memory_space<hbm>> -> memref<1x12x32xi32, #tpu.memory_space<hbm>>
      %dma_wait3A_16 = tpu.memref_squeeze %dma_wait3A_15 : memref<1x12x32xi32, #tpu.memory_space<hbm>> -> memref<12x32xi32, #tpu.memory_space<hbm>>
      %dma_wait3A_17 = arith.constant 0 : i32
      %dma_wait3A_18 = arith.constant 0 : i32
      %dma_wait3A_19 = tpu.memref_slice %arg2[%add3A, %dma_wait3A_17, %dma_wait3A_18] : memref<32x12x32xi32, #tpu.memory_space<hbm>> -> memref<1x12x32xi32, #tpu.memory_space<hbm>>
      %dma_wait3A_20 = tpu.memref_squeeze %dma_wait3A_19 : memref<1x12x32xi32, #tpu.memory_space<hbm>> -> memref<12x32xi32, #tpu.memory_space<hbm>>
      tpu.wait_dma2 semaphore(%run_scoped3A : memref<!tpu.dma_semaphore, #tpu.memory_space<semaphore_mem>>) src(%dma_wait3A_20 : memref<12x32xi32, #tpu.memory_space<hbm>>) dst(%arg5 : memref<12x32xi32, #tpu.memory_space<vmem>>)
      tpu.yield
    }) : () -> ()
    %scan3A = arith.constant 0 : i32
    %scan3A_1 = arith.constant 0 : i32
    %scan3A_2 = arith.constant 6 : i32
    %scan3A_3 = arith.addi %scan3A_1, %scan3A_2 : i32
    %scan3A_4 = arith.constant 1 : i32
    %scan3A_5 = scf.for %scan3A_7 = %scan3A_1 to %scan3A_3 step %scan3A_4 iter_args(%scan3A_8 = %scan3A) -> (i32)  : i32 {
      %mul3A_9 = arith.constant 2 : i32
      %mul3A_10 = arith.muli %mul3A_9, %scan3A_7 : i32
      %dma_start3A = arith.constant 0 : i32
      %dma_start3A_11 = tpu.memref_slice %arg5[%mul3A_10, %dma_start3A] : memref<12x32xi32, #tpu.memory_space<vmem>> -> memref<1x32xi32, #tpu.memory_space<vmem>>
      %dma_start3A_12 = tpu.memref_squeeze %dma_start3A_11 : memref<1x32xi32, #tpu.memory_space<vmem>> -> memref<32xi32, #tpu.memory_space<vmem>>
      %dma_start3A_13 = arith.constant 0 : i32
      %dma_start3A_14 = arith.constant 0 : i32
      %dma_start3A_15 = tpu.memref_slice %arg3[%dma_start3A_13, %dma_start3A_14] : memref<4096x1024xf32, #tpu.memory_space<hbm>> -> memref<4096x1024xf32, #tpu.memory_space<hbm>>
      tpu.enqueue_indirect_dma source(%dma_start3A_15 : memref<4096x1024xf32, #tpu.memory_space<hbm>>) target(%arg6 : memref<32x1024xf32, #tpu.memory_space<vmem>>) offsets(%dma_start3A_12 : memref<32xi32, #tpu.memory_space<vmem>>) semaphore(%arg8 : memref<!tpu.dma_semaphore, #tpu.memory_space<semaphore_mem>>)
      %add3A_16 = arith.constant 1 : i32
      %add3A_17 = arith.addi %mul3A_10, %add3A_16 : i32
      %dma_start3A_18 = arith.constant 0 : i32
      %dma_start3A_19 = tpu.memref_slice %arg5[%add3A_17, %dma_start3A_18] : memref<12x32xi32, #tpu.memory_space<vmem>> -> memref<1x32xi32, #tpu.memory_space<vmem>>
      %dma_start3A_20 = tpu.memref_squeeze %dma_start3A_19 : memref<1x32xi32, #tpu.memory_space<vmem>> -> memref<32xi32, #tpu.memory_space<vmem>>
      %dma_start3A_21 = arith.constant 0 : i32
      %dma_start3A_22 = arith.constant 0 : i32
      %dma_start3A_23 = tpu.memref_slice %arg3[%dma_start3A_21, %dma_start3A_22] : memref<4096x1024xf32, #tpu.memory_space<hbm>> -> memref<4096x1024xf32, #tpu.memory_space<hbm>>
      tpu.enqueue_indirect_dma source(%dma_start3A_23 : memref<4096x1024xf32, #tpu.memory_space<hbm>>) target(%arg7 : memref<32x1024xf32, #tpu.memory_space<vmem>>) offsets(%dma_start3A_20 : memref<32xi32, #tpu.memory_space<vmem>>) semaphore(%arg9 : memref<!tpu.dma_semaphore, #tpu.memory_space<semaphore_mem>>)
      %dma_wait3A = arith.constant 0 : i32
      %dma_wait3A_24 = tpu.memref_slice %arg5[%mul3A_10, %dma_wait3A] : memref<12x32xi32, #tpu.memory_space<vmem>> -> memref<1x32xi32, #tpu.memory_space<vmem>>
      %dma_wait3A_25 = tpu.memref_squeeze %dma_wait3A_24 : memref<1x32xi32, #tpu.memory_space<vmem>> -> memref<32xi32, #tpu.memory_space<vmem>>
      %dma_wait3A_26 = arith.constant 0 : i32
      %dma_wait3A_27 = arith.constant 0 : i32
      %dma_wait3A_28 = tpu.memref_slice %arg3[%dma_wait3A_26, %dma_wait3A_27] : memref<4096x1024xf32, #tpu.memory_space<hbm>> -> memref<4096x1024xf32, #tpu.memory_space<hbm>>
      tpu.wait_indirect_dma semaphore(%arg8 : memref<!tpu.dma_semaphore, #tpu.memory_space<semaphore_mem>>) src(%dma_wait3A_28 : memref<4096x1024xf32, #tpu.memory_space<hbm>>) dst(%arg6 : memref<32x1024xf32, #tpu.memory_space<vmem>>)
      %dma_wait3A_29 = arith.constant 0 : i32
      %dma_wait3A_30 = tpu.memref_slice %arg5[%add3A_17, %dma_wait3A_29] : memref<12x32xi32, #tpu.memory_space<vmem>> -> memref<1x32xi32, #tpu.memory_space<vmem>>
      %dma_wait3A_31 = tpu.memref_squeeze %dma_wait3A_30 : memref<1x32xi32, #tpu.memory_space<vmem>> -> memref<32xi32, #tpu.memory_space<vmem>>
      %dma_wait3A_32 = arith.constant 0 : i32
      %dma_wait3A_33 = arith.constant 0 : i32
      %dma_wait3A_34 = tpu.memref_slice %arg3[%dma_wait3A_32, %dma_wait3A_33] : memref<4096x1024xf32, #tpu.memory_space<hbm>> -> memref<4096x1024xf32, #tpu.memory_space<hbm>>
      tpu.wait_indirect_dma semaphore(%arg9 : memref<!tpu.dma_semaphore, #tpu.memory_space<semaphore_mem>>) src(%dma_wait3A_34 : memref<4096x1024xf32, #tpu.memory_space<hbm>>) dst(%arg7 : memref<32x1024xf32, #tpu.memory_space<vmem>>)
      %mul3A_35 = arith.constant 384 : i32
      %mul3A_36 = arith.muli %add3A, %mul3A_35 : i32
      %mul3A_37 = arith.constant 32 : i32
      %mul3A_38 = arith.muli %mul3A_10, %mul3A_37 : i32
      %add3A_39 = arith.addi %mul3A_36, %mul3A_38 : i32
      "tpu.region"() ({
        %run_scoped3A = tpu.sem_alloc : memref<!tpu.dma_semaphore, #tpu.memory_space<semaphore_mem>>
        %dma_start3A_43 = arith.constant 0 : i32
        %dma_start3A_44 = tpu.memref_slice %arg4[%add3A_39, %dma_start3A_43] : memref<12288x1024xf32, #tpu.memory_space<hbm>> -> memref<32x1024xf32, #tpu.memory_space<hbm>>
        %dma_start3A_45 = arith.constant 0 : i32
        %dma_start3A_46 = tpu.memref_slice %arg4[%add3A_39, %dma_start3A_45] : memref<12288x1024xf32, #tpu.memory_space<hbm>> -> memref<32x1024xf32, #tpu.memory_space<hbm>>
        tpu.enqueue_dma source(%arg6 : memref<32x1024xf32, #tpu.memory_space<vmem>>) target(%dma_start3A_46 : memref<32x1024xf32, #tpu.memory_space<hbm>>) target_semaphore(%run_scoped3A : memref<!tpu.dma_semaphore, #tpu.memory_space<semaphore_mem>>)
        %dma_wait3A_47 = arith.constant 0 : i32
        %dma_wait3A_48 = tpu.memref_slice %arg4[%add3A_39, %dma_wait3A_47] : memref<12288x1024xf32, #tpu.memory_space<hbm>> -> memref<32x1024xf32, #tpu.memory_space<hbm>>
        %dma_wait3A_49 = arith.constant 0 : i32
        %dma_wait3A_50 = tpu.memref_slice %arg4[%add3A_39, %dma_wait3A_49] : memref<12288x1024xf32, #tpu.memory_space<hbm>> -> memref<32x1024xf32, #tpu.memory_space<hbm>>
        tpu.wait_dma2 semaphore(%run_scoped3A : memref<!tpu.dma_semaphore, #tpu.memory_space<semaphore_mem>>) src(%arg6 : memref<32x1024xf32, #tpu.memory_space<vmem>>) dst(%dma_wait3A_50 : memref<32x1024xf32, #tpu.memory_space<hbm>>)
        tpu.yield
      }) : () -> ()
      %add3A_40 = arith.constant 32 : i32
      %add3A_41 = arith.addi %add3A_39, %add3A_40 : i32
      "tpu.region"() ({
        %run_scoped3A = tpu.sem_alloc : memref<!tpu.dma_semaphore, #tpu.memory_space<semaphore_mem>>
        %dma_start3A_43 = arith.constant 0 : i32
        %dma_start3A_44 = tpu.memref_slice %arg4[%add3A_41, %dma_start3A_43] : memref<12288x1024xf32, #tpu.memory_space<hbm>> -> memref<32x1024xf32, #tpu.memory_space<hbm>>
        %dma_start3A_45 = arith.constant 0 : i32
        %dma_start3A_46 = tpu.memref_slice %arg4[%add3A_41, %dma_start3A_45] : memref<12288x1024xf32, #tpu.memory_space<hbm>> -> memref<32x1024xf32, #tpu.memory_space<hbm>>
        tpu.enqueue_dma source(%arg7 : memref<32x1024xf32, #tpu.memory_space<vmem>>) target(%dma_start3A_46 : memref<32x1024xf32, #tpu.memory_space<hbm>>) target_semaphore(%run_scoped3A : memref<!tpu.dma_semaphore, #tpu.memory_space<semaphore_mem>>)
        %dma_wait3A_47 = arith.constant 0 : i32
        %dma_wait3A_48 = tpu.memref_slice %arg4[%add3A_41, %dma_wait3A_47] : memref<12288x1024xf32, #tpu.memory_space<hbm>> -> memref<32x1024xf32, #tpu.memory_space<hbm>>
        %dma_wait3A_49 = arith.constant 0 : i32
        %dma_wait3A_50 = tpu.memref_slice %arg4[%add3A_41, %dma_wait3A_49] : memref<12288x1024xf32, #tpu.memory_space<hbm>> -> memref<32x1024xf32, #tpu.memory_space<hbm>>
        tpu.wait_dma2 semaphore(%run_scoped3A : memref<!tpu.dma_semaphore, #tpu.memory_space<semaphore_mem>>) src(%arg7 : memref<32x1024xf32, #tpu.memory_space<vmem>>) dst(%dma_wait3A_50 : memref<32x1024xf32, #tpu.memory_space<hbm>>)
        tpu.yield
      }) : () -> ()
      %scan3A_42 = arith.constant 0 : i32
      scf.yield %scan3A_42 : i32
    }
    %scan3A_6 = arith.constant 6 : i32
    return
  }
}

module attributes {stable_mosaic.version = 14 : i64} {
  func.func @_qkv_kernel(%arg0: i32, %arg1: i32, %arg2: memref<1x256x1024xf32, #tpu.memory_space<vmem>>, %arg3: memref<1x1024xf32, #tpu.memory_space<vmem>>, %arg4: memref<1024x1024xbf16, #tpu.memory_space<vmem>>, %arg5: memref<1024x1024xbf16, #tpu.memory_space<vmem>>, %arg6: memref<1024x1024xbf16, #tpu.memory_space<vmem>>, %arg7: memref<1x1024xf32, #tpu.memory_space<vmem>>, %arg8: memref<1x1024xf32, #tpu.memory_space<vmem>>, %arg9: memref<1024x16xf32, #tpu.memory_space<vmem>>, %arg10: memref<16x1024xf32, #tpu.memory_space<vmem>>, %arg11: memref<1x16x256x64xbf16, #tpu.memory_space<vmem>>, %arg12: memref<1x16x256x64xbf16, #tpu.memory_space<vmem>>, %arg13: memref<1x16x256x64xbf16, #tpu.memory_space<vmem>>) attributes {dimension_semantics = [#tpu.dimension_semantics<arbitrary>, #tpu.dimension_semantics<arbitrary>], iteration_bounds = array<i64: 2, 8>, scalar_prefetch = 0 : i64, scratch_operands = 0 : i64, tpu.core_type = #tpu.core_type<tc>, window_params = [{transform_indices = @transform_0, window_bounds = array<i64: 1, 256, 1024>}, {pipeline_mode = #tpu.pipeline_mode<synchronous>, transform_indices = @transform_1, window_bounds = array<i64: 1, 1024>}, {pipeline_mode = #tpu.pipeline_mode<synchronous>, transform_indices = @transform_2, window_bounds = array<i64: 1024, 1024>}, {pipeline_mode = #tpu.pipeline_mode<synchronous>, transform_indices = @transform_3, window_bounds = array<i64: 1024, 1024>}, {pipeline_mode = #tpu.pipeline_mode<synchronous>, transform_indices = @transform_4, window_bounds = array<i64: 1024, 1024>}, {pipeline_mode = #tpu.pipeline_mode<synchronous>, transform_indices = @transform_5, window_bounds = array<i64: 1, 1024>}, {pipeline_mode = #tpu.pipeline_mode<synchronous>, transform_indices = @transform_6, window_bounds = array<i64: 1, 1024>}, {pipeline_mode = #tpu.pipeline_mode<synchronous>, transform_indices = @transform_7, window_bounds = array<i64: 1024, 16>}, {pipeline_mode = #tpu.pipeline_mode<synchronous>, transform_indices = @transform_8, window_bounds = array<i64: 16, 1024>}, {transform_indices = @transform_9, window_bounds = array<i64: 1, 16, 256, 64>}, {transform_indices = @transform_10, window_bounds = array<i64: 1, 16, 256, 64>}, {transform_indices = @transform_11, window_bounds = array<i64: 1, 16, 256, 64>}]} {
    %get3A = arith.constant 0 : index
    %get3A_0 = arith.constant 0 : index
    %get3A_1 = arith.constant 0 : index
    %get3A_2 = vector.load %arg2[%get3A, %get3A_0, %get3A_1] : memref<1x256x1024xf32, #tpu.memory_space<vmem>>, vector<1x256x1024xf32>
    %get3A_3 = vector.shape_cast %get3A_2 : vector<1x256x1024xf32> to vector<256x1024xf32>
    %get3A_4 = arith.constant 0 : index
    %get3A_5 = arith.constant 0 : index
    %get3A_6 = vector.load %arg3[%get3A_4, %get3A_5] : memref<1x1024xf32, #tpu.memory_space<vmem>>, vector<1x1024xf32>
    %mul3A = arith.mulf %get3A_3, %get3A_3 : vector<256x1024xf32>
    %reduce_sum3A = arith.constant dense<0.000000e+00> : vector<256xf32>
    %reduce_sum3A_7 = vector.multi_reduction <add>, %mul3A, %reduce_sum3A [1] : vector<256x1024xf32> to vector<256xf32>
    %broadcast_in_dim3A = vector.shape_cast %reduce_sum3A_7 : vector<256xf32> to vector<256x1xf32>
    %div3A = arith.constant 1.024000e+03 : f32
    %div3A_8 = vector.broadcast %div3A : f32 to vector<256x1xf32>
    %div3A_9 = arith.divf %broadcast_in_dim3A, %div3A_8 : vector<256x1xf32>
    %add3A = arith.constant 9.99999997E-7 : f32
    %add3A_10 = vector.broadcast %add3A : f32 to vector<256x1xf32>
    %add3A_11 = arith.addf %div3A_9, %add3A_10 : vector<256x1xf32>
    %rsqrt3A = math.rsqrt %add3A_11 : vector<256x1xf32>
    %mul3A_12 = vector.broadcast %rsqrt3A : vector<256x1xf32> to vector<256x1024xf32>
    %mul3A_13 = arith.mulf %get3A_3, %mul3A_12 : vector<256x1024xf32>
    %mul3A_14 = vector.broadcast %get3A_6 : vector<1x1024xf32> to vector<256x1024xf32>
    %mul3A_15 = arith.mulf %mul3A_14, %mul3A_13 : vector<256x1024xf32>
    %convert_element_type3A = arith.truncf %mul3A_15 : vector<256x1024xf32> to vector<256x1024xbf16>
    %get3A_16 = arith.constant 0 : index
    %get3A_17 = arith.constant 0 : index
    %get3A_18 = vector.load %arg4[%get3A_16, %get3A_17] : memref<1024x1024xbf16, #tpu.memory_space<vmem>>, vector<1024x1024xbf16>
    %dot_general3A = arith.constant dense<0.000000e+00> : vector<256x1024xf32>
    %dot_general3A_19 = tpu.matmul %convert_element_type3A, %get3A_18, %dot_general3A {dimension_numbers = #tpu.dot_dimension_numbers<[1], [1], [0], [0], [0, 0, 1, 0], [], []>, transpose_lhs_hint = false} : vector<256x1024xbf16>, vector<1024x1024xbf16>, vector<256x1024xf32> -> vector<256x1024xf32>
    %get3A_20 = arith.constant 0 : index
    %get3A_21 = arith.constant 0 : index
    %get3A_22 = vector.load %arg5[%get3A_20, %get3A_21] : memref<1024x1024xbf16, #tpu.memory_space<vmem>>, vector<1024x1024xbf16>
    %dot_general3A_23 = arith.constant dense<0.000000e+00> : vector<256x1024xf32>
    %dot_general3A_24 = tpu.matmul %convert_element_type3A, %get3A_22, %dot_general3A_23 {dimension_numbers = #tpu.dot_dimension_numbers<[1], [1], [0], [0], [0, 0, 1, 0], [], []>, transpose_lhs_hint = false} : vector<256x1024xbf16>, vector<1024x1024xbf16>, vector<256x1024xf32> -> vector<256x1024xf32>
    %get3A_25 = arith.constant 0 : index
    %get3A_26 = arith.constant 0 : index
    %get3A_27 = vector.load %arg6[%get3A_25, %get3A_26] : memref<1024x1024xbf16, #tpu.memory_space<vmem>>, vector<1024x1024xbf16>
    %dot_general3A_28 = arith.constant dense<0.000000e+00> : vector<256x1024xf32>
    %dot_general3A_29 = tpu.matmul %convert_element_type3A, %get3A_27, %dot_general3A_28 {dimension_numbers = #tpu.dot_dimension_numbers<[1], [1], [0], [0], [0, 0, 1, 0], [], []>, transpose_lhs_hint = false} : vector<256x1024xbf16>, vector<1024x1024xbf16>, vector<256x1024xf32> -> vector<256x1024xf32>
    %mul3A_30 = arith.constant 256 : i32
    %mul3A_31 = arith.muli %arg1, %mul3A_30 : i32
    %iota3A = tpu.iota {dimensions = array<i32: 0>} : vector<256x1xi32>
    %convert_element_type3A_32 = arith.sitofp %iota3A : vector<256x1xi32> to vector<256x1xf32>
    %convert_element_type3A_33 = arith.sitofp %mul3A_31 : i32 to f32
    %add3A_34 = vector.broadcast %convert_element_type3A_33 : f32 to vector<256x1xf32>
    %add3A_35 = arith.addf %add3A_34, %convert_element_type3A_32 : vector<256x1xf32>
    %iota3A_36 = tpu.iota {dimensions = array<i32: 1>} : vector<1x1024xi32>
    %and3A = arith.constant 31 : i32
    %and3A_37 = vector.broadcast %and3A : i32 to vector<1x1024xi32>
    %and3A_38 = arith.andi %iota3A_36, %and3A_37 : vector<1x1024xi32>
    %convert_element_type3A_39 = arith.sitofp %and3A_38 : vector<1x1024xi32> to vector<1x1024xf32>
    %mul3A_40 = arith.constant -0.287823141 : f32
    %mul3A_41 = vector.broadcast %mul3A_40 : f32 to vector<1x1024xf32>
    %mul3A_42 = arith.mulf %mul3A_41, %convert_element_type3A_39 : vector<1x1024xf32>
    %exp3A = math.exp %mul3A_42 : vector<1x1024xf32>
    %mul3A_43 = vector.broadcast %add3A_35 : vector<256x1xf32> to vector<256x1024xf32>
    %mul3A_44 = vector.broadcast %exp3A : vector<1x1024xf32> to vector<256x1024xf32>
    %mul3A_45 = arith.mulf %mul3A_43, %mul3A_44 : vector<256x1024xf32>
    %cos3A = math.cos %mul3A_45 : vector<256x1024xf32>
    %sin3A = math.sin %mul3A_45 : vector<256x1024xf32>
    %get3A_46 = arith.constant 0 : index
    %get3A_47 = arith.constant 0 : index
    %get3A_48 = vector.load %arg7[%get3A_46, %get3A_47] : memref<1x1024xf32, #tpu.memory_space<vmem>>, vector<1x1024xf32>
    %mul3A_49 = arith.mulf %dot_general3A_19, %dot_general3A_19 : vector<256x1024xf32>
    %get3A_50 = arith.constant 0 : index
    %get3A_51 = arith.constant 0 : index
    %get3A_52 = vector.load %arg9[%get3A_50, %get3A_51] : memref<1024x16xf32, #tpu.memory_space<vmem>>, vector<1024x16xf32>
    %dot_general3A_53 = arith.constant dense<0.000000e+00> : vector<256x16xf32>
    %dot_general3A_54 = tpu.matmul %mul3A_49, %get3A_52, %dot_general3A_53 {dimension_numbers = #tpu.dot_dimension_numbers<[1], [0], [0], [1], [0, 0, 1, 1], [], []>, precision = #tpu.contract_precision<fp32>, transpose_lhs_hint = false} : vector<256x1024xf32>, vector<1024x16xf32>, vector<256x16xf32> -> vector<256x16xf32>
    %mul3A_55 = arith.constant 1.562500e-02 : f32
    %mul3A_56 = vector.broadcast %mul3A_55 : f32 to vector<256x16xf32>
    %mul3A_57 = arith.mulf %dot_general3A_54, %mul3A_56 : vector<256x16xf32>
    %add3A_58 = arith.constant 9.99999997E-7 : f32
    %add3A_59 = vector.broadcast %add3A_58 : f32 to vector<256x16xf32>
    %add3A_60 = arith.addf %mul3A_57, %add3A_59 : vector<256x16xf32>
    %rsqrt3A_61 = math.rsqrt %add3A_60 : vector<256x16xf32>
    %get3A_62 = arith.constant 0 : index
    %get3A_63 = arith.constant 0 : index
    %get3A_64 = vector.load %arg10[%get3A_62, %get3A_63] : memref<16x1024xf32, #tpu.memory_space<vmem>>, vector<16x1024xf32>
    %dot_general3A_65 = arith.constant dense<0.000000e+00> : vector<256x1024xf32>
    %dot_general3A_66 = tpu.matmul %rsqrt3A_61, %get3A_64, %dot_general3A_65 {dimension_numbers = #tpu.dot_dimension_numbers<[1], [0], [0], [1], [0, 0, 1, 1], [], []>, precision = #tpu.contract_precision<fp32>, transpose_lhs_hint = false} : vector<256x16xf32>, vector<16x1024xf32>, vector<256x1024xf32> -> vector<256x1024xf32>
    %mul3A_67 = arith.mulf %dot_general3A_19, %dot_general3A_66 : vector<256x1024xf32>
    %mul3A_68 = vector.broadcast %get3A_48 : vector<1x1024xf32> to vector<256x1024xf32>
    %mul3A_69 = arith.mulf %mul3A_67, %mul3A_68 : vector<256x1024xf32>
    %mul3A_70 = arith.mulf %mul3A_69, %cos3A : vector<256x1024xf32>
    %slice3A = vector.extract_strided_slice %mul3A_69 {offsets = [0, 32], sizes = [256, 32], strides = [1, 1]} : vector<256x1024xf32> to vector<256x32xf32>
    %neg3A = arith.constant 0.000000e+00 : f32
    %neg3A_71 = vector.broadcast %neg3A : f32 to vector<256x32xf32>
    %neg3A_72 = arith.subf %neg3A_71, %slice3A : vector<256x32xf32>
    %slice3A_73 = vector.extract_strided_slice %mul3A_69 {offsets = [0, 0], sizes = [256, 32], strides = [1, 1]} : vector<256x1024xf32> to vector<256x32xf32>
    %slice3A_74 = vector.extract_strided_slice %mul3A_69 {offsets = [0, 96], sizes = [256, 32], strides = [1, 1]} : vector<256x1024xf32> to vector<256x32xf32>
    %neg3A_75 = arith.constant 0.000000e+00 : f32
    %neg3A_76 = vector.broadcast %neg3A_75 : f32 to vector<256x32xf32>
    %neg3A_77 = arith.subf %neg3A_76, %slice3A_74 : vector<256x32xf32>
    %slice3A_78 = vector.extract_strided_slice %mul3A_69 {offsets = [0, 64], sizes = [256, 32], strides = [1, 1]} : vector<256x1024xf32> to vector<256x32xf32>
    %slice3A_79 = vector.extract_strided_slice %mul3A_69 {offsets = [0, 160], sizes = [256, 32], strides = [1, 1]} : vector<256x1024xf32> to vector<256x32xf32>
    %neg3A_80 = arith.constant 0.000000e+00 : f32
    %neg3A_81 = vector.broadcast %neg3A_80 : f32 to vector<256x32xf32>
    %neg3A_82 = arith.subf %neg3A_81, %slice3A_79 : vector<256x32xf32>
    %slice3A_83 = vector.extract_strided_slice %mul3A_69 {offsets = [0, 128], sizes = [256, 32], strides = [1, 1]} : vector<256x1024xf32> to vector<256x32xf32>
    %slice3A_84 = vector.extract_strided_slice %mul3A_69 {offsets = [0, 224], sizes = [256, 32], strides = [1, 1]} : vector<256x1024xf32> to vector<256x32xf32>
    %neg3A_85 = arith.constant 0.000000e+00 : f32
    %neg3A_86 = vector.broadcast %neg3A_85 : f32 to vector<256x32xf32>
    %neg3A_87 = arith.subf %neg3A_86, %slice3A_84 : vector<256x32xf32>
    %slice3A_88 = vector.extract_strided_slice %mul3A_69 {offsets = [0, 192], sizes = [256, 32], strides = [1, 1]} : vector<256x1024xf32> to vector<256x32xf32>
    %slice3A_89 = vector.extract_strided_slice %mul3A_69 {offsets = [0, 288], sizes = [256, 32], strides = [1, 1]} : vector<256x1024xf32> to vector<256x32xf32>
    %neg3A_90 = arith.constant 0.000000e+00 : f32
    %neg3A_91 = vector.broadcast %neg3A_90 : f32 to vector<256x32xf32>
    %neg3A_92 = arith.subf %neg3A_91, %slice3A_89 : vector<256x32xf32>
    %slice3A_93 = vector.extract_strided_slice %mul3A_69 {offsets = [0, 256], sizes = [256, 32], strides = [1, 1]} : vector<256x1024xf32> to vector<256x32xf32>
    %slice3A_94 = vector.extract_strided_slice %mul3A_69 {offsets = [0, 352], sizes = [256, 32], strides = [1, 1]} : vector<256x1024xf32> to vector<256x32xf32>
    %neg3A_95 = arith.constant 0.000000e+00 : f32
    %neg3A_96 = vector.broadcast %neg3A_95 : f32 to vector<256x32xf32>
    %neg3A_97 = arith.subf %neg3A_96, %slice3A_94 : vector<256x32xf32>
    %slice3A_98 = vector.extract_strided_slice %mul3A_69 {offsets = [0, 320], sizes = [256, 32], strides = [1, 1]} : vector<256x1024xf32> to vector<256x32xf32>
    %slice3A_99 = vector.extract_strided_slice %mul3A_69 {offsets = [0, 416], sizes = [256, 32], strides = [1, 1]} : vector<256x1024xf32> to vector<256x32xf32>
    %neg3A_100 = arith.constant 0.000000e+00 : f32
    %neg3A_101 = vector.broadcast %neg3A_100 : f32 to vector<256x32xf32>
    %neg3A_102 = arith.subf %neg3A_101, %slice3A_99 : vector<256x32xf32>
    %slice3A_103 = vector.extract_strided_slice %mul3A_69 {offsets = [0, 384], sizes = [256, 32], strides = [1, 1]} : vector<256x1024xf32> to vector<256x32xf32>
    %slice3A_104 = vector.extract_strided_slice %mul3A_69 {offsets = [0, 480], sizes = [256, 32], strides = [1, 1]} : vector<256x1024xf32> to vector<256x32xf32>
    %neg3A_105 = arith.constant 0.000000e+00 : f32
    %neg3A_106 = vector.broadcast %neg3A_105 : f32 to vector<256x32xf32>
    %neg3A_107 = arith.subf %neg3A_106, %slice3A_104 : vector<256x32xf32>
    %slice3A_108 = vector.extract_strided_slice %mul3A_69 {offsets = [0, 448], sizes = [256, 32], strides = [1, 1]} : vector<256x1024xf32> to vector<256x32xf32>
    %slice3A_109 = vector.extract_strided_slice %mul3A_69 {offsets = [0, 544], sizes = [256, 32], strides = [1, 1]} : vector<256x1024xf32> to vector<256x32xf32>
    %neg3A_110 = arith.constant 0.000000e+00 : f32
    %neg3A_111 = vector.broadcast %neg3A_110 : f32 to vector<256x32xf32>
    %neg3A_112 = arith.subf %neg3A_111, %slice3A_109 : vector<256x32xf32>
    %slice3A_113 = vector.extract_strided_slice %mul3A_69 {offsets = [0, 512], sizes = [256, 32], strides = [1, 1]} : vector<256x1024xf32> to vector<256x32xf32>
    %slice3A_114 = vector.extract_strided_slice %mul3A_69 {offsets = [0, 608], sizes = [256, 32], strides = [1, 1]} : vector<256x1024xf32> to vector<256x32xf32>
    %neg3A_115 = arith.constant 0.000000e+00 : f32
    %neg3A_116 = vector.broadcast %neg3A_115 : f32 to vector<256x32xf32>
    %neg3A_117 = arith.subf %neg3A_116, %slice3A_114 : vector<256x32xf32>
    %slice3A_118 = vector.extract_strided_slice %mul3A_69 {offsets = [0, 576], sizes = [256, 32], strides = [1, 1]} : vector<256x1024xf32> to vector<256x32xf32>
    %slice3A_119 = vector.extract_strided_slice %mul3A_69 {offsets = [0, 672], sizes = [256, 32], strides = [1, 1]} : vector<256x1024xf32> to vector<256x32xf32>
    %neg3A_120 = arith.constant 0.000000e+00 : f32
    %neg3A_121 = vector.broadcast %neg3A_120 : f32 to vector<256x32xf32>
    %neg3A_122 = arith.subf %neg3A_121, %slice3A_119 : vector<256x32xf32>
    %slice3A_123 = vector.extract_strided_slice %mul3A_69 {offsets = [0, 640], sizes = [256, 32], strides = [1, 1]} : vector<256x1024xf32> to vector<256x32xf32>
    %slice3A_124 = vector.extract_strided_slice %mul3A_69 {offsets = [0, 736], sizes = [256, 32], strides = [1, 1]} : vector<256x1024xf32> to vector<256x32xf32>
    %neg3A_125 = arith.constant 0.000000e+00 : f32
    %neg3A_126 = vector.broadcast %neg3A_125 : f32 to vector<256x32xf32>
    %neg3A_127 = arith.subf %neg3A_126, %slice3A_124 : vector<256x32xf32>
    %slice3A_128 = vector.extract_strided_slice %mul3A_69 {offsets = [0, 704], sizes = [256, 32], strides = [1, 1]} : vector<256x1024xf32> to vector<256x32xf32>
    %slice3A_129 = vector.extract_strided_slice %mul3A_69 {offsets = [0, 800], sizes = [256, 32], strides = [1, 1]} : vector<256x1024xf32> to vector<256x32xf32>
    %neg3A_130 = arith.constant 0.000000e+00 : f32
    %neg3A_131 = vector.broadcast %neg3A_130 : f32 to vector<256x32xf32>
    %neg3A_132 = arith.subf %neg3A_131, %slice3A_129 : vector<256x32xf32>
    %slice3A_133 = vector.extract_strided_slice %mul3A_69 {offsets = [0, 768], sizes = [256, 32], strides = [1, 1]} : vector<256x1024xf32> to vector<256x32xf32>
    %slice3A_134 = vector.extract_strided_slice %mul3A_69 {offsets = [0, 864], sizes = [256, 32], strides = [1, 1]} : vector<256x1024xf32> to vector<256x32xf32>
    %neg3A_135 = arith.constant 0.000000e+00 : f32
    %neg3A_136 = vector.broadcast %neg3A_135 : f32 to vector<256x32xf32>
    %neg3A_137 = arith.subf %neg3A_136, %slice3A_134 : vector<256x32xf32>
    %slice3A_138 = vector.extract_strided_slice %mul3A_69 {offsets = [0, 832], sizes = [256, 32], strides = [1, 1]} : vector<256x1024xf32> to vector<256x32xf32>
    %slice3A_139 = vector.extract_strided_slice %mul3A_69 {offsets = [0, 928], sizes = [256, 32], strides = [1, 1]} : vector<256x1024xf32> to vector<256x32xf32>
    %neg3A_140 = arith.constant 0.000000e+00 : f32
    %neg3A_141 = vector.broadcast %neg3A_140 : f32 to vector<256x32xf32>
    %neg3A_142 = arith.subf %neg3A_141, %slice3A_139 : vector<256x32xf32>
    %slice3A_143 = vector.extract_strided_slice %mul3A_69 {offsets = [0, 896], sizes = [256, 32], strides = [1, 1]} : vector<256x1024xf32> to vector<256x32xf32>
    %slice3A_144 = vector.extract_strided_slice %mul3A_69 {offsets = [0, 992], sizes = [256, 32], strides = [1, 1]} : vector<256x1024xf32> to vector<256x32xf32>
    %neg3A_145 = arith.constant 0.000000e+00 : f32
    %neg3A_146 = vector.broadcast %neg3A_145 : f32 to vector<256x32xf32>
    %neg3A_147 = arith.subf %neg3A_146, %slice3A_144 : vector<256x32xf32>
    %slice3A_148 = vector.extract_strided_slice %mul3A_69 {offsets = [0, 960], sizes = [256, 32], strides = [1, 1]} : vector<256x1024xf32> to vector<256x32xf32>
    %concatenate3A = tpu.concatenate %neg3A_72, %slice3A_73, %neg3A_77, %slice3A_78, %neg3A_82, %slice3A_83, %neg3A_87, %slice3A_88, %neg3A_92, %slice3A_93, %neg3A_97, %slice3A_98, %neg3A_102, %slice3A_103, %neg3A_107, %slice3A_108, %neg3A_112, %slice3A_113, %neg3A_117, %slice3A_118, %neg3A_122, %slice3A_123, %neg3A_127, %slice3A_128, %neg3A_132, %slice3A_133, %neg3A_137, %slice3A_138, %neg3A_142, %slice3A_143, %neg3A_147, %slice3A_148 in 1 : vector<256x32xf32>, vector<256x32xf32>, vector<256x32xf32>, vector<256x32xf32>, vector<256x32xf32>, vector<256x32xf32>, vector<256x32xf32>, vector<256x32xf32>, vector<256x32xf32>, vector<256x32xf32>, vector<256x32xf32>, vector<256x32xf32>, vector<256x32xf32>, vector<256x32xf32>, vector<256x32xf32>, vector<256x32xf32>, vector<256x32xf32>, vector<256x32xf32>, vector<256x32xf32>, vector<256x32xf32>, vector<256x32xf32>, vector<256x32xf32>, vector<256x32xf32>, vector<256x32xf32>, vector<256x32xf32>, vector<256x32xf32>, vector<256x32xf32>, vector<256x32xf32>, vector<256x32xf32>, vector<256x32xf32>, vector<256x32xf32>, vector<256x32xf32> -> vector<256x1024xf32>
    %mul3A_149 = arith.mulf %concatenate3A, %sin3A : vector<256x1024xf32>
    %add3A_150 = arith.addf %mul3A_70, %mul3A_149 : vector<256x1024xf32>
    %get3A_151 = arith.constant 0 : index
    %get3A_152 = arith.constant 0 : index
    %get3A_153 = vector.load %arg8[%get3A_151, %get3A_152] : memref<1x1024xf32, #tpu.memory_space<vmem>>, vector<1x1024xf32>
    %mul3A_154 = arith.mulf %dot_general3A_24, %dot_general3A_24 : vector<256x1024xf32>
    %get3A_155 = arith.constant 0 : index
    %get3A_156 = arith.constant 0 : index
    %get3A_157 = vector.load %arg9[%get3A_155, %get3A_156] : memref<1024x16xf32, #tpu.memory_space<vmem>>, vector<1024x16xf32>
    %dot_general3A_158 = arith.constant dense<0.000000e+00> : vector<256x16xf32>
    %dot_general3A_159 = tpu.matmul %mul3A_154, %get3A_157, %dot_general3A_158 {dimension_numbers = #tpu.dot_dimension_numbers<[1], [0], [0], [1], [0, 0, 1, 1], [], []>, precision = #tpu.contract_precision<fp32>, transpose_lhs_hint = false} : vector<256x1024xf32>, vector<1024x16xf32>, vector<256x16xf32> -> vector<256x16xf32>
    %mul3A_160 = arith.constant 1.562500e-02 : f32
    %mul3A_161 = vector.broadcast %mul3A_160 : f32 to vector<256x16xf32>
    %mul3A_162 = arith.mulf %dot_general3A_159, %mul3A_161 : vector<256x16xf32>
    %add3A_163 = arith.constant 9.99999997E-7 : f32
    %add3A_164 = vector.broadcast %add3A_163 : f32 to vector<256x16xf32>
    %add3A_165 = arith.addf %mul3A_162, %add3A_164 : vector<256x16xf32>
    %rsqrt3A_166 = math.rsqrt %add3A_165 : vector<256x16xf32>
    %get3A_167 = arith.constant 0 : index
    %get3A_168 = arith.constant 0 : index
    %get3A_169 = vector.load %arg10[%get3A_167, %get3A_168] : memref<16x1024xf32, #tpu.memory_space<vmem>>, vector<16x1024xf32>
    %dot_general3A_170 = arith.constant dense<0.000000e+00> : vector<256x1024xf32>
    %dot_general3A_171 = tpu.matmul %rsqrt3A_166, %get3A_169, %dot_general3A_170 {dimension_numbers = #tpu.dot_dimension_numbers<[1], [0], [0], [1], [0, 0, 1, 1], [], []>, precision = #tpu.contract_precision<fp32>, transpose_lhs_hint = false} : vector<256x16xf32>, vector<16x1024xf32>, vector<256x1024xf32> -> vector<256x1024xf32>
    %mul3A_172 = arith.mulf %dot_general3A_24, %dot_general3A_171 : vector<256x1024xf32>
    %mul3A_173 = vector.broadcast %get3A_153 : vector<1x1024xf32> to vector<256x1024xf32>
    %mul3A_174 = arith.mulf %mul3A_172, %mul3A_173 : vector<256x1024xf32>
    %mul3A_175 = arith.mulf %mul3A_174, %cos3A : vector<256x1024xf32>
    %slice3A_176 = vector.extract_strided_slice %mul3A_174 {offsets = [0, 32], sizes = [256, 32], strides = [1, 1]} : vector<256x1024xf32> to vector<256x32xf32>
    %neg3A_177 = arith.constant 0.000000e+00 : f32
    %neg3A_178 = vector.broadcast %neg3A_177 : f32 to vector<256x32xf32>
    %neg3A_179 = arith.subf %neg3A_178, %slice3A_176 : vector<256x32xf32>
    %slice3A_180 = vector.extract_strided_slice %mul3A_174 {offsets = [0, 0], sizes = [256, 32], strides = [1, 1]} : vector<256x1024xf32> to vector<256x32xf32>
    %slice3A_181 = vector.extract_strided_slice %mul3A_174 {offsets = [0, 96], sizes = [256, 32], strides = [1, 1]} : vector<256x1024xf32> to vector<256x32xf32>
    %neg3A_182 = arith.constant 0.000000e+00 : f32
    %neg3A_183 = vector.broadcast %neg3A_182 : f32 to vector<256x32xf32>
    %neg3A_184 = arith.subf %neg3A_183, %slice3A_181 : vector<256x32xf32>
    %slice3A_185 = vector.extract_strided_slice %mul3A_174 {offsets = [0, 64], sizes = [256, 32], strides = [1, 1]} : vector<256x1024xf32> to vector<256x32xf32>
    %slice3A_186 = vector.extract_strided_slice %mul3A_174 {offsets = [0, 160], sizes = [256, 32], strides = [1, 1]} : vector<256x1024xf32> to vector<256x32xf32>
    %neg3A_187 = arith.constant 0.000000e+00 : f32
    %neg3A_188 = vector.broadcast %neg3A_187 : f32 to vector<256x32xf32>
    %neg3A_189 = arith.subf %neg3A_188, %slice3A_186 : vector<256x32xf32>
    %slice3A_190 = vector.extract_strided_slice %mul3A_174 {offsets = [0, 128], sizes = [256, 32], strides = [1, 1]} : vector<256x1024xf32> to vector<256x32xf32>
    %slice3A_191 = vector.extract_strided_slice %mul3A_174 {offsets = [0, 224], sizes = [256, 32], strides = [1, 1]} : vector<256x1024xf32> to vector<256x32xf32>
    %neg3A_192 = arith.constant 0.000000e+00 : f32
    %neg3A_193 = vector.broadcast %neg3A_192 : f32 to vector<256x32xf32>
    %neg3A_194 = arith.subf %neg3A_193, %slice3A_191 : vector<256x32xf32>
    %slice3A_195 = vector.extract_strided_slice %mul3A_174 {offsets = [0, 192], sizes = [256, 32], strides = [1, 1]} : vector<256x1024xf32> to vector<256x32xf32>
    %slice3A_196 = vector.extract_strided_slice %mul3A_174 {offsets = [0, 288], sizes = [256, 32], strides = [1, 1]} : vector<256x1024xf32> to vector<256x32xf32>
    %neg3A_197 = arith.constant 0.000000e+00 : f32
    %neg3A_198 = vector.broadcast %neg3A_197 : f32 to vector<256x32xf32>
    %neg3A_199 = arith.subf %neg3A_198, %slice3A_196 : vector<256x32xf32>
    %slice3A_200 = vector.extract_strided_slice %mul3A_174 {offsets = [0, 256], sizes = [256, 32], strides = [1, 1]} : vector<256x1024xf32> to vector<256x32xf32>
    %slice3A_201 = vector.extract_strided_slice %mul3A_174 {offsets = [0, 352], sizes = [256, 32], strides = [1, 1]} : vector<256x1024xf32> to vector<256x32xf32>
    %neg3A_202 = arith.constant 0.000000e+00 : f32
    %neg3A_203 = vector.broadcast %neg3A_202 : f32 to vector<256x32xf32>
    %neg3A_204 = arith.subf %neg3A_203, %slice3A_201 : vector<256x32xf32>
    %slice3A_205 = vector.extract_strided_slice %mul3A_174 {offsets = [0, 320], sizes = [256, 32], strides = [1, 1]} : vector<256x1024xf32> to vector<256x32xf32>
    %slice3A_206 = vector.extract_strided_slice %mul3A_174 {offsets = [0, 416], sizes = [256, 32], strides = [1, 1]} : vector<256x1024xf32> to vector<256x32xf32>
    %neg3A_207 = arith.constant 0.000000e+00 : f32
    %neg3A_208 = vector.broadcast %neg3A_207 : f32 to vector<256x32xf32>
    %neg3A_209 = arith.subf %neg3A_208, %slice3A_206 : vector<256x32xf32>
    %slice3A_210 = vector.extract_strided_slice %mul3A_174 {offsets = [0, 384], sizes = [256, 32], strides = [1, 1]} : vector<256x1024xf32> to vector<256x32xf32>
    %slice3A_211 = vector.extract_strided_slice %mul3A_174 {offsets = [0, 480], sizes = [256, 32], strides = [1, 1]} : vector<256x1024xf32> to vector<256x32xf32>
    %neg3A_212 = arith.constant 0.000000e+00 : f32
    %neg3A_213 = vector.broadcast %neg3A_212 : f32 to vector<256x32xf32>
    %neg3A_214 = arith.subf %neg3A_213, %slice3A_211 : vector<256x32xf32>
    %slice3A_215 = vector.extract_strided_slice %mul3A_174 {offsets = [0, 448], sizes = [256, 32], strides = [1, 1]} : vector<256x1024xf32> to vector<256x32xf32>
    %slice3A_216 = vector.extract_strided_slice %mul3A_174 {offsets = [0, 544], sizes = [256, 32], strides = [1, 1]} : vector<256x1024xf32> to vector<256x32xf32>
    %neg3A_217 = arith.constant 0.000000e+00 : f32
    %neg3A_218 = vector.broadcast %neg3A_217 : f32 to vector<256x32xf32>
    %neg3A_219 = arith.subf %neg3A_218, %slice3A_216 : vector<256x32xf32>
    %slice3A_220 = vector.extract_strided_slice %mul3A_174 {offsets = [0, 512], sizes = [256, 32], strides = [1, 1]} : vector<256x1024xf32> to vector<256x32xf32>
    %slice3A_221 = vector.extract_strided_slice %mul3A_174 {offsets = [0, 608], sizes = [256, 32], strides = [1, 1]} : vector<256x1024xf32> to vector<256x32xf32>
    %neg3A_222 = arith.constant 0.000000e+00 : f32
    %neg3A_223 = vector.broadcast %neg3A_222 : f32 to vector<256x32xf32>
    %neg3A_224 = arith.subf %neg3A_223, %slice3A_221 : vector<256x32xf32>
    %slice3A_225 = vector.extract_strided_slice %mul3A_174 {offsets = [0, 576], sizes = [256, 32], strides = [1, 1]} : vector<256x1024xf32> to vector<256x32xf32>
    %slice3A_226 = vector.extract_strided_slice %mul3A_174 {offsets = [0, 672], sizes = [256, 32], strides = [1, 1]} : vector<256x1024xf32> to vector<256x32xf32>
    %neg3A_227 = arith.constant 0.000000e+00 : f32
    %neg3A_228 = vector.broadcast %neg3A_227 : f32 to vector<256x32xf32>
    %neg3A_229 = arith.subf %neg3A_228, %slice3A_226 : vector<256x32xf32>
    %slice3A_230 = vector.extract_strided_slice %mul3A_174 {offsets = [0, 640], sizes = [256, 32], strides = [1, 1]} : vector<256x1024xf32> to vector<256x32xf32>
    %slice3A_231 = vector.extract_strided_slice %mul3A_174 {offsets = [0, 736], sizes = [256, 32], strides = [1, 1]} : vector<256x1024xf32> to vector<256x32xf32>
    %neg3A_232 = arith.constant 0.000000e+00 : f32
    %neg3A_233 = vector.broadcast %neg3A_232 : f32 to vector<256x32xf32>
    %neg3A_234 = arith.subf %neg3A_233, %slice3A_231 : vector<256x32xf32>
    %slice3A_235 = vector.extract_strided_slice %mul3A_174 {offsets = [0, 704], sizes = [256, 32], strides = [1, 1]} : vector<256x1024xf32> to vector<256x32xf32>
    %slice3A_236 = vector.extract_strided_slice %mul3A_174 {offsets = [0, 800], sizes = [256, 32], strides = [1, 1]} : vector<256x1024xf32> to vector<256x32xf32>
    %neg3A_237 = arith.constant 0.000000e+00 : f32
    %neg3A_238 = vector.broadcast %neg3A_237 : f32 to vector<256x32xf32>
    %neg3A_239 = arith.subf %neg3A_238, %slice3A_236 : vector<256x32xf32>
    %slice3A_240 = vector.extract_strided_slice %mul3A_174 {offsets = [0, 768], sizes = [256, 32], strides = [1, 1]} : vector<256x1024xf32> to vector<256x32xf32>
    %slice3A_241 = vector.extract_strided_slice %mul3A_174 {offsets = [0, 864], sizes = [256, 32], strides = [1, 1]} : vector<256x1024xf32> to vector<256x32xf32>
    %neg3A_242 = arith.constant 0.000000e+00 : f32
    %neg3A_243 = vector.broadcast %neg3A_242 : f32 to vector<256x32xf32>
    %neg3A_244 = arith.subf %neg3A_243, %slice3A_241 : vector<256x32xf32>
    %slice3A_245 = vector.extract_strided_slice %mul3A_174 {offsets = [0, 832], sizes = [256, 32], strides = [1, 1]} : vector<256x1024xf32> to vector<256x32xf32>
    %slice3A_246 = vector.extract_strided_slice %mul3A_174 {offsets = [0, 928], sizes = [256, 32], strides = [1, 1]} : vector<256x1024xf32> to vector<256x32xf32>
    %neg3A_247 = arith.constant 0.000000e+00 : f32
    %neg3A_248 = vector.broadcast %neg3A_247 : f32 to vector<256x32xf32>
    %neg3A_249 = arith.subf %neg3A_248, %slice3A_246 : vector<256x32xf32>
    %slice3A_250 = vector.extract_strided_slice %mul3A_174 {offsets = [0, 896], sizes = [256, 32], strides = [1, 1]} : vector<256x1024xf32> to vector<256x32xf32>
    %slice3A_251 = vector.extract_strided_slice %mul3A_174 {offsets = [0, 992], sizes = [256, 32], strides = [1, 1]} : vector<256x1024xf32> to vector<256x32xf32>
    %neg3A_252 = arith.constant 0.000000e+00 : f32
    %neg3A_253 = vector.broadcast %neg3A_252 : f32 to vector<256x32xf32>
    %neg3A_254 = arith.subf %neg3A_253, %slice3A_251 : vector<256x32xf32>
    %slice3A_255 = vector.extract_strided_slice %mul3A_174 {offsets = [0, 960], sizes = [256, 32], strides = [1, 1]} : vector<256x1024xf32> to vector<256x32xf32>
    %concatenate3A_256 = tpu.concatenate %neg3A_179, %slice3A_180, %neg3A_184, %slice3A_185, %neg3A_189, %slice3A_190, %neg3A_194, %slice3A_195, %neg3A_199, %slice3A_200, %neg3A_204, %slice3A_205, %neg3A_209, %slice3A_210, %neg3A_214, %slice3A_215, %neg3A_219, %slice3A_220, %neg3A_224, %slice3A_225, %neg3A_229, %slice3A_230, %neg3A_234, %slice3A_235, %neg3A_239, %slice3A_240, %neg3A_244, %slice3A_245, %neg3A_249, %slice3A_250, %neg3A_254, %slice3A_255 in 1 : vector<256x32xf32>, vector<256x32xf32>, vector<256x32xf32>, vector<256x32xf32>, vector<256x32xf32>, vector<256x32xf32>, vector<256x32xf32>, vector<256x32xf32>, vector<256x32xf32>, vector<256x32xf32>, vector<256x32xf32>, vector<256x32xf32>, vector<256x32xf32>, vector<256x32xf32>, vector<256x32xf32>, vector<256x32xf32>, vector<256x32xf32>, vector<256x32xf32>, vector<256x32xf32>, vector<256x32xf32>, vector<256x32xf32>, vector<256x32xf32>, vector<256x32xf32>, vector<256x32xf32>, vector<256x32xf32>, vector<256x32xf32>, vector<256x32xf32>, vector<256x32xf32>, vector<256x32xf32>, vector<256x32xf32>, vector<256x32xf32>, vector<256x32xf32> -> vector<256x1024xf32>
    %mul3A_257 = arith.mulf %concatenate3A_256, %sin3A : vector<256x1024xf32>
    %add3A_258 = arith.addf %mul3A_175, %mul3A_257 : vector<256x1024xf32>
    %slice3A_259 = vector.extract_strided_slice %add3A_150 {offsets = [0, 0], sizes = [256, 64], strides = [1, 1]} : vector<256x1024xf32> to vector<256x64xf32>
    %convert_element_type3A_260 = arith.truncf %slice3A_259 : vector<256x64xf32> to vector<256x64xbf16>
    %swap3A = arith.constant 0 : index
    %swap3A_261 = arith.constant 0 : index
    %swap3A_262 = arith.constant 0 : index
    %swap3A_263 = arith.constant 0 : index
    %swap3A_264 = vector.load %arg11[%swap3A, %swap3A_261, %swap3A_262, %swap3A_263] : memref<1x16x256x64xbf16, #tpu.memory_space<vmem>>, vector<1x1x256x64xbf16>
    %swap3A_265 = vector.shape_cast %swap3A_264 : vector<1x1x256x64xbf16> to vector<256x64xbf16>
    %swap3A_266 = vector.shape_cast %convert_element_type3A_260 : vector<256x64xbf16> to vector<1x1x256x64xbf16>
    tpu.vector_store %arg11[%swap3A, %swap3A_261, %swap3A_262, %swap3A_263], %swap3A_266 {strides = array<i32>} : memref<1x16x256x64xbf16, #tpu.memory_space<vmem>>, vector<1x1x256x64xbf16>,
    %slice3A_267 = vector.extract_strided_slice %add3A_150 {offsets = [0, 64], sizes = [256, 64], strides = [1, 1]} : vector<256x1024xf32> to vector<256x64xf32>
    %convert_element_type3A_268 = arith.truncf %slice3A_267 : vector<256x64xf32> to vector<256x64xbf16>
    %swap3A_269 = arith.constant 0 : index
    %swap3A_270 = arith.constant 1 : index
    %swap3A_271 = arith.constant 0 : index
    %swap3A_272 = arith.constant 0 : index
    %swap3A_273 = vector.load %arg11[%swap3A_269, %swap3A_270, %swap3A_271, %swap3A_272] : memref<1x16x256x64xbf16, #tpu.memory_space<vmem>>, vector<1x1x256x64xbf16>
    %swap3A_274 = vector.shape_cast %swap3A_273 : vector<1x1x256x64xbf16> to vector<256x64xbf16>
    %swap3A_275 = vector.shape_cast %convert_element_type3A_268 : vector<256x64xbf16> to vector<1x1x256x64xbf16>
    tpu.vector_store %arg11[%swap3A_269, %swap3A_270, %swap3A_271, %swap3A_272], %swap3A_275 {strides = array<i32>} : memref<1x16x256x64xbf16, #tpu.memory_space<vmem>>, vector<1x1x256x64xbf16>,
    %slice3A_276 = vector.extract_strided_slice %add3A_150 {offsets = [0, 128], sizes = [256, 64], strides = [1, 1]} : vector<256x1024xf32> to vector<256x64xf32>
    %convert_element_type3A_277 = arith.truncf %slice3A_276 : vector<256x64xf32> to vector<256x64xbf16>
    %swap3A_278 = arith.constant 0 : index
    %swap3A_279 = arith.constant 2 : index
    %swap3A_280 = arith.constant 0 : index
    %swap3A_281 = arith.constant 0 : index
    %swap3A_282 = vector.load %arg11[%swap3A_278, %swap3A_279, %swap3A_280, %swap3A_281] : memref<1x16x256x64xbf16, #tpu.memory_space<vmem>>, vector<1x1x256x64xbf16>
    %swap3A_283 = vector.shape_cast %swap3A_282 : vector<1x1x256x64xbf16> to vector<256x64xbf16>
    %swap3A_284 = vector.shape_cast %convert_element_type3A_277 : vector<256x64xbf16> to vector<1x1x256x64xbf16>
    tpu.vector_store %arg11[%swap3A_278, %swap3A_279, %swap3A_280, %swap3A_281], %swap3A_284 {strides = array<i32>} : memref<1x16x256x64xbf16, #tpu.memory_space<vmem>>, vector<1x1x256x64xbf16>,
    %slice3A_285 = vector.extract_strided_slice %add3A_150 {offsets = [0, 192], sizes = [256, 64], strides = [1, 1]} : vector<256x1024xf32> to vector<256x64xf32>
    %convert_element_type3A_286 = arith.truncf %slice3A_285 : vector<256x64xf32> to vector<256x64xbf16>
    %swap3A_287 = arith.constant 0 : index
    %swap3A_288 = arith.constant 3 : index
    %swap3A_289 = arith.constant 0 : index
    %swap3A_290 = arith.constant 0 : index
    %swap3A_291 = vector.load %arg11[%swap3A_287, %swap3A_288, %swap3A_289, %swap3A_290] : memref<1x16x256x64xbf16, #tpu.memory_space<vmem>>, vector<1x1x256x64xbf16>
    %swap3A_292 = vector.shape_cast %swap3A_291 : vector<1x1x256x64xbf16> to vector<256x64xbf16>
    %swap3A_293 = vector.shape_cast %convert_element_type3A_286 : vector<256x64xbf16> to vector<1x1x256x64xbf16>
    tpu.vector_store %arg11[%swap3A_287, %swap3A_288, %swap3A_289, %swap3A_290], %swap3A_293 {strides = array<i32>} : memref<1x16x256x64xbf16, #tpu.memory_space<vmem>>, vector<1x1x256x64xbf16>,
    %slice3A_294 = vector.extract_strided_slice %add3A_150 {offsets = [0, 256], sizes = [256, 64], strides = [1, 1]} : vector<256x1024xf32> to vector<256x64xf32>
    %convert_element_type3A_295 = arith.truncf %slice3A_294 : vector<256x64xf32> to vector<256x64xbf16>
    %swap3A_296 = arith.constant 0 : index
    %swap3A_297 = arith.constant 4 : index
    %swap3A_298 = arith.constant 0 : index
    %swap3A_299 = arith.constant 0 : index
    %swap3A_300 = vector.load %arg11[%swap3A_296, %swap3A_297, %swap3A_298, %swap3A_299] : memref<1x16x256x64xbf16, #tpu.memory_space<vmem>>, vector<1x1x256x64xbf16>
    %swap3A_301 = vector.shape_cast %swap3A_300 : vector<1x1x256x64xbf16> to vector<256x64xbf16>
    %swap3A_302 = vector.shape_cast %convert_element_type3A_295 : vector<256x64xbf16> to vector<1x1x256x64xbf16>
    tpu.vector_store %arg11[%swap3A_296, %swap3A_297, %swap3A_298, %swap3A_299], %swap3A_302 {strides = array<i32>} : memref<1x16x256x64xbf16, #tpu.memory_space<vmem>>, vector<1x1x256x64xbf16>,
    %slice3A_303 = vector.extract_strided_slice %add3A_150 {offsets = [0, 320], sizes = [256, 64], strides = [1, 1]} : vector<256x1024xf32> to vector<256x64xf32>
    %convert_element_type3A_304 = arith.truncf %slice3A_303 : vector<256x64xf32> to vector<256x64xbf16>
    %swap3A_305 = arith.constant 0 : index
    %swap3A_306 = arith.constant 5 : index
    %swap3A_307 = arith.constant 0 : index
    %swap3A_308 = arith.constant 0 : index
    %swap3A_309 = vector.load %arg11[%swap3A_305, %swap3A_306, %swap3A_307, %swap3A_308] : memref<1x16x256x64xbf16, #tpu.memory_space<vmem>>, vector<1x1x256x64xbf16>
    %swap3A_310 = vector.shape_cast %swap3A_309 : vector<1x1x256x64xbf16> to vector<256x64xbf16>
    %swap3A_311 = vector.shape_cast %convert_element_type3A_304 : vector<256x64xbf16> to vector<1x1x256x64xbf16>
    tpu.vector_store %arg11[%swap3A_305, %swap3A_306, %swap3A_307, %swap3A_308], %swap3A_311 {strides = array<i32>} : memref<1x16x256x64xbf16, #tpu.memory_space<vmem>>, vector<1x1x256x64xbf16>,
    %slice3A_312 = vector.extract_strided_slice %add3A_150 {offsets = [0, 384], sizes = [256, 64], strides = [1, 1]} : vector<256x1024xf32> to vector<256x64xf32>
    %convert_element_type3A_313 = arith.truncf %slice3A_312 : vector<256x64xf32> to vector<256x64xbf16>
    %swap3A_314 = arith.constant 0 : index
    %swap3A_315 = arith.constant 6 : index
    %swap3A_316 = arith.constant 0 : index
    %swap3A_317 = arith.constant 0 : index
    %swap3A_318 = vector.load %arg11[%swap3A_314, %swap3A_315, %swap3A_316, %swap3A_317] : memref<1x16x256x64xbf16, #tpu.memory_space<vmem>>, vector<1x1x256x64xbf16>
    %swap3A_319 = vector.shape_cast %swap3A_318 : vector<1x1x256x64xbf16> to vector<256x64xbf16>
    %swap3A_320 = vector.shape_cast %convert_element_type3A_313 : vector<256x64xbf16> to vector<1x1x256x64xbf16>
    tpu.vector_store %arg11[%swap3A_314, %swap3A_315, %swap3A_316, %swap3A_317], %swap3A_320 {strides = array<i32>} : memref<1x16x256x64xbf16, #tpu.memory_space<vmem>>, vector<1x1x256x64xbf16>,
    %slice3A_321 = vector.extract_strided_slice %add3A_150 {offsets = [0, 448], sizes = [256, 64], strides = [1, 1]} : vector<256x1024xf32> to vector<256x64xf32>
    %convert_element_type3A_322 = arith.truncf %slice3A_321 : vector<256x64xf32> to vector<256x64xbf16>
    %swap3A_323 = arith.constant 0 : index
    %swap3A_324 = arith.constant 7 : index
    %swap3A_325 = arith.constant 0 : index
    %swap3A_326 = arith.constant 0 : index
    %swap3A_327 = vector.load %arg11[%swap3A_323, %swap3A_324, %swap3A_325, %swap3A_326] : memref<1x16x256x64xbf16, #tpu.memory_space<vmem>>, vector<1x1x256x64xbf16>
    %swap3A_328 = vector.shape_cast %swap3A_327 : vector<1x1x256x64xbf16> to vector<256x64xbf16>
    %swap3A_329 = vector.shape_cast %convert_element_type3A_322 : vector<256x64xbf16> to vector<1x1x256x64xbf16>
    tpu.vector_store %arg11[%swap3A_323, %swap3A_324, %swap3A_325, %swap3A_326], %swap3A_329 {strides = array<i32>} : memref<1x16x256x64xbf16, #tpu.memory_space<vmem>>, vector<1x1x256x64xbf16>,
    %slice3A_330 = vector.extract_strided_slice %add3A_150 {offsets = [0, 512], sizes = [256, 64], strides = [1, 1]} : vector<256x1024xf32> to vector<256x64xf32>
    %convert_element_type3A_331 = arith.truncf %slice3A_330 : vector<256x64xf32> to vector<256x64xbf16>
    %swap3A_332 = arith.constant 0 : index
    %swap3A_333 = arith.constant 8 : index
    %swap3A_334 = arith.constant 0 : index
    %swap3A_335 = arith.constant 0 : index
    %swap3A_336 = vector.load %arg11[%swap3A_332, %swap3A_333, %swap3A_334, %swap3A_335] : memref<1x16x256x64xbf16, #tpu.memory_space<vmem>>, vector<1x1x256x64xbf16>
    %swap3A_337 = vector.shape_cast %swap3A_336 : vector<1x1x256x64xbf16> to vector<256x64xbf16>
    %swap3A_338 = vector.shape_cast %convert_element_type3A_331 : vector<256x64xbf16> to vector<1x1x256x64xbf16>
    tpu.vector_store %arg11[%swap3A_332, %swap3A_333, %swap3A_334, %swap3A_335], %swap3A_338 {strides = array<i32>} : memref<1x16x256x64xbf16, #tpu.memory_space<vmem>>, vector<1x1x256x64xbf16>,
    %slice3A_339 = vector.extract_strided_slice %add3A_150 {offsets = [0, 576], sizes = [256, 64], strides = [1, 1]} : vector<256x1024xf32> to vector<256x64xf32>
    %convert_element_type3A_340 = arith.truncf %slice3A_339 : vector<256x64xf32> to vector<256x64xbf16>
    %swap3A_341 = arith.constant 0 : index
    %swap3A_342 = arith.constant 9 : index
    %swap3A_343 = arith.constant 0 : index
    %swap3A_344 = arith.constant 0 : index
    %swap3A_345 = vector.load %arg11[%swap3A_341, %swap3A_342, %swap3A_343, %swap3A_344] : memref<1x16x256x64xbf16, #tpu.memory_space<vmem>>, vector<1x1x256x64xbf16>
    %swap3A_346 = vector.shape_cast %swap3A_345 : vector<1x1x256x64xbf16> to vector<256x64xbf16>
    %swap3A_347 = vector.shape_cast %convert_element_type3A_340 : vector<256x64xbf16> to vector<1x1x256x64xbf16>
    tpu.vector_store %arg11[%swap3A_341, %swap3A_342, %swap3A_343, %swap3A_344], %swap3A_347 {strides = array<i32>} : memref<1x16x256x64xbf16, #tpu.memory_space<vmem>>, vector<1x1x256x64xbf16>,
    %slice3A_348 = vector.extract_strided_slice %add3A_150 {offsets = [0, 640], sizes = [256, 64], strides = [1, 1]} : vector<256x1024xf32> to vector<256x64xf32>
    %convert_element_type3A_349 = arith.truncf %slice3A_348 : vector<256x64xf32> to vector<256x64xbf16>
    %swap3A_350 = arith.constant 0 : index
    %swap3A_351 = arith.constant 10 : index
    %swap3A_352 = arith.constant 0 : index
    %swap3A_353 = arith.constant 0 : index
    %swap3A_354 = vector.load %arg11[%swap3A_350, %swap3A_351, %swap3A_352, %swap3A_353] : memref<1x16x256x64xbf16, #tpu.memory_space<vmem>>, vector<1x1x256x64xbf16>
    %swap3A_355 = vector.shape_cast %swap3A_354 : vector<1x1x256x64xbf16> to vector<256x64xbf16>
    %swap3A_356 = vector.shape_cast %convert_element_type3A_349 : vector<256x64xbf16> to vector<1x1x256x64xbf16>
    tpu.vector_store %arg11[%swap3A_350, %swap3A_351, %swap3A_352, %swap3A_353], %swap3A_356 {strides = array<i32>} : memref<1x16x256x64xbf16, #tpu.memory_space<vmem>>, vector<1x1x256x64xbf16>,
    %slice3A_357 = vector.extract_strided_slice %add3A_150 {offsets = [0, 704], sizes = [256, 64], strides = [1, 1]} : vector<256x1024xf32> to vector<256x64xf32>
    %convert_element_type3A_358 = arith.truncf %slice3A_357 : vector<256x64xf32> to vector<256x64xbf16>
    %swap3A_359 = arith.constant 0 : index
    %swap3A_360 = arith.constant 11 : index
    %swap3A_361 = arith.constant 0 : index
    %swap3A_362 = arith.constant 0 : index
    %swap3A_363 = vector.load %arg11[%swap3A_359, %swap3A_360, %swap3A_361, %swap3A_362] : memref<1x16x256x64xbf16, #tpu.memory_space<vmem>>, vector<1x1x256x64xbf16>
    %swap3A_364 = vector.shape_cast %swap3A_363 : vector<1x1x256x64xbf16> to vector<256x64xbf16>
    %swap3A_365 = vector.shape_cast %convert_element_type3A_358 : vector<256x64xbf16> to vector<1x1x256x64xbf16>
    tpu.vector_store %arg11[%swap3A_359, %swap3A_360, %swap3A_361, %swap3A_362], %swap3A_365 {strides = array<i32>} : memref<1x16x256x64xbf16, #tpu.memory_space<vmem>>, vector<1x1x256x64xbf16>,
    %slice3A_366 = vector.extract_strided_slice %add3A_150 {offsets = [0, 768], sizes = [256, 64], strides = [1, 1]} : vector<256x1024xf32> to vector<256x64xf32>
    %convert_element_type3A_367 = arith.truncf %slice3A_366 : vector<256x64xf32> to vector<256x64xbf16>
    %swap3A_368 = arith.constant 0 : index
    %swap3A_369 = arith.constant 12 : index
    %swap3A_370 = arith.constant 0 : index
    %swap3A_371 = arith.constant 0 : index
    %swap3A_372 = vector.load %arg11[%swap3A_368, %swap3A_369, %swap3A_370, %swap3A_371] : memref<1x16x256x64xbf16, #tpu.memory_space<vmem>>, vector<1x1x256x64xbf16>
    %swap3A_373 = vector.shape_cast %swap3A_372 : vector<1x1x256x64xbf16> to vector<256x64xbf16>
    %swap3A_374 = vector.shape_cast %convert_element_type3A_367 : vector<256x64xbf16> to vector<1x1x256x64xbf16>
    tpu.vector_store %arg11[%swap3A_368, %swap3A_369, %swap3A_370, %swap3A_371], %swap3A_374 {strides = array<i32>} : memref<1x16x256x64xbf16, #tpu.memory_space<vmem>>, vector<1x1x256x64xbf16>,
    %slice3A_375 = vector.extract_strided_slice %add3A_150 {offsets = [0, 832], sizes = [256, 64], strides = [1, 1]} : vector<256x1024xf32> to vector<256x64xf32>
    %convert_element_type3A_376 = arith.truncf %slice3A_375 : vector<256x64xf32> to vector<256x64xbf16>
    %swap3A_377 = arith.constant 0 : index
    %swap3A_378 = arith.constant 13 : index
    %swap3A_379 = arith.constant 0 : index
    %swap3A_380 = arith.constant 0 : index
    %swap3A_381 = vector.load %arg11[%swap3A_377, %swap3A_378, %swap3A_379, %swap3A_380] : memref<1x16x256x64xbf16, #tpu.memory_space<vmem>>, vector<1x1x256x64xbf16>
    %swap3A_382 = vector.shape_cast %swap3A_381 : vector<1x1x256x64xbf16> to vector<256x64xbf16>
    %swap3A_383 = vector.shape_cast %convert_element_type3A_376 : vector<256x64xbf16> to vector<1x1x256x64xbf16>
    tpu.vector_store %arg11[%swap3A_377, %swap3A_378, %swap3A_379, %swap3A_380], %swap3A_383 {strides = array<i32>} : memref<1x16x256x64xbf16, #tpu.memory_space<vmem>>, vector<1x1x256x64xbf16>,
    %slice3A_384 = vector.extract_strided_slice %add3A_150 {offsets = [0, 896], sizes = [256, 64], strides = [1, 1]} : vector<256x1024xf32> to vector<256x64xf32>
    %convert_element_type3A_385 = arith.truncf %slice3A_384 : vector<256x64xf32> to vector<256x64xbf16>
    %swap3A_386 = arith.constant 0 : index
    %swap3A_387 = arith.constant 14 : index
    %swap3A_388 = arith.constant 0 : index
    %swap3A_389 = arith.constant 0 : index
    %swap3A_390 = vector.load %arg11[%swap3A_386, %swap3A_387, %swap3A_388, %swap3A_389] : memref<1x16x256x64xbf16, #tpu.memory_space<vmem>>, vector<1x1x256x64xbf16>
    %swap3A_391 = vector.shape_cast %swap3A_390 : vector<1x1x256x64xbf16> to vector<256x64xbf16>
    %swap3A_392 = vector.shape_cast %convert_element_type3A_385 : vector<256x64xbf16> to vector<1x1x256x64xbf16>
    tpu.vector_store %arg11[%swap3A_386, %swap3A_387, %swap3A_388, %swap3A_389], %swap3A_392 {strides = array<i32>} : memref<1x16x256x64xbf16, #tpu.memory_space<vmem>>, vector<1x1x256x64xbf16>,
    %slice3A_393 = vector.extract_strided_slice %add3A_150 {offsets = [0, 960], sizes = [256, 64], strides = [1, 1]} : vector<256x1024xf32> to vector<256x64xf32>
    %convert_element_type3A_394 = arith.truncf %slice3A_393 : vector<256x64xf32> to vector<256x64xbf16>
    %swap3A_395 = arith.constant 0 : index
    %swap3A_396 = arith.constant 15 : index
    %swap3A_397 = arith.constant 0 : index
    %swap3A_398 = arith.constant 0 : index
    %swap3A_399 = vector.load %arg11[%swap3A_395, %swap3A_396, %swap3A_397, %swap3A_398] : memref<1x16x256x64xbf16, #tpu.memory_space<vmem>>, vector<1x1x256x64xbf16>
    %swap3A_400 = vector.shape_cast %swap3A_399 : vector<1x1x256x64xbf16> to vector<256x64xbf16>
    %swap3A_401 = vector.shape_cast %convert_element_type3A_394 : vector<256x64xbf16> to vector<1x1x256x64xbf16>
    tpu.vector_store %arg11[%swap3A_395, %swap3A_396, %swap3A_397, %swap3A_398], %swap3A_401 {strides = array<i32>} : memref<1x16x256x64xbf16, #tpu.memory_space<vmem>>, vector<1x1x256x64xbf16>,
    %slice3A_402 = vector.extract_strided_slice %add3A_258 {offsets = [0, 0], sizes = [256, 64], strides = [1, 1]} : vector<256x1024xf32> to vector<256x64xf32>
    %convert_element_type3A_403 = arith.truncf %slice3A_402 : vector<256x64xf32> to vector<256x64xbf16>
    %swap3A_404 = arith.constant 0 : index
    %swap3A_405 = arith.constant 0 : index
    %swap3A_406 = arith.constant 0 : index
    %swap3A_407 = arith.constant 0 : index
    %swap3A_408 = vector.load %arg12[%swap3A_404, %swap3A_405, %swap3A_406, %swap3A_407] : memref<1x16x256x64xbf16, #tpu.memory_space<vmem>>, vector<1x1x256x64xbf16>
    %swap3A_409 = vector.shape_cast %swap3A_408 : vector<1x1x256x64xbf16> to vector<256x64xbf16>
    %swap3A_410 = vector.shape_cast %convert_element_type3A_403 : vector<256x64xbf16> to vector<1x1x256x64xbf16>
    tpu.vector_store %arg12[%swap3A_404, %swap3A_405, %swap3A_406, %swap3A_407], %swap3A_410 {strides = array<i32>} : memref<1x16x256x64xbf16, #tpu.memory_space<vmem>>, vector<1x1x256x64xbf16>,
    %slice3A_411 = vector.extract_strided_slice %dot_general3A_29 {offsets = [0, 0], sizes = [256, 64], strides = [1, 1]} : vector<256x1024xf32> to vector<256x64xf32>
    %convert_element_type3A_412 = arith.truncf %slice3A_411 : vector<256x64xf32> to vector<256x64xbf16>
    %swap3A_413 = arith.constant 0 : index
    %swap3A_414 = arith.constant 0 : index
    %swap3A_415 = arith.constant 0 : index
    %swap3A_416 = arith.constant 0 : index
    %swap3A_417 = vector.load %arg13[%swap3A_413, %swap3A_414, %swap3A_415, %swap3A_416] : memref<1x16x256x64xbf16, #tpu.memory_space<vmem>>, vector<1x1x256x64xbf16>
    %swap3A_418 = vector.shape_cast %swap3A_417 : vector<1x1x256x64xbf16> to vector<256x64xbf16>
    %swap3A_419 = vector.shape_cast %convert_element_type3A_412 : vector<256x64xbf16> to vector<1x1x256x64xbf16>
    tpu.vector_store %arg13[%swap3A_413, %swap3A_414, %swap3A_415, %swap3A_416], %swap3A_419 {strides = array<i32>} : memref<1x16x256x64xbf16, #tpu.memory_space<vmem>>, vector<1x1x256x64xbf16>,
    %slice3A_420 = vector.extract_strided_slice %add3A_258 {offsets = [0, 64], sizes = [256, 64], strides = [1, 1]} : vector<256x1024xf32> to vector<256x64xf32>
    %convert_element_type3A_421 = arith.truncf %slice3A_420 : vector<256x64xf32> to vector<256x64xbf16>
    %swap3A_422 = arith.constant 0 : index
    %swap3A_423 = arith.constant 1 : index
    %swap3A_424 = arith.constant 0 : index
    %swap3A_425 = arith.constant 0 : index
    %swap3A_426 = vector.load %arg12[%swap3A_422, %swap3A_423, %swap3A_424, %swap3A_425] : memref<1x16x256x64xbf16, #tpu.memory_space<vmem>>, vector<1x1x256x64xbf16>
    %swap3A_427 = vector.shape_cast %swap3A_426 : vector<1x1x256x64xbf16> to vector<256x64xbf16>
    %swap3A_428 = vector.shape_cast %convert_element_type3A_421 : vector<256x64xbf16> to vector<1x1x256x64xbf16>
    tpu.vector_store %arg12[%swap3A_422, %swap3A_423, %swap3A_424, %swap3A_425], %swap3A_428 {strides = array<i32>} : memref<1x16x256x64xbf16, #tpu.memory_space<vmem>>, vector<1x1x256x64xbf16>,
    %slice3A_429 = vector.extract_strided_slice %dot_general3A_29 {offsets = [0, 64], sizes = [256, 64], strides = [1, 1]} : vector<256x1024xf32> to vector<256x64xf32>
    %convert_element_type3A_430 = arith.truncf %slice3A_429 : vector<256x64xf32> to vector<256x64xbf16>
    %swap3A_431 = arith.constant 0 : index
    %swap3A_432 = arith.constant 1 : index
    %swap3A_433 = arith.constant 0 : index
    %swap3A_434 = arith.constant 0 : index
    %swap3A_435 = vector.load %arg13[%swap3A_431, %swap3A_432, %swap3A_433, %swap3A_434] : memref<1x16x256x64xbf16, #tpu.memory_space<vmem>>, vector<1x1x256x64xbf16>
    %swap3A_436 = vector.shape_cast %swap3A_435 : vector<1x1x256x64xbf16> to vector<256x64xbf16>
    %swap3A_437 = vector.shape_cast %convert_element_type3A_430 : vector<256x64xbf16> to vector<1x1x256x64xbf16>
    tpu.vector_store %arg13[%swap3A_431, %swap3A_432, %swap3A_433, %swap3A_434], %swap3A_437 {strides = array<i32>} : memref<1x16x256x64xbf16, #tpu.memory_space<vmem>>, vector<1x1x256x64xbf16>,
    %slice3A_438 = vector.extract_strided_slice %add3A_258 {offsets = [0, 128], sizes = [256, 64], strides = [1, 1]} : vector<256x1024xf32> to vector<256x64xf32>
    %convert_element_type3A_439 = arith.truncf %slice3A_438 : vector<256x64xf32> to vector<256x64xbf16>
    %swap3A_440 = arith.constant 0 : index
    %swap3A_441 = arith.constant 2 : index
    %swap3A_442 = arith.constant 0 : index
    %swap3A_443 = arith.constant 0 : index
    %swap3A_444 = vector.load %arg12[%swap3A_440, %swap3A_441, %swap3A_442, %swap3A_443] : memref<1x16x256x64xbf16, #tpu.memory_space<vmem>>, vector<1x1x256x64xbf16>
    %swap3A_445 = vector.shape_cast %swap3A_444 : vector<1x1x256x64xbf16> to vector<256x64xbf16>
    %swap3A_446 = vector.shape_cast %convert_element_type3A_439 : vector<256x64xbf16> to vector<1x1x256x64xbf16>
    tpu.vector_store %arg12[%swap3A_440, %swap3A_441, %swap3A_442, %swap3A_443], %swap3A_446 {strides = array<i32>} : memref<1x16x256x64xbf16, #tpu.memory_space<vmem>>, vector<1x1x256x64xbf16>,
    %slice3A_447 = vector.extract_strided_slice %dot_general3A_29 {offsets = [0, 128], sizes = [256, 64], strides = [1, 1]} : vector<256x1024xf32> to vector<256x64xf32>
    %convert_element_type3A_448 = arith.truncf %slice3A_447 : vector<256x64xf32> to vector<256x64xbf16>
    %swap3A_449 = arith.constant 0 : index
    %swap3A_450 = arith.constant 2 : index
    %swap3A_451 = arith.constant 0 : index
    %swap3A_452 = arith.constant 0 : index
    %swap3A_453 = vector.load %arg13[%swap3A_449, %swap3A_450, %swap3A_451, %swap3A_452] : memref<1x16x256x64xbf16, #tpu.memory_space<vmem>>, vector<1x1x256x64xbf16>
    %swap3A_454 = vector.shape_cast %swap3A_453 : vector<1x1x256x64xbf16> to vector<256x64xbf16>
    %swap3A_455 = vector.shape_cast %convert_element_type3A_448 : vector<256x64xbf16> to vector<1x1x256x64xbf16>
    tpu.vector_store %arg13[%swap3A_449, %swap3A_450, %swap3A_451, %swap3A_452], %swap3A_455 {strides = array<i32>} : memref<1x16x256x64xbf16, #tpu.memory_space<vmem>>, vector<1x1x256x64xbf16>,
    %slice3A_456 = vector.extract_strided_slice %add3A_258 {offsets = [0, 192], sizes = [256, 64], strides = [1, 1]} : vector<256x1024xf32> to vector<256x64xf32>
    %convert_element_type3A_457 = arith.truncf %slice3A_456 : vector<256x64xf32> to vector<256x64xbf16>
    %swap3A_458 = arith.constant 0 : index
    %swap3A_459 = arith.constant 3 : index
    %swap3A_460 = arith.constant 0 : index
    %swap3A_461 = arith.constant 0 : index
    %swap3A_462 = vector.load %arg12[%swap3A_458, %swap3A_459, %swap3A_460, %swap3A_461] : memref<1x16x256x64xbf16, #tpu.memory_space<vmem>>, vector<1x1x256x64xbf16>
    %swap3A_463 = vector.shape_cast %swap3A_462 : vector<1x1x256x64xbf16> to vector<256x64xbf16>
    %swap3A_464 = vector.shape_cast %convert_element_type3A_457 : vector<256x64xbf16> to vector<1x1x256x64xbf16>
    tpu.vector_store %arg12[%swap3A_458, %swap3A_459, %swap3A_460, %swap3A_461], %swap3A_464 {strides = array<i32>} : memref<1x16x256x64xbf16, #tpu.memory_space<vmem>>, vector<1x1x256x64xbf16>,
    %slice3A_465 = vector.extract_strided_slice %dot_general3A_29 {offsets = [0, 192], sizes = [256, 64], strides = [1, 1]} : vector<256x1024xf32> to vector<256x64xf32>
    %convert_element_type3A_466 = arith.truncf %slice3A_465 : vector<256x64xf32> to vector<256x64xbf16>
    %swap3A_467 = arith.constant 0 : index
    %swap3A_468 = arith.constant 3 : index
    %swap3A_469 = arith.constant 0 : index
    %swap3A_470 = arith.constant 0 : index
    %swap3A_471 = vector.load %arg13[%swap3A_467, %swap3A_468, %swap3A_469, %swap3A_470] : memref<1x16x256x64xbf16, #tpu.memory_space<vmem>>, vector<1x1x256x64xbf16>
    %swap3A_472 = vector.shape_cast %swap3A_471 : vector<1x1x256x64xbf16> to vector<256x64xbf16>
    %swap3A_473 = vector.shape_cast %convert_element_type3A_466 : vector<256x64xbf16> to vector<1x1x256x64xbf16>
    tpu.vector_store %arg13[%swap3A_467, %swap3A_468, %swap3A_469, %swap3A_470], %swap3A_473 {strides = array<i32>} : memref<1x16x256x64xbf16, #tpu.memory_space<vmem>>, vector<1x1x256x64xbf16>,
    %slice3A_474 = vector.extract_strided_slice %add3A_258 {offsets = [0, 256], sizes = [256, 64], strides = [1, 1]} : vector<256x1024xf32> to vector<256x64xf32>
    %convert_element_type3A_475 = arith.truncf %slice3A_474 : vector<256x64xf32> to vector<256x64xbf16>
    %swap3A_476 = arith.constant 0 : index
    %swap3A_477 = arith.constant 4 : index
    %swap3A_478 = arith.constant 0 : index
    %swap3A_479 = arith.constant 0 : index
    %swap3A_480 = vector.load %arg12[%swap3A_476, %swap3A_477, %swap3A_478, %swap3A_479] : memref<1x16x256x64xbf16, #tpu.memory_space<vmem>>, vector<1x1x256x64xbf16>
    %swap3A_481 = vector.shape_cast %swap3A_480 : vector<1x1x256x64xbf16> to vector<256x64xbf16>
    %swap3A_482 = vector.shape_cast %convert_element_type3A_475 : vector<256x64xbf16> to vector<1x1x256x64xbf16>
    tpu.vector_store %arg12[%swap3A_476, %swap3A_477, %swap3A_478, %swap3A_479], %swap3A_482 {strides = array<i32>} : memref<1x16x256x64xbf16, #tpu.memory_space<vmem>>, vector<1x1x256x64xbf16>,
    %slice3A_483 = vector.extract_strided_slice %dot_general3A_29 {offsets = [0, 256], sizes = [256, 64], strides = [1, 1]} : vector<256x1024xf32> to vector<256x64xf32>
    %convert_element_type3A_484 = arith.truncf %slice3A_483 : vector<256x64xf32> to vector<256x64xbf16>
    %swap3A_485 = arith.constant 0 : index
    %swap3A_486 = arith.constant 4 : index
    %swap3A_487 = arith.constant 0 : index
    %swap3A_488 = arith.constant 0 : index
    %swap3A_489 = vector.load %arg13[%swap3A_485, %swap3A_486, %swap3A_487, %swap3A_488] : memref<1x16x256x64xbf16, #tpu.memory_space<vmem>>, vector<1x1x256x64xbf16>
    %swap3A_490 = vector.shape_cast %swap3A_489 : vector<1x1x256x64xbf16> to vector<256x64xbf16>
    %swap3A_491 = vector.shape_cast %convert_element_type3A_484 : vector<256x64xbf16> to vector<1x1x256x64xbf16>
    tpu.vector_store %arg13[%swap3A_485, %swap3A_486, %swap3A_487, %swap3A_488], %swap3A_491 {strides = array<i32>} : memref<1x16x256x64xbf16, #tpu.memory_space<vmem>>, vector<1x1x256x64xbf16>,
    %slice3A_492 = vector.extract_strided_slice %add3A_258 {offsets = [0, 320], sizes = [256, 64], strides = [1, 1]} : vector<256x1024xf32> to vector<256x64xf32>
    %convert_element_type3A_493 = arith.truncf %slice3A_492 : vector<256x64xf32> to vector<256x64xbf16>
    %swap3A_494 = arith.constant 0 : index
    %swap3A_495 = arith.constant 5 : index
    %swap3A_496 = arith.constant 0 : index
    %swap3A_497 = arith.constant 0 : index
    %swap3A_498 = vector.load %arg12[%swap3A_494, %swap3A_495, %swap3A_496, %swap3A_497] : memref<1x16x256x64xbf16, #tpu.memory_space<vmem>>, vector<1x1x256x64xbf16>
    %swap3A_499 = vector.shape_cast %swap3A_498 : vector<1x1x256x64xbf16> to vector<256x64xbf16>
    %swap3A_500 = vector.shape_cast %convert_element_type3A_493 : vector<256x64xbf16> to vector<1x1x256x64xbf16>
    tpu.vector_store %arg12[%swap3A_494, %swap3A_495, %swap3A_496, %swap3A_497], %swap3A_500 {strides = array<i32>} : memref<1x16x256x64xbf16, #tpu.memory_space<vmem>>, vector<1x1x256x64xbf16>,
    %slice3A_501 = vector.extract_strided_slice %dot_general3A_29 {offsets = [0, 320], sizes = [256, 64], strides = [1, 1]} : vector<256x1024xf32> to vector<256x64xf32>
    %convert_element_type3A_502 = arith.truncf %slice3A_501 : vector<256x64xf32> to vector<256x64xbf16>
    %swap3A_503 = arith.constant 0 : index
    %swap3A_504 = arith.constant 5 : index
    %swap3A_505 = arith.constant 0 : index
    %swap3A_506 = arith.constant 0 : index
    %swap3A_507 = vector.load %arg13[%swap3A_503, %swap3A_504, %swap3A_505, %swap3A_506] : memref<1x16x256x64xbf16, #tpu.memory_space<vmem>>, vector<1x1x256x64xbf16>
    %swap3A_508 = vector.shape_cast %swap3A_507 : vector<1x1x256x64xbf16> to vector<256x64xbf16>
    %swap3A_509 = vector.shape_cast %convert_element_type3A_502 : vector<256x64xbf16> to vector<1x1x256x64xbf16>
    tpu.vector_store %arg13[%swap3A_503, %swap3A_504, %swap3A_505, %swap3A_506], %swap3A_509 {strides = array<i32>} : memref<1x16x256x64xbf16, #tpu.memory_space<vmem>>, vector<1x1x256x64xbf16>,
    %slice3A_510 = vector.extract_strided_slice %add3A_258 {offsets = [0, 384], sizes = [256, 64], strides = [1, 1]} : vector<256x1024xf32> to vector<256x64xf32>
    %convert_element_type3A_511 = arith.truncf %slice3A_510 : vector<256x64xf32> to vector<256x64xbf16>
    %swap3A_512 = arith.constant 0 : index
    %swap3A_513 = arith.constant 6 : index
    %swap3A_514 = arith.constant 0 : index
    %swap3A_515 = arith.constant 0 : index
    %swap3A_516 = vector.load %arg12[%swap3A_512, %swap3A_513, %swap3A_514, %swap3A_515] : memref<1x16x256x64xbf16, #tpu.memory_space<vmem>>, vector<1x1x256x64xbf16>
    %swap3A_517 = vector.shape_cast %swap3A_516 : vector<1x1x256x64xbf16> to vector<256x64xbf16>
    %swap3A_518 = vector.shape_cast %convert_element_type3A_511 : vector<256x64xbf16> to vector<1x1x256x64xbf16>
    tpu.vector_store %arg12[%swap3A_512, %swap3A_513, %swap3A_514, %swap3A_515], %swap3A_518 {strides = array<i32>} : memref<1x16x256x64xbf16, #tpu.memory_space<vmem>>, vector<1x1x256x64xbf16>,
    %slice3A_519 = vector.extract_strided_slice %dot_general3A_29 {offsets = [0, 384], sizes = [256, 64], strides = [1, 1]} : vector<256x1024xf32> to vector<256x64xf32>
    %convert_element_type3A_520 = arith.truncf %slice3A_519 : vector<256x64xf32> to vector<256x64xbf16>
    %swap3A_521 = arith.constant 0 : index
    %swap3A_522 = arith.constant 6 : index
    %swap3A_523 = arith.constant 0 : index
    %swap3A_524 = arith.constant 0 : index
    %swap3A_525 = vector.load %arg13[%swap3A_521, %swap3A_522, %swap3A_523, %swap3A_524] : memref<1x16x256x64xbf16, #tpu.memory_space<vmem>>, vector<1x1x256x64xbf16>
    %swap3A_526 = vector.shape_cast %swap3A_525 : vector<1x1x256x64xbf16> to vector<256x64xbf16>
    %swap3A_527 = vector.shape_cast %convert_element_type3A_520 : vector<256x64xbf16> to vector<1x1x256x64xbf16>
    tpu.vector_store %arg13[%swap3A_521, %swap3A_522, %swap3A_523, %swap3A_524], %swap3A_527 {strides = array<i32>} : memref<1x16x256x64xbf16, #tpu.memory_space<vmem>>, vector<1x1x256x64xbf16>,
    %slice3A_528 = vector.extract_strided_slice %add3A_258 {offsets = [0, 448], sizes = [256, 64], strides = [1, 1]} : vector<256x1024xf32> to vector<256x64xf32>
    %convert_element_type3A_529 = arith.truncf %slice3A_528 : vector<256x64xf32> to vector<256x64xbf16>
    %swap3A_530 = arith.constant 0 : index
    %swap3A_531 = arith.constant 7 : index
    %swap3A_532 = arith.constant 0 : index
    %swap3A_533 = arith.constant 0 : index
    %swap3A_534 = vector.load %arg12[%swap3A_530, %swap3A_531, %swap3A_532, %swap3A_533] : memref<1x16x256x64xbf16, #tpu.memory_space<vmem>>, vector<1x1x256x64xbf16>
    %swap3A_535 = vector.shape_cast %swap3A_534 : vector<1x1x256x64xbf16> to vector<256x64xbf16>
    %swap3A_536 = vector.shape_cast %convert_element_type3A_529 : vector<256x64xbf16> to vector<1x1x256x64xbf16>
    tpu.vector_store %arg12[%swap3A_530, %swap3A_531, %swap3A_532, %swap3A_533], %swap3A_536 {strides = array<i32>} : memref<1x16x256x64xbf16, #tpu.memory_space<vmem>>, vector<1x1x256x64xbf16>,
    %slice3A_537 = vector.extract_strided_slice %dot_general3A_29 {offsets = [0, 448], sizes = [256, 64], strides = [1, 1]} : vector<256x1024xf32> to vector<256x64xf32>
    %convert_element_type3A_538 = arith.truncf %slice3A_537 : vector<256x64xf32> to vector<256x64xbf16>
    %swap3A_539 = arith.constant 0 : index
    %swap3A_540 = arith.constant 7 : index
    %swap3A_541 = arith.constant 0 : index
    %swap3A_542 = arith.constant 0 : index
    %swap3A_543 = vector.load %arg13[%swap3A_539, %swap3A_540, %swap3A_541, %swap3A_542] : memref<1x16x256x64xbf16, #tpu.memory_space<vmem>>, vector<1x1x256x64xbf16>
    %swap3A_544 = vector.shape_cast %swap3A_543 : vector<1x1x256x64xbf16> to vector<256x64xbf16>
    %swap3A_545 = vector.shape_cast %convert_element_type3A_538 : vector<256x64xbf16> to vector<1x1x256x64xbf16>
    tpu.vector_store %arg13[%swap3A_539, %swap3A_540, %swap3A_541, %swap3A_542], %swap3A_545 {strides = array<i32>} : memref<1x16x256x64xbf16, #tpu.memory_space<vmem>>, vector<1x1x256x64xbf16>,
    %slice3A_546 = vector.extract_strided_slice %add3A_258 {offsets = [0, 512], sizes = [256, 64], strides = [1, 1]} : vector<256x1024xf32> to vector<256x64xf32>
    %convert_element_type3A_547 = arith.truncf %slice3A_546 : vector<256x64xf32> to vector<256x64xbf16>
    %swap3A_548 = arith.constant 0 : index
    %swap3A_549 = arith.constant 8 : index
    %swap3A_550 = arith.constant 0 : index
    %swap3A_551 = arith.constant 0 : index
    %swap3A_552 = vector.load %arg12[%swap3A_548, %swap3A_549, %swap3A_550, %swap3A_551] : memref<1x16x256x64xbf16, #tpu.memory_space<vmem>>, vector<1x1x256x64xbf16>
    %swap3A_553 = vector.shape_cast %swap3A_552 : vector<1x1x256x64xbf16> to vector<256x64xbf16>
    %swap3A_554 = vector.shape_cast %convert_element_type3A_547 : vector<256x64xbf16> to vector<1x1x256x64xbf16>
    tpu.vector_store %arg12[%swap3A_548, %swap3A_549, %swap3A_550, %swap3A_551], %swap3A_554 {strides = array<i32>} : memref<1x16x256x64xbf16, #tpu.memory_space<vmem>>, vector<1x1x256x64xbf16>,
    %slice3A_555 = vector.extract_strided_slice %dot_general3A_29 {offsets = [0, 512], sizes = [256, 64], strides = [1, 1]} : vector<256x1024xf32> to vector<256x64xf32>
    %convert_element_type3A_556 = arith.truncf %slice3A_555 : vector<256x64xf32> to vector<256x64xbf16>
    %swap3A_557 = arith.constant 0 : index
    %swap3A_558 = arith.constant 8 : index
    %swap3A_559 = arith.constant 0 : index
    %swap3A_560 = arith.constant 0 : index
    %swap3A_561 = vector.load %arg13[%swap3A_557, %swap3A_558, %swap3A_559, %swap3A_560] : memref<1x16x256x64xbf16, #tpu.memory_space<vmem>>, vector<1x1x256x64xbf16>
    %swap3A_562 = vector.shape_cast %swap3A_561 : vector<1x1x256x64xbf16> to vector<256x64xbf16>
    %swap3A_563 = vector.shape_cast %convert_element_type3A_556 : vector<256x64xbf16> to vector<1x1x256x64xbf16>
    tpu.vector_store %arg13[%swap3A_557, %swap3A_558, %swap3A_559, %swap3A_560], %swap3A_563 {strides = array<i32>} : memref<1x16x256x64xbf16, #tpu.memory_space<vmem>>, vector<1x1x256x64xbf16>,
    %slice3A_564 = vector.extract_strided_slice %add3A_258 {offsets = [0, 576], sizes = [256, 64], strides = [1, 1]} : vector<256x1024xf32> to vector<256x64xf32>
    %convert_element_type3A_565 = arith.truncf %slice3A_564 : vector<256x64xf32> to vector<256x64xbf16>
    %swap3A_566 = arith.constant 0 : index
    %swap3A_567 = arith.constant 9 : index
    %swap3A_568 = arith.constant 0 : index
    %swap3A_569 = arith.constant 0 : index
    %swap3A_570 = vector.load %arg12[%swap3A_566, %swap3A_567, %swap3A_568, %swap3A_569] : memref<1x16x256x64xbf16, #tpu.memory_space<vmem>>, vector<1x1x256x64xbf16>
    %swap3A_571 = vector.shape_cast %swap3A_570 : vector<1x1x256x64xbf16> to vector<256x64xbf16>
    %swap3A_572 = vector.shape_cast %convert_element_type3A_565 : vector<256x64xbf16> to vector<1x1x256x64xbf16>
    tpu.vector_store %arg12[%swap3A_566, %swap3A_567, %swap3A_568, %swap3A_569], %swap3A_572 {strides = array<i32>} : memref<1x16x256x64xbf16, #tpu.memory_space<vmem>>, vector<1x1x256x64xbf16>,
    %slice3A_573 = vector.extract_strided_slice %dot_general3A_29 {offsets = [0, 576], sizes = [256, 64], strides = [1, 1]} : vector<256x1024xf32> to vector<256x64xf32>
    %convert_element_type3A_574 = arith.truncf %slice3A_573 : vector<256x64xf32> to vector<256x64xbf16>
    %swap3A_575 = arith.constant 0 : index
    %swap3A_576 = arith.constant 9 : index
    %swap3A_577 = arith.constant 0 : index
    %swap3A_578 = arith.constant 0 : index
    %swap3A_579 = vector.load %arg13[%swap3A_575, %swap3A_576, %swap3A_577, %swap3A_578] : memref<1x16x256x64xbf16, #tpu.memory_space<vmem>>, vector<1x1x256x64xbf16>
    %swap3A_580 = vector.shape_cast %swap3A_579 : vector<1x1x256x64xbf16> to vector<256x64xbf16>
    %swap3A_581 = vector.shape_cast %convert_element_type3A_574 : vector<256x64xbf16> to vector<1x1x256x64xbf16>
    tpu.vector_store %arg13[%swap3A_575, %swap3A_576, %swap3A_577, %swap3A_578], %swap3A_581 {strides = array<i32>} : memref<1x16x256x64xbf16, #tpu.memory_space<vmem>>, vector<1x1x256x64xbf16>,
    %slice3A_582 = vector.extract_strided_slice %add3A_258 {offsets = [0, 640], sizes = [256, 64], strides = [1, 1]} : vector<256x1024xf32> to vector<256x64xf32>
    %convert_element_type3A_583 = arith.truncf %slice3A_582 : vector<256x64xf32> to vector<256x64xbf16>
    %swap3A_584 = arith.constant 0 : index
    %swap3A_585 = arith.constant 10 : index
    %swap3A_586 = arith.constant 0 : index
    %swap3A_587 = arith.constant 0 : index
    %swap3A_588 = vector.load %arg12[%swap3A_584, %swap3A_585, %swap3A_586, %swap3A_587] : memref<1x16x256x64xbf16, #tpu.memory_space<vmem>>, vector<1x1x256x64xbf16>
    %swap3A_589 = vector.shape_cast %swap3A_588 : vector<1x1x256x64xbf16> to vector<256x64xbf16>
    %swap3A_590 = vector.shape_cast %convert_element_type3A_583 : vector<256x64xbf16> to vector<1x1x256x64xbf16>
    tpu.vector_store %arg12[%swap3A_584, %swap3A_585, %swap3A_586, %swap3A_587], %swap3A_590 {strides = array<i32>} : memref<1x16x256x64xbf16, #tpu.memory_space<vmem>>, vector<1x1x256x64xbf16>,
    %slice3A_591 = vector.extract_strided_slice %dot_general3A_29 {offsets = [0, 640], sizes = [256, 64], strides = [1, 1]} : vector<256x1024xf32> to vector<256x64xf32>
    %convert_element_type3A_592 = arith.truncf %slice3A_591 : vector<256x64xf32> to vector<256x64xbf16>
    %swap3A_593 = arith.constant 0 : index
    %swap3A_594 = arith.constant 10 : index
    %swap3A_595 = arith.constant 0 : index
    %swap3A_596 = arith.constant 0 : index
    %swap3A_597 = vector.load %arg13[%swap3A_593, %swap3A_594, %swap3A_595, %swap3A_596] : memref<1x16x256x64xbf16, #tpu.memory_space<vmem>>, vector<1x1x256x64xbf16>
    %swap3A_598 = vector.shape_cast %swap3A_597 : vector<1x1x256x64xbf16> to vector<256x64xbf16>
    %swap3A_599 = vector.shape_cast %convert_element_type3A_592 : vector<256x64xbf16> to vector<1x1x256x64xbf16>
    tpu.vector_store %arg13[%swap3A_593, %swap3A_594, %swap3A_595, %swap3A_596], %swap3A_599 {strides = array<i32>} : memref<1x16x256x64xbf16, #tpu.memory_space<vmem>>, vector<1x1x256x64xbf16>,
    %slice3A_600 = vector.extract_strided_slice %add3A_258 {offsets = [0, 704], sizes = [256, 64], strides = [1, 1]} : vector<256x1024xf32> to vector<256x64xf32>
    %convert_element_type3A_601 = arith.truncf %slice3A_600 : vector<256x64xf32> to vector<256x64xbf16>
    %swap3A_602 = arith.constant 0 : index
    %swap3A_603 = arith.constant 11 : index
    %swap3A_604 = arith.constant 0 : index
    %swap3A_605 = arith.constant 0 : index
    %swap3A_606 = vector.load %arg12[%swap3A_602, %swap3A_603, %swap3A_604, %swap3A_605] : memref<1x16x256x64xbf16, #tpu.memory_space<vmem>>, vector<1x1x256x64xbf16>
    %swap3A_607 = vector.shape_cast %swap3A_606 : vector<1x1x256x64xbf16> to vector<256x64xbf16>
    %swap3A_608 = vector.shape_cast %convert_element_type3A_601 : vector<256x64xbf16> to vector<1x1x256x64xbf16>
    tpu.vector_store %arg12[%swap3A_602, %swap3A_603, %swap3A_604, %swap3A_605], %swap3A_608 {strides = array<i32>} : memref<1x16x256x64xbf16, #tpu.memory_space<vmem>>, vector<1x1x256x64xbf16>,
    %slice3A_609 = vector.extract_strided_slice %dot_general3A_29 {offsets = [0, 704], sizes = [256, 64], strides = [1, 1]} : vector<256x1024xf32> to vector<256x64xf32>
    %convert_element_type3A_610 = arith.truncf %slice3A_609 : vector<256x64xf32> to vector<256x64xbf16>
    %swap3A_611 = arith.constant 0 : index
    %swap3A_612 = arith.constant 11 : index
    %swap3A_613 = arith.constant 0 : index
    %swap3A_614 = arith.constant 0 : index
    %swap3A_615 = vector.load %arg13[%swap3A_611, %swap3A_612, %swap3A_613, %swap3A_614] : memref<1x16x256x64xbf16, #tpu.memory_space<vmem>>, vector<1x1x256x64xbf16>
    %swap3A_616 = vector.shape_cast %swap3A_615 : vector<1x1x256x64xbf16> to vector<256x64xbf16>
    %swap3A_617 = vector.shape_cast %convert_element_type3A_610 : vector<256x64xbf16> to vector<1x1x256x64xbf16>
    tpu.vector_store %arg13[%swap3A_611, %swap3A_612, %swap3A_613, %swap3A_614], %swap3A_617 {strides = array<i32>} : memref<1x16x256x64xbf16, #tpu.memory_space<vmem>>, vector<1x1x256x64xbf16>,
    %slice3A_618 = vector.extract_strided_slice %add3A_258 {offsets = [0, 768], sizes = [256, 64], strides = [1, 1]} : vector<256x1024xf32> to vector<256x64xf32>
    %convert_element_type3A_619 = arith.truncf %slice3A_618 : vector<256x64xf32> to vector<256x64xbf16>
    %swap3A_620 = arith.constant 0 : index
    %swap3A_621 = arith.constant 12 : index
    %swap3A_622 = arith.constant 0 : index
    %swap3A_623 = arith.constant 0 : index
    %swap3A_624 = vector.load %arg12[%swap3A_620, %swap3A_621, %swap3A_622, %swap3A_623] : memref<1x16x256x64xbf16, #tpu.memory_space<vmem>>, vector<1x1x256x64xbf16>
    %swap3A_625 = vector.shape_cast %swap3A_624 : vector<1x1x256x64xbf16> to vector<256x64xbf16>
    %swap3A_626 = vector.shape_cast %convert_element_type3A_619 : vector<256x64xbf16> to vector<1x1x256x64xbf16>
    tpu.vector_store %arg12[%swap3A_620, %swap3A_621, %swap3A_622, %swap3A_623], %swap3A_626 {strides = array<i32>} : memref<1x16x256x64xbf16, #tpu.memory_space<vmem>>, vector<1x1x256x64xbf16>,
    %slice3A_627 = vector.extract_strided_slice %dot_general3A_29 {offsets = [0, 768], sizes = [256, 64], strides = [1, 1]} : vector<256x1024xf32> to vector<256x64xf32>
    %convert_element_type3A_628 = arith.truncf %slice3A_627 : vector<256x64xf32> to vector<256x64xbf16>
    %swap3A_629 = arith.constant 0 : index
    %swap3A_630 = arith.constant 12 : index
    %swap3A_631 = arith.constant 0 : index
    %swap3A_632 = arith.constant 0 : index
    %swap3A_633 = vector.load %arg13[%swap3A_629, %swap3A_630, %swap3A_631, %swap3A_632] : memref<1x16x256x64xbf16, #tpu.memory_space<vmem>>, vector<1x1x256x64xbf16>
    %swap3A_634 = vector.shape_cast %swap3A_633 : vector<1x1x256x64xbf16> to vector<256x64xbf16>
    %swap3A_635 = vector.shape_cast %convert_element_type3A_628 : vector<256x64xbf16> to vector<1x1x256x64xbf16>
    tpu.vector_store %arg13[%swap3A_629, %swap3A_630, %swap3A_631, %swap3A_632], %swap3A_635 {strides = array<i32>} : memref<1x16x256x64xbf16, #tpu.memory_space<vmem>>, vector<1x1x256x64xbf16>,
    %slice3A_636 = vector.extract_strided_slice %add3A_258 {offsets = [0, 832], sizes = [256, 64], strides = [1, 1]} : vector<256x1024xf32> to vector<256x64xf32>
    %convert_element_type3A_637 = arith.truncf %slice3A_636 : vector<256x64xf32> to vector<256x64xbf16>
    %swap3A_638 = arith.constant 0 : index
    %swap3A_639 = arith.constant 13 : index
    %swap3A_640 = arith.constant 0 : index
    %swap3A_641 = arith.constant 0 : index
    %swap3A_642 = vector.load %arg12[%swap3A_638, %swap3A_639, %swap3A_640, %swap3A_641] : memref<1x16x256x64xbf16, #tpu.memory_space<vmem>>, vector<1x1x256x64xbf16>
    %swap3A_643 = vector.shape_cast %swap3A_642 : vector<1x1x256x64xbf16> to vector<256x64xbf16>
    %swap3A_644 = vector.shape_cast %convert_element_type3A_637 : vector<256x64xbf16> to vector<1x1x256x64xbf16>
    tpu.vector_store %arg12[%swap3A_638, %swap3A_639, %swap3A_640, %swap3A_641], %swap3A_644 {strides = array<i32>} : memref<1x16x256x64xbf16, #tpu.memory_space<vmem>>, vector<1x1x256x64xbf16>,
    %slice3A_645 = vector.extract_strided_slice %dot_general3A_29 {offsets = [0, 832], sizes = [256, 64], strides = [1, 1]} : vector<256x1024xf32> to vector<256x64xf32>
    %convert_element_type3A_646 = arith.truncf %slice3A_645 : vector<256x64xf32> to vector<256x64xbf16>
    %swap3A_647 = arith.constant 0 : index
    %swap3A_648 = arith.constant 13 : index
    %swap3A_649 = arith.constant 0 : index
    %swap3A_650 = arith.constant 0 : index
    %swap3A_651 = vector.load %arg13[%swap3A_647, %swap3A_648, %swap3A_649, %swap3A_650] : memref<1x16x256x64xbf16, #tpu.memory_space<vmem>>, vector<1x1x256x64xbf16>
    %swap3A_652 = vector.shape_cast %swap3A_651 : vector<1x1x256x64xbf16> to vector<256x64xbf16>
    %swap3A_653 = vector.shape_cast %convert_element_type3A_646 : vector<256x64xbf16> to vector<1x1x256x64xbf16>
    tpu.vector_store %arg13[%swap3A_647, %swap3A_648, %swap3A_649, %swap3A_650], %swap3A_653 {strides = array<i32>} : memref<1x16x256x64xbf16, #tpu.memory_space<vmem>>, vector<1x1x256x64xbf16>,
    %slice3A_654 = vector.extract_strided_slice %add3A_258 {offsets = [0, 896], sizes = [256, 64], strides = [1, 1]} : vector<256x1024xf32> to vector<256x64xf32>
    %convert_element_type3A_655 = arith.truncf %slice3A_654 : vector<256x64xf32> to vector<256x64xbf16>
    %swap3A_656 = arith.constant 0 : index
    %swap3A_657 = arith.constant 14 : index
    %swap3A_658 = arith.constant 0 : index
    %swap3A_659 = arith.constant 0 : index
    %swap3A_660 = vector.load %arg12[%swap3A_656, %swap3A_657, %swap3A_658, %swap3A_659] : memref<1x16x256x64xbf16, #tpu.memory_space<vmem>>, vector<1x1x256x64xbf16>
    %swap3A_661 = vector.shape_cast %swap3A_660 : vector<1x1x256x64xbf16> to vector<256x64xbf16>
    %swap3A_662 = vector.shape_cast %convert_element_type3A_655 : vector<256x64xbf16> to vector<1x1x256x64xbf16>
    tpu.vector_store %arg12[%swap3A_656, %swap3A_657, %swap3A_658, %swap3A_659], %swap3A_662 {strides = array<i32>} : memref<1x16x256x64xbf16, #tpu.memory_space<vmem>>, vector<1x1x256x64xbf16>,
    %slice3A_663 = vector.extract_strided_slice %dot_general3A_29 {offsets = [0, 896], sizes = [256, 64], strides = [1, 1]} : vector<256x1024xf32> to vector<256x64xf32>
    %convert_element_type3A_664 = arith.truncf %slice3A_663 : vector<256x64xf32> to vector<256x64xbf16>
    %swap3A_665 = arith.constant 0 : index
    %swap3A_666 = arith.constant 14 : index
    %swap3A_667 = arith.constant 0 : index
    %swap3A_668 = arith.constant 0 : index
    %swap3A_669 = vector.load %arg13[%swap3A_665, %swap3A_666, %swap3A_667, %swap3A_668] : memref<1x16x256x64xbf16, #tpu.memory_space<vmem>>, vector<1x1x256x64xbf16>
    %swap3A_670 = vector.shape_cast %swap3A_669 : vector<1x1x256x64xbf16> to vector<256x64xbf16>
    %swap3A_671 = vector.shape_cast %convert_element_type3A_664 : vector<256x64xbf16> to vector<1x1x256x64xbf16>
    tpu.vector_store %arg13[%swap3A_665, %swap3A_666, %swap3A_667, %swap3A_668], %swap3A_671 {strides = array<i32>} : memref<1x16x256x64xbf16, #tpu.memory_space<vmem>>, vector<1x1x256x64xbf16>,
    %slice3A_672 = vector.extract_strided_slice %add3A_258 {offsets = [0, 960], sizes = [256, 64], strides = [1, 1]} : vector<256x1024xf32> to vector<256x64xf32>
    %convert_element_type3A_673 = arith.truncf %slice3A_672 : vector<256x64xf32> to vector<256x64xbf16>
    %swap3A_674 = arith.constant 0 : index
    %swap3A_675 = arith.constant 15 : index
    %swap3A_676 = arith.constant 0 : index
    %swap3A_677 = arith.constant 0 : index
    %swap3A_678 = vector.load %arg12[%swap3A_674, %swap3A_675, %swap3A_676, %swap3A_677] : memref<1x16x256x64xbf16, #tpu.memory_space<vmem>>, vector<1x1x256x64xbf16>
    %swap3A_679 = vector.shape_cast %swap3A_678 : vector<1x1x256x64xbf16> to vector<256x64xbf16>
    %swap3A_680 = vector.shape_cast %convert_element_type3A_673 : vector<256x64xbf16> to vector<1x1x256x64xbf16>
    tpu.vector_store %arg12[%swap3A_674, %swap3A_675, %swap3A_676, %swap3A_677], %swap3A_680 {strides = array<i32>} : memref<1x16x256x64xbf16, #tpu.memory_space<vmem>>, vector<1x1x256x64xbf16>,
    %slice3A_681 = vector.extract_strided_slice %dot_general3A_29 {offsets = [0, 960], sizes = [256, 64], strides = [1, 1]} : vector<256x1024xf32> to vector<256x64xf32>
    %convert_element_type3A_682 = arith.truncf %slice3A_681 : vector<256x64xf32> to vector<256x64xbf16>
    %swap3A_683 = arith.constant 0 : index
    %swap3A_684 = arith.constant 15 : index
    %swap3A_685 = arith.constant 0 : index
    %swap3A_686 = arith.constant 0 : index
    %swap3A_687 = vector.load %arg13[%swap3A_683, %swap3A_684, %swap3A_685, %swap3A_686] : memref<1x16x256x64xbf16, #tpu.memory_space<vmem>>, vector<1x1x256x64xbf16>
    %swap3A_688 = vector.shape_cast %swap3A_687 : vector<1x1x256x64xbf16> to vector<256x64xbf16>
    %swap3A_689 = vector.shape_cast %convert_element_type3A_682 : vector<256x64xbf16> to vector<1x1x256x64xbf16>
    tpu.vector_store %arg13[%swap3A_683, %swap3A_684, %swap3A_685, %swap3A_686], %swap3A_689 {strides = array<i32>} : memref<1x16x256x64xbf16, #tpu.memory_space<vmem>>, vector<1x1x256x64xbf16>,
    return
  }
  func.func @transform_0(%arg0: i32, %arg1: i32) -> (i32, i32, i32) {
    %c0_i32 = arith.constant 0 : i32
    %c0_i32_0 = arith.constant 0 : i32
    return %arg0, %arg1, %c0_i32 : i32, i32, i32
  }
  func.func @transform_1(%arg0: i32, %arg1: i32) -> (i32, i32) {
    %c0_i32 = arith.constant 0 : i32
    %c0_i32_0 = arith.constant 0 : i32
    %c0_i32_1 = arith.constant 0 : i32
    return %c0_i32, %c0_i32_0 : i32, i32
  }
  func.func @transform_2(%arg0: i32, %arg1: i32) -> (i32, i32) {
    %c0_i32 = arith.constant 0 : i32
    %c0_i32_0 = arith.constant 0 : i32
    %c0_i32_1 = arith.constant 0 : i32
    return %c0_i32, %c0_i32_0 : i32, i32
  }
  func.func @transform_3(%arg0: i32, %arg1: i32) -> (i32, i32) {
    %c0_i32 = arith.constant 0 : i32
    %c0_i32_0 = arith.constant 0 : i32
    %c0_i32_1 = arith.constant 0 : i32
    return %c0_i32, %c0_i32_0 : i32, i32
  }
  func.func @transform_4(%arg0: i32, %arg1: i32) -> (i32, i32) {
    %c0_i32 = arith.constant 0 : i32
    %c0_i32_0 = arith.constant 0 : i32
    %c0_i32_1 = arith.constant 0 : i32
    return %c0_i32, %c0_i32_0 : i32, i32
  }
  func.func @transform_5(%arg0: i32, %arg1: i32) -> (i32, i32) {
    %c0_i32 = arith.constant 0 : i32
    %c0_i32_0 = arith.constant 0 : i32
    %c0_i32_1 = arith.constant 0 : i32
    return %c0_i32, %c0_i32_0 : i32, i32
  }
  func.func @transform_6(%arg0: i32, %arg1: i32) -> (i32, i32) {
    %c0_i32 = arith.constant 0 : i32
    %c0_i32_0 = arith.constant 0 : i32
    %c0_i32_1 = arith.constant 0 : i32
    return %c0_i32, %c0_i32_0 : i32, i32
  }
  func.func @transform_7(%arg0: i32, %arg1: i32) -> (i32, i32) {
    %c0_i32 = arith.constant 0 : i32
    %c0_i32_0 = arith.constant 0 : i32
    %c0_i32_1 = arith.constant 0 : i32
    return %c0_i32, %c0_i32_0 : i32, i32
  }
  func.func @transform_8(%arg0: i32, %arg1: i32) -> (i32, i32) {
    %c0_i32 = arith.constant 0 : i32
    %c0_i32_0 = arith.constant 0 : i32
    %c0_i32_1 = arith.constant 0 : i32
    return %c0_i32, %c0_i32_0 : i32, i32
  }
  func.func @transform_9(%arg0: i32, %arg1: i32) -> (i32, i32, i32, i32) {
    %c0_i32 = arith.constant 0 : i32
    %c0_i32_0 = arith.constant 0 : i32
    %c0_i32_1 = arith.constant 0 : i32
    return %arg0, %c0_i32, %arg1, %c0_i32_0 : i32, i32, i32, i32
  }
  func.func @transform_10(%arg0: i32, %arg1: i32) -> (i32, i32, i32, i32) {
    %c0_i32 = arith.constant 0 : i32
    %c0_i32_0 = arith.constant 0 : i32
    %c0_i32_1 = arith.constant 0 : i32
    return %arg0, %c0_i32, %arg1, %c0_i32_0 : i32, i32, i32, i32
  }
  func.func @transform_11(%arg0: i32, %arg1: i32) -> (i32, i32, i32, i32) {
    %c0_i32 = arith.constant 0 : i32
    %c0_i32_0 = arith.constant 0 : i32
    %c0_i32_1 = arith.constant 0 : i32
    return %arg0, %c0_i32, %arg1, %c0_i32_0 : i32, i32, i32, i32
  }
}

module attributes {stable_mosaic.version = 14 : i64} {
  func.func @_attn_kernel(%arg0: i32, %arg1: i32, %arg2: i32, %arg3: memref<1x1x256x64xbf16, #tpu.memory_space<vmem>>, %arg4: memref<1x1x2048x64xbf16, #tpu.memory_space<vmem>>, %arg5: memref<1x1x2048x64xbf16, #tpu.memory_space<vmem>>, %arg6: memref<1x1x256x64xbf16, #tpu.memory_space<vmem>>) attributes {dimension_semantics = [#tpu.dimension_semantics<arbitrary>, #tpu.dimension_semantics<arbitrary>, #tpu.dimension_semantics<arbitrary>], iteration_bounds = array<i64: 2, 16, 8>, scalar_prefetch = 0 : i64, scratch_operands = 0 : i64, tpu.core_type = #tpu.core_type<tc>, window_params = [{transform_indices = @transform_0, window_bounds = array<i64: 1, 1, 256, 64>}, {transform_indices = @transform_1, window_bounds = array<i64: 1, 1, 2048, 64>}, {transform_indices = @transform_2, window_bounds = array<i64: 1, 1, 2048, 64>}, {transform_indices = @transform_3, window_bounds = array<i64: 1, 1, 256, 64>}]} {
    %get3A = arith.constant 0 : index
    %get3A_0 = arith.constant 0 : index
    %get3A_1 = arith.constant 0 : index
    %get3A_2 = arith.constant 0 : index
    %get3A_3 = vector.load %arg3[%get3A, %get3A_0, %get3A_1, %get3A_2] : memref<1x1x256x64xbf16, #tpu.memory_space<vmem>>, vector<1x1x256x64xbf16>
    %get3A_4 = vector.shape_cast %get3A_3 : vector<1x1x256x64xbf16> to vector<256x64xbf16>
    %get3A_5 = arith.constant 0 : index
    %get3A_6 = arith.constant 0 : index
    %get3A_7 = arith.constant 0 : index
    %get3A_8 = arith.constant 0 : index
    %get3A_9 = vector.load %arg4[%get3A_5, %get3A_6, %get3A_7, %get3A_8] : memref<1x1x2048x64xbf16, #tpu.memory_space<vmem>>, vector<1x1x2048x64xbf16>
    %get3A_10 = vector.shape_cast %get3A_9 : vector<1x1x2048x64xbf16> to vector<2048x64xbf16>
    %get3A_11 = arith.constant 0 : index
    %get3A_12 = arith.constant 0 : index
    %get3A_13 = arith.constant 0 : index
    %get3A_14 = arith.constant 0 : index
    %get3A_15 = vector.load %arg5[%get3A_11, %get3A_12, %get3A_13, %get3A_14] : memref<1x1x2048x64xbf16, #tpu.memory_space<vmem>>, vector<1x1x2048x64xbf16>
    %get3A_16 = vector.shape_cast %get3A_15 : vector<1x1x2048x64xbf16> to vector<2048x64xbf16>
    %dot_general3A = arith.constant dense<0.000000e+00> : vector<256x2048xf32>
    %dot_general3A_17 = tpu.matmul %get3A_4, %get3A_10, %dot_general3A {dimension_numbers = #tpu.dot_dimension_numbers<[1], [1], [0], [0], [0, 0, 1, 0], [], []>, transpose_lhs_hint = false} : vector<256x64xbf16>, vector<2048x64xbf16>, vector<256x2048xf32> -> vector<256x2048xf32>
    %mul3A = arith.constant 1.250000e-01 : f32
    %mul3A_18 = vector.broadcast %mul3A : f32 to vector<256x2048xf32>
    %mul3A_19 = arith.mulf %dot_general3A_17, %mul3A_18 : vector<256x2048xf32>
    %mul3A_20 = arith.constant 256 : i32
    %mul3A_21 = arith.muli %arg2, %mul3A_20 : i32
    %iota3A = tpu.iota {dimensions = array<i32: 0>} : vector<256x2048xi32>
    %add3A = vector.broadcast %mul3A_21 : i32 to vector<256x2048xi32>
    %add3A_22 = arith.addi %add3A, %iota3A : vector<256x2048xi32>
    %iota3A_23 = tpu.iota {dimensions = array<i32: 1>} : vector<256x2048xi32>
    %le3A = arith.cmpi sle, %iota3A_23, %add3A_22 : vector<256x2048xi32>
    %jit3A = arith.constant -1.000000e+09 : f32
    %broadcast_in_dim3A = vector.broadcast %jit3A : f32 to vector<256x2048xf32>
    %select_n3A = arith.select %le3A, %mul3A_19, %broadcast_in_dim3A : vector<256x2048xi1>, vector<256x2048xf32>
    %reduce_max3A = arith.constant dense<0xFF800000> : vector<256xf32>
    %reduce_max3A_24 = vector.multi_reduction <maximumf>, %select_n3A, %reduce_max3A [1] : vector<256x2048xf32> to vector<256xf32>
    %broadcast_in_dim3A_25 = vector.shape_cast %reduce_max3A_24 : vector<256xf32> to vector<256x1xf32>
    %sub3A = vector.broadcast %broadcast_in_dim3A_25 : vector<256x1xf32> to vector<256x2048xf32>
    %sub3A_26 = arith.subf %select_n3A, %sub3A : vector<256x2048xf32>
    %exp3A = math.exp %sub3A_26 : vector<256x2048xf32>
    %reduce_sum3A = arith.constant dense<0.000000e+00> : vector<256xf32>
    %reduce_sum3A_27 = vector.multi_reduction <add>, %exp3A, %reduce_sum3A [1] : vector<256x2048xf32> to vector<256xf32>
    %broadcast_in_dim3A_28 = vector.shape_cast %reduce_sum3A_27 : vector<256xf32> to vector<256x1xf32>
    %div3A = vector.broadcast %broadcast_in_dim3A_28 : vector<256x1xf32> to vector<256x2048xf32>
    %div3A_29 = arith.divf %exp3A, %div3A : vector<256x2048xf32>
    %convert_element_type3A = arith.truncf %div3A_29 : vector<256x2048xf32> to vector<256x2048xbf16>
    %dot_general3A_30 = arith.constant dense<0.000000e+00> : vector<256x64xf32>
    %dot_general3A_31 = tpu.matmul %convert_element_type3A, %get3A_16, %dot_general3A_30 {dimension_numbers = #tpu.dot_dimension_numbers<[1], [0], [0], [1], [0, 0, 1, 1], [], []>, transpose_lhs_hint = false} : vector<256x2048xbf16>, vector<2048x64xbf16>, vector<256x64xf32> -> vector<256x64xf32>
    %convert_element_type3A_32 = arith.truncf %dot_general3A_31 : vector<256x64xf32> to vector<256x64xbf16>
    %swap3A = arith.constant 0 : index
    %swap3A_33 = arith.constant 0 : index
    %swap3A_34 = arith.constant 0 : index
    %swap3A_35 = arith.constant 0 : index
    %swap3A_36 = vector.load %arg6[%swap3A, %swap3A_33, %swap3A_34, %swap3A_35] : memref<1x1x256x64xbf16, #tpu.memory_space<vmem>>, vector<1x1x256x64xbf16>
    %swap3A_37 = vector.shape_cast %swap3A_36 : vector<1x1x256x64xbf16> to vector<256x64xbf16>
    %swap3A_38 = vector.shape_cast %convert_element_type3A_32 : vector<256x64xbf16> to vector<1x1x256x64xbf16>
    tpu.vector_store %arg6[%swap3A, %swap3A_33, %swap3A_34, %swap3A_35], %swap3A_38 {strides = array<i32>} : memref<1x1x256x64xbf16, #tpu.memory_space<vmem>>, vector<1x1x256x64xbf16>,
    return
  }
  func.func @transform_0(%arg0: i32, %arg1: i32, %arg2: i32) -> (i32, i32, i32, i32) {
    %c0_i32 = arith.constant 0 : i32
    %c0_i32_0 = arith.constant 0 : i32
    return %arg0, %arg1, %arg2, %c0_i32 : i32, i32, i32, i32
  }
  func.func @transform_1(%arg0: i32, %arg1: i32, %arg2: i32) -> (i32, i32, i32, i32) {
    %c0_i32 = arith.constant 0 : i32
    %c0_i32_0 = arith.constant 0 : i32
    %c0_i32_1 = arith.constant 0 : i32
    return %arg0, %arg1, %c0_i32, %c0_i32_0 : i32, i32, i32, i32
  }
  func.func @transform_2(%arg0: i32, %arg1: i32, %arg2: i32) -> (i32, i32, i32, i32) {
    %c0_i32 = arith.constant 0 : i32
    %c0_i32_0 = arith.constant 0 : i32
    %c0_i32_1 = arith.constant 0 : i32
    return %arg0, %arg1, %c0_i32, %c0_i32_0 : i32, i32, i32, i32
  }
  func.func @transform_3(%arg0: i32, %arg1: i32, %arg2: i32) -> (i32, i32, i32, i32) {
    %c0_i32 = arith.constant 0 : i32
    %c0_i32_0 = arith.constant 0 : i32
    return %arg0, %arg1, %arg2, %c0_i32 : i32, i32, i32, i32
  }
}

module attributes {stable_mosaic.version = 14 : i64} {
  func.func @_post_kernel(%arg0: i32, %arg1: i32, %arg2: memref<1x16x256x64xbf16, #tpu.memory_space<vmem>>, %arg3: memref<1x256x1024xf32, #tpu.memory_space<vmem>>, %arg4: memref<1x1024xf32, #tpu.memory_space<vmem>>, %arg5: memref<1024x1024xbf16, #tpu.memory_space<vmem>>, %arg6: memref<16x1024xf32, #tpu.memory_space<vmem>>, %arg7: memref<256x1024xf32, #tpu.memory_space<vmem>>, %arg8: memref<256x1024xf32, #tpu.memory_space<vmem>>, %arg9: memref<256x16xf32, #tpu.memory_space<vmem>>) attributes {dimension_semantics = [#tpu.dimension_semantics<arbitrary>, #tpu.dimension_semantics<arbitrary>], iteration_bounds = array<i64: 2, 8>, scalar_prefetch = 0 : i64, scratch_operands = 0 : i64, tpu.core_type = #tpu.core_type<tc>, window_params = [{transform_indices = @transform_0, window_bounds = array<i64: 1, 16, 256, 64>}, {transform_indices = @transform_1, window_bounds = array<i64: 1, 256, 1024>}, {pipeline_mode = #tpu.pipeline_mode<synchronous>, transform_indices = @transform_2, window_bounds = array<i64: 1, 1024>}, {pipeline_mode = #tpu.pipeline_mode<synchronous>, transform_indices = @transform_3, window_bounds = array<i64: 1024, 1024>}, {pipeline_mode = #tpu.pipeline_mode<synchronous>, transform_indices = @transform_4, window_bounds = array<i64: 16, 1024>}, {transform_indices = @transform_5, window_bounds = array<i64: 256, 1024>}, {transform_indices = @transform_6, window_bounds = array<i64: 256, 1024>}, {transform_indices = @transform_7, window_bounds = array<i64: 256, 16>}]} {
    %get3A = arith.constant 0 : index
    %get3A_0 = arith.constant 0 : index
    %get3A_1 = arith.constant 0 : index
    %get3A_2 = arith.constant 0 : index
    %get3A_3 = vector.load %arg2[%get3A, %get3A_0, %get3A_1, %get3A_2] : memref<1x16x256x64xbf16, #tpu.memory_space<vmem>>, vector<1x1x256x64xbf16>
    %get3A_4 = vector.shape_cast %get3A_3 : vector<1x1x256x64xbf16> to vector<256x64xbf16>
    %get3A_5 = arith.constant 0 : index
    %get3A_6 = arith.constant 1 : index
    %get3A_7 = arith.constant 0 : index
    %get3A_8 = arith.constant 0 : index
    %get3A_9 = vector.load %arg2[%get3A_5, %get3A_6, %get3A_7, %get3A_8] : memref<1x16x256x64xbf16, #tpu.memory_space<vmem>>, vector<1x1x256x64xbf16>
    %get3A_10 = vector.shape_cast %get3A_9 : vector<1x1x256x64xbf16> to vector<256x64xbf16>
    %get3A_11 = arith.constant 0 : index
    %get3A_12 = arith.constant 2 : index
    %get3A_13 = arith.constant 0 : index
    %get3A_14 = arith.constant 0 : index
    %get3A_15 = vector.load %arg2[%get3A_11, %get3A_12, %get3A_13, %get3A_14] : memref<1x16x256x64xbf16, #tpu.memory_space<vmem>>, vector<1x1x256x64xbf16>
    %get3A_16 = vector.shape_cast %get3A_15 : vector<1x1x256x64xbf16> to vector<256x64xbf16>
    %get3A_17 = arith.constant 0 : index
    %get3A_18 = arith.constant 3 : index
    %get3A_19 = arith.constant 0 : index
    %get3A_20 = arith.constant 0 : index
    %get3A_21 = vector.load %arg2[%get3A_17, %get3A_18, %get3A_19, %get3A_20] : memref<1x16x256x64xbf16, #tpu.memory_space<vmem>>, vector<1x1x256x64xbf16>
    %get3A_22 = vector.shape_cast %get3A_21 : vector<1x1x256x64xbf16> to vector<256x64xbf16>
    %get3A_23 = arith.constant 0 : index
    %get3A_24 = arith.constant 4 : index
    %get3A_25 = arith.constant 0 : index
    %get3A_26 = arith.constant 0 : index
    %get3A_27 = vector.load %arg2[%get3A_23, %get3A_24, %get3A_25, %get3A_26] : memref<1x16x256x64xbf16, #tpu.memory_space<vmem>>, vector<1x1x256x64xbf16>
    %get3A_28 = vector.shape_cast %get3A_27 : vector<1x1x256x64xbf16> to vector<256x64xbf16>
    %get3A_29 = arith.constant 0 : index
    %get3A_30 = arith.constant 5 : index
    %get3A_31 = arith.constant 0 : index
    %get3A_32 = arith.constant 0 : index
    %get3A_33 = vector.load %arg2[%get3A_29, %get3A_30, %get3A_31, %get3A_32] : memref<1x16x256x64xbf16, #tpu.memory_space<vmem>>, vector<1x1x256x64xbf16>
    %get3A_34 = vector.shape_cast %get3A_33 : vector<1x1x256x64xbf16> to vector<256x64xbf16>
    %get3A_35 = arith.constant 0 : index
    %get3A_36 = arith.constant 6 : index
    %get3A_37 = arith.constant 0 : index
    %get3A_38 = arith.constant 0 : index
    %get3A_39 = vector.load %arg2[%get3A_35, %get3A_36, %get3A_37, %get3A_38] : memref<1x16x256x64xbf16, #tpu.memory_space<vmem>>, vector<1x1x256x64xbf16>
    %get3A_40 = vector.shape_cast %get3A_39 : vector<1x1x256x64xbf16> to vector<256x64xbf16>
    %get3A_41 = arith.constant 0 : index
    %get3A_42 = arith.constant 7 : index
    %get3A_43 = arith.constant 0 : index
    %get3A_44 = arith.constant 0 : index
    %get3A_45 = vector.load %arg2[%get3A_41, %get3A_42, %get3A_43, %get3A_44] : memref<1x16x256x64xbf16, #tpu.memory_space<vmem>>, vector<1x1x256x64xbf16>
    %get3A_46 = vector.shape_cast %get3A_45 : vector<1x1x256x64xbf16> to vector<256x64xbf16>
    %get3A_47 = arith.constant 0 : index
    %get3A_48 = arith.constant 8 : index
    %get3A_49 = arith.constant 0 : index
    %get3A_50 = arith.constant 0 : index
    %get3A_51 = vector.load %arg2[%get3A_47, %get3A_48, %get3A_49, %get3A_50] : memref<1x16x256x64xbf16, #tpu.memory_space<vmem>>, vector<1x1x256x64xbf16>
    %get3A_52 = vector.shape_cast %get3A_51 : vector<1x1x256x64xbf16> to vector<256x64xbf16>
    %get3A_53 = arith.constant 0 : index
    %get3A_54 = arith.constant 9 : index
    %get3A_55 = arith.constant 0 : index
    %get3A_56 = arith.constant 0 : index
    %get3A_57 = vector.load %arg2[%get3A_53, %get3A_54, %get3A_55, %get3A_56] : memref<1x16x256x64xbf16, #tpu.memory_space<vmem>>, vector<1x1x256x64xbf16>
    %get3A_58 = vector.shape_cast %get3A_57 : vector<1x1x256x64xbf16> to vector<256x64xbf16>
    %get3A_59 = arith.constant 0 : index
    %get3A_60 = arith.constant 10 : index
    %get3A_61 = arith.constant 0 : index
    %get3A_62 = arith.constant 0 : index
    %get3A_63 = vector.load %arg2[%get3A_59, %get3A_60, %get3A_61, %get3A_62] : memref<1x16x256x64xbf16, #tpu.memory_space<vmem>>, vector<1x1x256x64xbf16>
    %get3A_64 = vector.shape_cast %get3A_63 : vector<1x1x256x64xbf16> to vector<256x64xbf16>
    %get3A_65 = arith.constant 0 : index
    %get3A_66 = arith.constant 11 : index
    %get3A_67 = arith.constant 0 : index
    %get3A_68 = arith.constant 0 : index
    %get3A_69 = vector.load %arg2[%get3A_65, %get3A_66, %get3A_67, %get3A_68] : memref<1x16x256x64xbf16, #tpu.memory_space<vmem>>, vector<1x1x256x64xbf16>
    %get3A_70 = vector.shape_cast %get3A_69 : vector<1x1x256x64xbf16> to vector<256x64xbf16>
    %get3A_71 = arith.constant 0 : index
    %get3A_72 = arith.constant 12 : index
    %get3A_73 = arith.constant 0 : index
    %get3A_74 = arith.constant 0 : index
    %get3A_75 = vector.load %arg2[%get3A_71, %get3A_72, %get3A_73, %get3A_74] : memref<1x16x256x64xbf16, #tpu.memory_space<vmem>>, vector<1x1x256x64xbf16>
    %get3A_76 = vector.shape_cast %get3A_75 : vector<1x1x256x64xbf16> to vector<256x64xbf16>
    %get3A_77 = arith.constant 0 : index
    %get3A_78 = arith.constant 13 : index
    %get3A_79 = arith.constant 0 : index
    %get3A_80 = arith.constant 0 : index
    %get3A_81 = vector.load %arg2[%get3A_77, %get3A_78, %get3A_79, %get3A_80] : memref<1x16x256x64xbf16, #tpu.memory_space<vmem>>, vector<1x1x256x64xbf16>
    %get3A_82 = vector.shape_cast %get3A_81 : vector<1x1x256x64xbf16> to vector<256x64xbf16>
    %get3A_83 = arith.constant 0 : index
    %get3A_84 = arith.constant 14 : index
    %get3A_85 = arith.constant 0 : index
    %get3A_86 = arith.constant 0 : index
    %get3A_87 = vector.load %arg2[%get3A_83, %get3A_84, %get3A_85, %get3A_86] : memref<1x16x256x64xbf16, #tpu.memory_space<vmem>>, vector<1x1x256x64xbf16>
    %get3A_88 = vector.shape_cast %get3A_87 : vector<1x1x256x64xbf16> to vector<256x64xbf16>
    %get3A_89 = arith.constant 0 : index
    %get3A_90 = arith.constant 15 : index
    %get3A_91 = arith.constant 0 : index
    %get3A_92 = arith.constant 0 : index
    %get3A_93 = vector.load %arg2[%get3A_89, %get3A_90, %get3A_91, %get3A_92] : memref<1x16x256x64xbf16, #tpu.memory_space<vmem>>, vector<1x1x256x64xbf16>
    %get3A_94 = vector.shape_cast %get3A_93 : vector<1x1x256x64xbf16> to vector<256x64xbf16>
    %concatenate3A = tpu.concatenate %get3A_4, %get3A_10, %get3A_16, %get3A_22, %get3A_28, %get3A_34, %get3A_40, %get3A_46, %get3A_52, %get3A_58, %get3A_64, %get3A_70, %get3A_76, %get3A_82, %get3A_88, %get3A_94 in 1 : vector<256x64xbf16>, vector<256x64xbf16>, vector<256x64xbf16>, vector<256x64xbf16>, vector<256x64xbf16>, vector<256x64xbf16>, vector<256x64xbf16>, vector<256x64xbf16>, vector<256x64xbf16>, vector<256x64xbf16>, vector<256x64xbf16>, vector<256x64xbf16>, vector<256x64xbf16>, vector<256x64xbf16>, vector<256x64xbf16>, vector<256x64xbf16> -> vector<256x1024xbf16>
    %get3A_95 = arith.constant 0 : index
    %get3A_96 = arith.constant 0 : index
    %get3A_97 = arith.constant 0 : index
    %get3A_98 = vector.load %arg3[%get3A_95, %get3A_96, %get3A_97] : memref<1x256x1024xf32, #tpu.memory_space<vmem>>, vector<1x256x1024xf32>
    %get3A_99 = vector.shape_cast %get3A_98 : vector<1x256x1024xf32> to vector<256x1024xf32>
    %get3A_100 = arith.constant 0 : index
    %get3A_101 = arith.constant 0 : index
    %get3A_102 = vector.load %arg5[%get3A_100, %get3A_101] : memref<1024x1024xbf16, #tpu.memory_space<vmem>>, vector<1024x1024xbf16>
    %dot_general3A = arith.constant dense<0.000000e+00> : vector<256x1024xf32>
    %dot_general3A_103 = tpu.matmul %concatenate3A, %get3A_102, %dot_general3A {dimension_numbers = #tpu.dot_dimension_numbers<[1], [1], [0], [0], [0, 0, 1, 0], [], []>, transpose_lhs_hint = false} : vector<256x1024xbf16>, vector<1024x1024xbf16>, vector<256x1024xf32> -> vector<256x1024xf32>
    %add3A = arith.addf %get3A_99, %dot_general3A_103 : vector<256x1024xf32>
    %get3A_104 = arith.constant 0 : index
    %get3A_105 = arith.constant 0 : index
    %get3A_106 = vector.load %arg4[%get3A_104, %get3A_105] : memref<1x1024xf32, #tpu.memory_space<vmem>>, vector<1x1024xf32>
    %mul3A = arith.mulf %add3A, %add3A : vector<256x1024xf32>
    %reduce_sum3A = arith.constant dense<0.000000e+00> : vector<256xf32>
    %reduce_sum3A_107 = vector.multi_reduction <add>, %mul3A, %reduce_sum3A [1] : vector<256x1024xf32> to vector<256xf32>
    %broadcast_in_dim3A = vector.shape_cast %reduce_sum3A_107 : vector<256xf32> to vector<256x1xf32>
    %div3A = arith.constant 1.024000e+03 : f32
    %div3A_108 = vector.broadcast %div3A : f32 to vector<256x1xf32>
    %div3A_109 = arith.divf %broadcast_in_dim3A, %div3A_108 : vector<256x1xf32>
    %add3A_110 = arith.constant 9.99999997E-7 : f32
    %add3A_111 = vector.broadcast %add3A_110 : f32 to vector<256x1xf32>
    %add3A_112 = arith.addf %div3A_109, %add3A_111 : vector<256x1xf32>
    %rsqrt3A = math.rsqrt %add3A_112 : vector<256x1xf32>
    %mul3A_113 = vector.broadcast %rsqrt3A : vector<256x1xf32> to vector<256x1024xf32>
    %mul3A_114 = arith.mulf %add3A, %mul3A_113 : vector<256x1024xf32>
    %mul3A_115 = vector.broadcast %get3A_106 : vector<1x1024xf32> to vector<256x1024xf32>
    %mul3A_116 = arith.mulf %mul3A_115, %mul3A_114 : vector<256x1024xf32>
    %swap3A = arith.constant 0 : index
    %swap3A_117 = arith.constant 0 : index
    %swap3A_118 = vector.load %arg7[%swap3A, %swap3A_117] : memref<256x1024xf32, #tpu.memory_space<vmem>>, vector<256x1024xf32>
    tpu.vector_store %arg7[%swap3A, %swap3A_117], %add3A {strides = array<i32>} : memref<256x1024xf32, #tpu.memory_space<vmem>>, vector<256x1024xf32>,
    %swap3A_119 = arith.constant 0 : index
    %swap3A_120 = arith.constant 0 : index
    %swap3A_121 = vector.load %arg8[%swap3A_119, %swap3A_120] : memref<256x1024xf32, #tpu.memory_space<vmem>>, vector<256x1024xf32>
    tpu.vector_store %arg8[%swap3A_119, %swap3A_120], %mul3A_116 {strides = array<i32>} : memref<256x1024xf32, #tpu.memory_space<vmem>>, vector<256x1024xf32>,
    %get3A_122 = arith.constant 0 : index
    %get3A_123 = arith.constant 0 : index
    %get3A_124 = vector.load %arg6[%get3A_122, %get3A_123] : memref<16x1024xf32, #tpu.memory_space<vmem>>, vector<16x1024xf32>
    %dot_general3A_125 = arith.constant dense<0.000000e+00> : vector<256x16xf32>
    %dot_general3A_126 = tpu.matmul %mul3A_116, %get3A_124, %dot_general3A_125 {dimension_numbers = #tpu.dot_dimension_numbers<[1], [1], [0], [0], [0, 0, 1, 0], [], []>, precision = #tpu.contract_precision<fp32>, transpose_lhs_hint = false} : vector<256x1024xf32>, vector<16x1024xf32>, vector<256x16xf32> -> vector<256x16xf32>
    %swap3A_127 = arith.constant 0 : index
    %swap3A_128 = arith.constant 0 : index
    %swap3A_129 = vector.load %arg9[%swap3A_127, %swap3A_128] : memref<256x16xf32, #tpu.memory_space<vmem>>, vector<256x16xf32>
    tpu.vector_store %arg9[%swap3A_127, %swap3A_128], %dot_general3A_126 {strides = array<i32>} : memref<256x16xf32, #tpu.memory_space<vmem>>, vector<256x16xf32>,
    return
  }
  func.func @transform_0(%arg0: i32, %arg1: i32) -> (i32, i32, i32, i32) {
    %c0_i32 = arith.constant 0 : i32
    %c0_i32_0 = arith.constant 0 : i32
    %c0_i32_1 = arith.constant 0 : i32
    return %arg0, %c0_i32, %arg1, %c0_i32_0 : i32, i32, i32, i32
  }
  func.func @transform_1(%arg0: i32, %arg1: i32) -> (i32, i32, i32) {
    %c0_i32 = arith.constant 0 : i32
    %c0_i32_0 = arith.constant 0 : i32
    return %arg0, %arg1, %c0_i32 : i32, i32, i32
  }
  func.func @transform_2(%arg0: i32, %arg1: i32) -> (i32, i32) {
    %c0_i32 = arith.constant 0 : i32
    %c0_i32_0 = arith.constant 0 : i32
    %c0_i32_1 = arith.constant 0 : i32
    return %c0_i32, %c0_i32_0 : i32, i32
  }
  func.func @transform_3(%arg0: i32, %arg1: i32) -> (i32, i32) {
    %c0_i32 = arith.constant 0 : i32
    %c0_i32_0 = arith.constant 0 : i32
    %c0_i32_1 = arith.constant 0 : i32
    return %c0_i32, %c0_i32_0 : i32, i32
  }
  func.func @transform_4(%arg0: i32, %arg1: i32) -> (i32, i32) {
    %c0_i32 = arith.constant 0 : i32
    %c0_i32_0 = arith.constant 0 : i32
    %c0_i32_1 = arith.constant 0 : i32
    return %c0_i32, %c0_i32_0 : i32, i32
  }
  func.func @transform_5(%arg0: i32, %arg1: i32) -> (i32, i32) {
    %mul3A = arith.constant 8 : i32
    %mul3A_0 = arith.muli %arg0, %mul3A : i32
    %add3A = arith.addi %mul3A_0, %arg1 : i32
    %c0_i32 = arith.constant 0 : i32
    %c0_i32_1 = arith.constant 0 : i32
    return %add3A, %c0_i32 : i32, i32
  }
  func.func @transform_6(%arg0: i32, %arg1: i32) -> (i32, i32) {
    %mul3A = arith.constant 8 : i32
    %mul3A_0 = arith.muli %arg0, %mul3A : i32
    %add3A = arith.addi %mul3A_0, %arg1 : i32
    %c0_i32 = arith.constant 0 : i32
    %c0_i32_1 = arith.constant 0 : i32
    return %add3A, %c0_i32 : i32, i32
  }
  func.func @transform_7(%arg0: i32, %arg1: i32) -> (i32, i32) {
    %mul3A = arith.constant 8 : i32
    %mul3A_0 = arith.muli %arg0, %mul3A : i32
    %add3A = arith.addi %mul3A_0, %arg1 : i32
    %c0_i32 = arith.constant 0 : i32
    %c0_i32_1 = arith.constant 0 : i32
    return %add3A, %c0_i32 : i32, i32
  }
}

module attributes {stable_mosaic.version = 14 : i64} {
  func.func @_route_stats_kernel(%arg0: i32, %arg1: memref<256x16xf32, #tpu.memory_space<vmem>>, %arg2: memref<256x8xf32, #tpu.memory_space<vmem>>, %arg3: memref<1x16xf32, #tpu.memory_space<vmem>>, %arg4: memref<1x128xf32, #tpu.memory_space<vmem>>) attributes {dimension_semantics = [#tpu.dimension_semantics<arbitrary>], iteration_bounds = array<i64: 16>, scalar_prefetch = 0 : i64, scratch_operands = 1 : i64, tpu.core_type = #tpu.core_type<tc>, window_params = [{transform_indices = @transform_0, window_bounds = array<i64: 256, 16>}, {transform_indices = @transform_1, window_bounds = array<i64: 256, 8>}, {pipeline_mode = #tpu.pipeline_mode<synchronous>, transform_indices = @transform_2, window_bounds = array<i64: 1, 16>}]} {
    %eq3A = arith.constant 0 : i32
    %eq3A_0 = arith.cmpi eq, %arg0, %eq3A : i32
    %convert_element_type3A = arith.extui %eq3A_0 : i1 to i32
    %cond3A = arith.constant 0 : i32
    %cond3A_1 = arith.cmpi ne, %convert_element_type3A, %cond3A : i32
    scf.if %cond3A_1 {
      %broadcast_in_dim3A_83 = arith.constant 0.000000e+00 : f32
      %broadcast_in_dim3A_84 = vector.broadcast %broadcast_in_dim3A_83 : f32 to vector<1x128xf32>
      %swap3A_85 = arith.constant 0 : index
      %swap3A_86 = arith.constant 0 : index
      %swap3A_87 = vector.load %arg4[%swap3A_85, %swap3A_86] : memref<1x128xf32, #tpu.memory_space<vmem>>, vector<1x128xf32>
      tpu.vector_store %arg4[%swap3A_85, %swap3A_86], %broadcast_in_dim3A_84 {strides = array<i32>} : memref<1x128xf32, #tpu.memory_space<vmem>>, vector<1x128xf32>,
    } else {
    }
    %get3A = arith.constant 0 : index
    %get3A_2 = arith.constant 0 : index
    %get3A_3 = vector.load %arg1[%get3A, %get3A_2] : memref<256x16xf32, #tpu.memory_space<vmem>>, vector<256x16xf32>
    %reduce_max3A = arith.constant dense<0xFF800000> : vector<256xf32>
    %reduce_max3A_4 = vector.multi_reduction <maximumf>, %get3A_3, %reduce_max3A [1] : vector<256x16xf32> to vector<256xf32>
    %broadcast_in_dim3A = vector.shape_cast %reduce_max3A_4 : vector<256xf32> to vector<256x1xf32>
    %sub3A = vector.broadcast %broadcast_in_dim3A : vector<256x1xf32> to vector<256x16xf32>
    %sub3A_5 = arith.subf %get3A_3, %sub3A : vector<256x16xf32>
    %exp3A = math.exp %sub3A_5 : vector<256x16xf32>
    %reduce_sum3A = arith.constant dense<0.000000e+00> : vector<256xf32>
    %reduce_sum3A_6 = vector.multi_reduction <add>, %exp3A, %reduce_sum3A [1] : vector<256x16xf32> to vector<256xf32>
    %broadcast_in_dim3A_7 = vector.shape_cast %reduce_sum3A_6 : vector<256xf32> to vector<256x1xf32>
    %div3A = vector.broadcast %broadcast_in_dim3A_7 : vector<256x1xf32> to vector<256x16xf32>
    %div3A_8 = arith.divf %exp3A, %div3A : vector<256x16xf32>
    %iota3A = tpu.iota {dimensions = array<i32: 1>} : vector<256x16xi32>
    %reduce_max3A_9 = arith.constant dense<0xFF800000> : vector<256xf32>
    %reduce_max3A_10 = vector.multi_reduction <maximumf>, %div3A_8, %reduce_max3A_9 [1] : vector<256x16xf32> to vector<256xf32>
    %broadcast_in_dim3A_11 = vector.shape_cast %reduce_max3A_10 : vector<256xf32> to vector<256x1xf32>
    %eq3A_12 = vector.broadcast %broadcast_in_dim3A_11 : vector<256x1xf32> to vector<256x16xf32>
    %eq3A_13 = arith.cmpf oeq, %div3A_8, %eq3A_12 : vector<256x16xf32>
    %jit3A = arith.constant 16 : i32
    %broadcast_in_dim3A_14 = vector.broadcast %jit3A : i32 to vector<256x16xi32>
    %select_n3A = arith.select %eq3A_13, %iota3A, %broadcast_in_dim3A_14 : vector<256x16xi1>, vector<256x16xi32>
    %reduce_min3A = arith.constant dense<2147483647> : vector<256xi32>
    %reduce_min3A_15 = vector.multi_reduction <minsi>, %select_n3A, %reduce_min3A [1] : vector<256x16xi32> to vector<256xi32>
    %broadcast_in_dim3A_16 = vector.shape_cast %reduce_min3A_15 : vector<256xi32> to vector<256x1xi32>
    %eq3A_17 = vector.broadcast %broadcast_in_dim3A_16 : vector<256x1xi32> to vector<256x16xi32>
    %eq3A_18 = arith.cmpi eq, %iota3A, %eq3A_17 : vector<256x16xi32>
    %convert_element_type3A_19 = arith.extui %eq3A_18 : vector<256x16xi1> to vector<256x16xi32>
    %convert_element_type3A_20 = arith.sitofp %convert_element_type3A_19 : vector<256x16xi32> to vector<256x16xf32>
    %eq3A_21 = vector.broadcast %broadcast_in_dim3A_16 : vector<256x1xi32> to vector<256x16xi32>
    %eq3A_22 = arith.cmpi eq, %iota3A, %eq3A_21 : vector<256x16xi32>
    %jit3A_23 = arith.constant -1.000000e+00 : f32
    %broadcast_in_dim3A_24 = vector.broadcast %jit3A_23 : f32 to vector<256x16xf32>
    %select_n3A_25 = arith.select %eq3A_22, %broadcast_in_dim3A_24, %div3A_8 : vector<256x16xi1>, vector<256x16xf32>
    %reduce_max3A_26 = arith.constant dense<0xFF800000> : vector<256xf32>
    %reduce_max3A_27 = vector.multi_reduction <maximumf>, %select_n3A_25, %reduce_max3A_26 [1] : vector<256x16xf32> to vector<256xf32>
    %broadcast_in_dim3A_28 = vector.shape_cast %reduce_max3A_27 : vector<256xf32> to vector<256x1xf32>
    %eq3A_29 = vector.broadcast %broadcast_in_dim3A_28 : vector<256x1xf32> to vector<256x16xf32>
    %eq3A_30 = arith.cmpf oeq, %select_n3A_25, %eq3A_29 : vector<256x16xf32>
    %jit3A_31 = arith.constant 16 : i32
    %broadcast_in_dim3A_32 = vector.broadcast %jit3A_31 : i32 to vector<256x16xi32>
    %select_n3A_33 = arith.select %eq3A_30, %iota3A, %broadcast_in_dim3A_32 : vector<256x16xi1>, vector<256x16xi32>
    %reduce_min3A_34 = arith.constant dense<2147483647> : vector<256xi32>
    %reduce_min3A_35 = vector.multi_reduction <minsi>, %select_n3A_33, %reduce_min3A_34 [1] : vector<256x16xi32> to vector<256xi32>
    %broadcast_in_dim3A_36 = vector.shape_cast %reduce_min3A_35 : vector<256xi32> to vector<256x1xi32>
    %eq3A_37 = vector.broadcast %broadcast_in_dim3A_36 : vector<256x1xi32> to vector<256x16xi32>
    %eq3A_38 = arith.cmpi eq, %iota3A, %eq3A_37 : vector<256x16xi32>
    %convert_element_type3A_39 = arith.extui %eq3A_38 : vector<256x16xi1> to vector<256x16xi32>
    %convert_element_type3A_40 = arith.sitofp %convert_element_type3A_39 : vector<256x16xi32> to vector<256x16xf32>
    %add3A = arith.addf %broadcast_in_dim3A_11, %broadcast_in_dim3A_28 : vector<256x1xf32>
    %div3A_41 = arith.divf %broadcast_in_dim3A_11, %add3A : vector<256x1xf32>
    %div3A_42 = arith.divf %broadcast_in_dim3A_28, %add3A : vector<256x1xf32>
    %add3A_43 = arith.addf %convert_element_type3A_20, %convert_element_type3A_40 : vector<256x16xf32>
    %iota3A_44 = tpu.iota {dimensions = array<i32: 1>} : vector<256x256xi32>
    %iota3A_45 = tpu.iota {dimensions = array<i32: 0>} : vector<256x256xi32>
    %lt3A = arith.cmpi slt, %iota3A_44, %iota3A_45 : vector<256x256xi32>
    %convert_element_type3A_46 = arith.extui %lt3A : vector<256x256xi1> to vector<256x256xi32>
    %convert_element_type3A_47 = arith.sitofp %convert_element_type3A_46 : vector<256x256xi32> to vector<256x256xf32>
    %dot_general3A = arith.constant dense<0.000000e+00> : vector<256x16xf32>
    %dot_general3A_48 = tpu.matmul %convert_element_type3A_47, %add3A_43, %dot_general3A {dimension_numbers = #tpu.dot_dimension_numbers<[1], [0], [0], [1], [0, 0, 1, 1], [], []>, transpose_lhs_hint = false} : vector<256x256xf32>, vector<256x16xf32>, vector<256x16xf32> -> vector<256x16xf32>
    %get3A_49 = arith.constant 0 : index
    %get3A_50 = arith.constant 0 : index
    %get3A_51 = vector.load %arg4[%get3A_49, %get3A_50] : memref<1x128xf32, #tpu.memory_space<vmem>>, vector<1x16xf32>
    %add3A_52 = vector.broadcast %get3A_51 : vector<1x16xf32> to vector<256x16xf32>
    %add3A_53 = arith.addf %dot_general3A_48, %add3A_52 : vector<256x16xf32>
    %mul3A = arith.mulf %add3A_53, %convert_element_type3A_20 : vector<256x16xf32>
    %reduce_sum3A_54 = arith.constant dense<0.000000e+00> : vector<256xf32>
    %reduce_sum3A_55 = vector.multi_reduction <add>, %mul3A, %reduce_sum3A_54 [1] : vector<256x16xf32> to vector<256xf32>
    %broadcast_in_dim3A_56 = vector.shape_cast %reduce_sum3A_55 : vector<256xf32> to vector<256x1xf32>
    %mul3A_57 = arith.mulf %add3A_53, %convert_element_type3A_40 : vector<256x16xf32>
    %reduce_sum3A_58 = arith.constant dense<0.000000e+00> : vector<256xf32>
    %reduce_sum3A_59 = vector.multi_reduction <add>, %mul3A_57, %reduce_sum3A_58 [1] : vector<256x16xf32> to vector<256xf32>
    %broadcast_in_dim3A_60 = vector.shape_cast %reduce_sum3A_59 : vector<256xf32> to vector<256x1xf32>
    %get3A_61 = arith.constant 0 : index
    %get3A_62 = arith.constant 0 : index
    %get3A_63 = vector.load %arg4[%get3A_61, %get3A_62] : memref<1x128xf32, #tpu.memory_space<vmem>>, vector<1x16xf32>
    %reduce_sum3A_64 = arith.constant dense<0.000000e+00> : vector<16xf32>
    %reduce_sum3A_65 = vector.multi_reduction <add>, %add3A_43, %reduce_sum3A_64 [0] : vector<256x16xf32> to vector<16xf32>
    %broadcast_in_dim3A_66 = vector.shape_cast %reduce_sum3A_65 : vector<16xf32> to vector<1x16xf32>
    %add3A_67 = arith.addf %get3A_63, %broadcast_in_dim3A_66 : vector<1x16xf32>
    %swap3A = arith.constant 0 : index
    %swap3A_68 = arith.constant 0 : index
    %swap3A_69 = vector.load %arg4[%swap3A, %swap3A_68] : memref<1x128xf32, #tpu.memory_space<vmem>>, vector<1x16xf32>
    tpu.vector_store %arg4[%swap3A, %swap3A_68], %add3A_67 {strides = array<i32>} : memref<1x128xf32, #tpu.memory_space<vmem>>, vector<1x16xf32>,
    %get3A_70 = arith.constant 0 : index
    %get3A_71 = arith.constant 0 : index
    %get3A_72 = vector.load %arg4[%get3A_70, %get3A_71] : memref<1x128xf32, #tpu.memory_space<vmem>>, vector<1x16xf32>
    %swap3A_73 = arith.constant 0 : index
    %swap3A_74 = arith.constant 0 : index
    %swap3A_75 = vector.load %arg3[%swap3A_73, %swap3A_74] : memref<1x16xf32, #tpu.memory_space<vmem>>, vector<1x16xf32>
    tpu.vector_store %arg3[%swap3A_73, %swap3A_74], %get3A_72 {strides = array<i32>} : memref<1x16xf32, #tpu.memory_space<vmem>>, vector<1x16xf32>,
    %broadcast_in_dim3A_76 = arith.constant 0.000000e+00 : f32
    %broadcast_in_dim3A_77 = vector.broadcast %broadcast_in_dim3A_76 : f32 to vector<256x1xf32>
    %convert_element_type3A_78 = arith.sitofp %broadcast_in_dim3A_16 : vector<256x1xi32> to vector<256x1xf32>
    %convert_element_type3A_79 = arith.sitofp %broadcast_in_dim3A_36 : vector<256x1xi32> to vector<256x1xf32>
    %concatenate3A = tpu.concatenate %convert_element_type3A_78, %convert_element_type3A_79, %broadcast_in_dim3A_56, %broadcast_in_dim3A_60, %div3A_41, %div3A_42, %broadcast_in_dim3A_77, %broadcast_in_dim3A_77 in 1 : vector<256x1xf32>, vector<256x1xf32>, vector<256x1xf32>, vector<256x1xf32>, vector<256x1xf32>, vector<256x1xf32>, vector<256x1xf32>, vector<256x1xf32> -> vector<256x8xf32>
    %swap3A_80 = arith.constant 0 : index
    %swap3A_81 = arith.constant 0 : index
    %swap3A_82 = vector.load %arg2[%swap3A_80, %swap3A_81] : memref<256x8xf32, #tpu.memory_space<vmem>>, vector<256x8xf32>
    tpu.vector_store %arg2[%swap3A_80, %swap3A_81], %concatenate3A {strides = array<i32>} : memref<256x8xf32, #tpu.memory_space<vmem>>, vector<256x8xf32>,
    return
  }
  func.func @transform_0(%arg0: i32) -> (i32, i32) {
    %c0_i32 = arith.constant 0 : i32
    %c0_i32_0 = arith.constant 0 : i32
    return %arg0, %c0_i32 : i32, i32
  }
  func.func @transform_1(%arg0: i32) -> (i32, i32) {
    %c0_i32 = arith.constant 0 : i32
    %c0_i32_0 = arith.constant 0 : i32
    return %arg0, %c0_i32 : i32, i32
  }
  func.func @transform_2(%arg0: i32) -> (i32, i32) {
    %c0_i32 = arith.constant 0 : i32
    %c0_i32_0 = arith.constant 0 : i32
    %c0_i32_1 = arith.constant 0 : i32
    return %c0_i32, %c0_i32_0 : i32, i32
  }
}

module attributes {stable_mosaic.version = 14 : i64} {
  func.func @_route_final_kernel(%arg0: memref<4096x8xf32, #tpu.memory_space<vmem>>, %arg1: memref<1x16xf32, #tpu.memory_space<vmem>>, %arg2: memref<4096x8xf32, #tpu.memory_space<vmem>>, %arg3: memref<48x1xf32, #tpu.memory_space<vmem>>, %arg4: memref<1x128xf32, #tpu.memory_space<vmem>>) attributes {dimension_semantics = [], scalar_prefetch = 0 : i64, scratch_operands = 0 : i64, tpu.core_type = #tpu.core_type<tc>} {
    %get3A = arith.constant 0 : index
    %get3A_0 = arith.constant 0 : index
    %get3A_1 = vector.load %arg1[%get3A, %get3A_0] : memref<1x16xf32, #tpu.memory_space<vmem>>, vector<1x16xf32>
    %add3A = arith.constant 2.550000e+02 : f32
    %add3A_2 = vector.broadcast %add3A : f32 to vector<1x16xf32>
    %add3A_3 = arith.addf %get3A_1, %add3A_2 : vector<1x16xf32>
    %mul3A = arith.constant 3.906250e-03 : f32
    %mul3A_4 = vector.broadcast %mul3A : f32 to vector<1x16xf32>
    %mul3A_5 = arith.mulf %add3A_3, %mul3A_4 : vector<1x16xf32>
    %floor3A = math.floor %mul3A_5 : vector<1x16xf32>
    %iota3A = tpu.iota {dimensions = array<i32: 0>} : vector<16x16xi32>
    %iota3A_6 = tpu.iota {dimensions = array<i32: 1>} : vector<16x16xi32>
    %lt3A = arith.cmpi slt, %iota3A, %iota3A_6 : vector<16x16xi32>
    %convert_element_type3A = arith.extui %lt3A : vector<16x16xi1> to vector<16x16xi32>
    %convert_element_type3A_7 = arith.sitofp %convert_element_type3A : vector<16x16xi32> to vector<16x16xf32>
    %dot_general3A = arith.constant dense<0.000000e+00> : vector<1x16xf32>
    %dot_general3A_8 = tpu.matmul %floor3A, %convert_element_type3A_7, %dot_general3A {dimension_numbers = #tpu.dot_dimension_numbers<[1], [0], [0], [1], [0, 0, 1, 1], [], []>, transpose_lhs_hint = false} : vector<1x16xf32>, vector<16x16xf32>, vector<1x16xf32> -> vector<1x16xf32>
    %reduce_sum3A = vector.shape_cast %floor3A : vector<1x16xf32> to vector<1x1x16xf32>
    %reduce_sum3A_9 = arith.constant dense<0.000000e+00> : vector<1xf32>
    %reduce_sum3A_10 = vector.multi_reduction <add>, %reduce_sum3A, %reduce_sum3A_9 [1, 2] : vector<1x1x16xf32> to vector<1xf32>
    %reduce_sum3A_11 = vector.shape_cast %reduce_sum3A_10 : vector<1xf32> to vector<1x1x1xf32>
    %reduce_sum3A_12 = vector.extract %reduce_sum3A_11[0, 0, 0] : f32 from vector<1x1x1xf32>
    %broadcast_in_dim3A = vector.broadcast %reduce_sum3A_12 : f32 to vector<1x128xf32>
    %swap3A = arith.constant 0 : index
    %swap3A_13 = arith.constant 0 : index
    %swap3A_14 = vector.load %arg4[%swap3A, %swap3A_13] : memref<1x128xf32, #tpu.memory_space<vmem>>, vector<1x128xf32>
    tpu.vector_store %arg4[%swap3A, %swap3A_13], %broadcast_in_dim3A {strides = array<i32>} : memref<1x128xf32, #tpu.memory_space<vmem>>, vector<1x128xf32>,
    %iota3A_15 = tpu.iota {dimensions = array<i32: 0>} : vector<48x16xi32>
    %convert_element_type3A_16 = arith.sitofp %iota3A_15 : vector<48x16xi32> to vector<48x16xf32>
    %ge3A = vector.broadcast %dot_general3A_8 : vector<1x16xf32> to vector<48x16xf32>
    %ge3A_17 = arith.cmpf oge, %convert_element_type3A_16, %ge3A : vector<48x16xf32>
    %convert_element_type3A_18 = arith.extui %ge3A_17 : vector<48x16xi1> to vector<48x16xi32>
    %convert_element_type3A_19 = arith.sitofp %convert_element_type3A_18 : vector<48x16xi32> to vector<48x16xf32>
    %reduce_sum3A_20 = arith.constant dense<0.000000e+00> : vector<48xf32>
    %reduce_sum3A_21 = vector.multi_reduction <add>, %convert_element_type3A_19, %reduce_sum3A_20 [1] : vector<48x16xf32> to vector<48xf32>
    %broadcast_in_dim3A_22 = vector.shape_cast %reduce_sum3A_21 : vector<48xf32> to vector<48x1xf32>
    %sub3A = arith.constant 1.000000e+00 : f32
    %sub3A_23 = vector.broadcast %sub3A : f32 to vector<48x1xf32>
    %sub3A_24 = arith.subf %broadcast_in_dim3A_22, %sub3A_23 : vector<48x1xf32>
    %swap3A_25 = arith.constant 0 : index
    %swap3A_26 = arith.constant 0 : index
    %swap3A_27 = vector.load %arg3[%swap3A_25, %swap3A_26] : memref<48x1xf32, #tpu.memory_space<vmem>>, vector<48x1xf32>
    tpu.vector_store %arg3[%swap3A_25, %swap3A_26], %sub3A_24 {strides = array<i32>} : memref<48x1xf32, #tpu.memory_space<vmem>>, vector<48x1xf32>,
    %get3A_28 = arith.constant 0 : index
    %get3A_29 = arith.constant 0 : index
    %get3A_30 = vector.load %arg0[%get3A_28, %get3A_29] : memref<4096x8xf32, #tpu.memory_space<vmem>>, vector<4096x1xf32>
    %get3A_31 = arith.constant 0 : index
    %get3A_32 = arith.constant 1 : index
    %get3A_33 = vector.load %arg0[%get3A_31, %get3A_32] : memref<4096x8xf32, #tpu.memory_space<vmem>>, vector<4096x1xf32>
    %iota3A_34 = tpu.iota {dimensions = array<i32: 1>} : vector<4096x16xi32>
    %convert_element_type3A_35 = arith.sitofp %iota3A_34 : vector<4096x16xi32> to vector<4096x16xf32>
    %eq3A = vector.broadcast %get3A_30 : vector<4096x1xf32> to vector<4096x16xf32>
    %eq3A_36 = arith.cmpf oeq, %convert_element_type3A_35, %eq3A : vector<4096x16xf32>
    %convert_element_type3A_37 = arith.extui %eq3A_36 : vector<4096x16xi1> to vector<4096x16xi32>
    %convert_element_type3A_38 = arith.sitofp %convert_element_type3A_37 : vector<4096x16xi32> to vector<4096x16xf32>
    %mul3A_39 = vector.broadcast %dot_general3A_8 : vector<1x16xf32> to vector<4096x16xf32>
    %mul3A_40 = arith.mulf %convert_element_type3A_38, %mul3A_39 : vector<4096x16xf32>
    %reduce_sum3A_41 = arith.constant dense<0.000000e+00> : vector<4096xf32>
    %reduce_sum3A_42 = vector.multi_reduction <add>, %mul3A_40, %reduce_sum3A_41 [1] : vector<4096x16xf32> to vector<4096xf32>
    %broadcast_in_dim3A_43 = vector.shape_cast %reduce_sum3A_42 : vector<4096xf32> to vector<4096x1xf32>
    %mul3A_44 = arith.constant 2.560000e+02 : f32
    %mul3A_45 = vector.broadcast %mul3A_44 : f32 to vector<4096x1xf32>
    %mul3A_46 = arith.mulf %broadcast_in_dim3A_43, %mul3A_45 : vector<4096x1xf32>
    %get3A_47 = arith.constant 0 : index
    %get3A_48 = arith.constant 2 : index
    %get3A_49 = vector.load %arg0[%get3A_47, %get3A_48] : memref<4096x8xf32, #tpu.memory_space<vmem>>, vector<4096x1xf32>
    %add3A_50 = arith.addf %mul3A_46, %get3A_49 : vector<4096x1xf32>
    %eq3A_51 = vector.broadcast %get3A_33 : vector<4096x1xf32> to vector<4096x16xf32>
    %eq3A_52 = arith.cmpf oeq, %convert_element_type3A_35, %eq3A_51 : vector<4096x16xf32>
    %convert_element_type3A_53 = arith.extui %eq3A_52 : vector<4096x16xi1> to vector<4096x16xi32>
    %convert_element_type3A_54 = arith.sitofp %convert_element_type3A_53 : vector<4096x16xi32> to vector<4096x16xf32>
    %mul3A_55 = vector.broadcast %dot_general3A_8 : vector<1x16xf32> to vector<4096x16xf32>
    %mul3A_56 = arith.mulf %convert_element_type3A_54, %mul3A_55 : vector<4096x16xf32>
    %reduce_sum3A_57 = arith.constant dense<0.000000e+00> : vector<4096xf32>
    %reduce_sum3A_58 = vector.multi_reduction <add>, %mul3A_56, %reduce_sum3A_57 [1] : vector<4096x16xf32> to vector<4096xf32>
    %broadcast_in_dim3A_59 = vector.shape_cast %reduce_sum3A_58 : vector<4096xf32> to vector<4096x1xf32>
    %mul3A_60 = arith.constant 2.560000e+02 : f32
    %mul3A_61 = vector.broadcast %mul3A_60 : f32 to vector<4096x1xf32>
    %mul3A_62 = arith.mulf %broadcast_in_dim3A_59, %mul3A_61 : vector<4096x1xf32>
    %get3A_63 = arith.constant 0 : index
    %get3A_64 = arith.constant 3 : index
    %get3A_65 = vector.load %arg0[%get3A_63, %get3A_64] : memref<4096x8xf32, #tpu.memory_space<vmem>>, vector<4096x1xf32>
    %add3A_66 = arith.addf %mul3A_62, %get3A_65 : vector<4096x1xf32>
    %broadcast_in_dim3A_67 = arith.constant 0.000000e+00 : f32
    %broadcast_in_dim3A_68 = vector.broadcast %broadcast_in_dim3A_67 : f32 to vector<4096x1xf32>
    %get3A_69 = arith.constant 0 : index
    %get3A_70 = arith.constant 4 : index
    %get3A_71 = vector.load %arg0[%get3A_69, %get3A_70] : memref<4096x8xf32, #tpu.memory_space<vmem>>, vector<4096x1xf32>
    %get3A_72 = arith.constant 0 : index
    %get3A_73 = arith.constant 5 : index
    %get3A_74 = vector.load %arg0[%get3A_72, %get3A_73] : memref<4096x8xf32, #tpu.memory_space<vmem>>, vector<4096x1xf32>
    %concatenate3A = tpu.concatenate %add3A_50, %add3A_66, %get3A_71, %get3A_74, %broadcast_in_dim3A_68, %broadcast_in_dim3A_68, %broadcast_in_dim3A_68, %broadcast_in_dim3A_68 in 1 : vector<4096x1xf32>, vector<4096x1xf32>, vector<4096x1xf32>, vector<4096x1xf32>, vector<4096x1xf32>, vector<4096x1xf32>, vector<4096x1xf32>, vector<4096x1xf32> -> vector<4096x8xf32>
    %swap3A_75 = arith.constant 0 : index
    %swap3A_76 = arith.constant 0 : index
    %swap3A_77 = vector.load %arg2[%swap3A_75, %swap3A_76] : memref<4096x8xf32, #tpu.memory_space<vmem>>, vector<4096x8xf32>
    tpu.vector_store %arg2[%swap3A_75, %swap3A_76], %concatenate3A {strides = array<i32>} : memref<4096x8xf32, #tpu.memory_space<vmem>>, vector<4096x8xf32>,
    return
  }
}

module attributes {stable_mosaic.version = 14 : i64} {
  func.func @_moe_group_kernel(%arg0: i32, %arg1: memref<48xi32, #tpu.memory_space<smem>>, %arg2: memref<1xi32, #tpu.memory_space<smem>>, %arg3: memref<256x1024xf32, #tpu.memory_space<vmem>>, %arg4: memref<256x1xf32, #tpu.memory_space<vmem>>, %arg5: memref<1x1024x1024xbf16, #tpu.memory_space<vmem>>, %arg6: memref<1x1024x1024xbf16, #tpu.memory_space<vmem>>, %arg7: memref<1x1024x1024xbf16, #tpu.memory_space<vmem>>, %arg8: memref<256x1024xf32, #tpu.memory_space<vmem>>) attributes {dimension_semantics = [#tpu.dimension_semantics<arbitrary>], iteration_bounds = array<i64: 48>, scalar_prefetch = 2 : i64, scratch_operands = 0 : i64, tpu.core_type = #tpu.core_type<tc>, window_params = [{transform_indices = @transform_0, window_bounds = array<i64: 256, 1024>}, {transform_indices = @transform_1, window_bounds = array<i64: 256, 1>}, {transform_indices = @transform_2, window_bounds = array<i64: 1, 1024, 1024>}, {transform_indices = @transform_3, window_bounds = array<i64: 1, 1024, 1024>}, {transform_indices = @transform_4, window_bounds = array<i64: 1, 1024, 1024>}, {transform_indices = @transform_5, window_bounds = array<i64: 256, 1024>}]} {
    %get3A = arith.constant 0 : index
    %get3A_0 = memref.load %arg2[%get3A] : memref<1xi32, #tpu.memory_space<smem>>
    %lt3A = arith.cmpi slt, %arg0, %get3A_0 : i32
    %convert_element_type3A = arith.extui %lt3A : i1 to i32
    %cond3A = arith.constant 0 : i32
    %cond3A_1 = arith.cmpi ne, %convert_element_type3A, %cond3A : i32
    scf.if %cond3A_1 {
      %get3A_7 = arith.constant 0 : index
      %get3A_8 = arith.constant 0 : index
      %get3A_9 = vector.load %arg3[%get3A_7, %get3A_8] : memref<256x1024xf32, #tpu.memory_space<vmem>>, vector<256x1024xf32>
      %convert_element_type3A_10 = arith.truncf %get3A_9 : vector<256x1024xf32> to vector<256x1024xbf16>
      %get3A_11 = arith.constant 0 : index
      %get3A_12 = arith.constant 0 : index
      %get3A_13 = arith.constant 0 : index
      %get3A_14 = vector.load %arg5[%get3A_11, %get3A_12, %get3A_13] : memref<1x1024x1024xbf16, #tpu.memory_space<vmem>>, vector<1x1024x1024xbf16>
      %get3A_15 = vector.shape_cast %get3A_14 : vector<1x1024x1024xbf16> to vector<1024x1024xbf16>
      %dot_general3A = arith.constant dense<0.000000e+00> : vector<256x1024xf32>
      %dot_general3A_16 = tpu.matmul %convert_element_type3A_10, %get3A_15, %dot_general3A {dimension_numbers = #tpu.dot_dimension_numbers<[1], [1], [0], [0], [0, 0, 1, 0], [], []>, transpose_lhs_hint = false} : vector<256x1024xbf16>, vector<1024x1024xbf16>, vector<256x1024xf32> -> vector<256x1024xf32>
      %get3A_17 = arith.constant 0 : index
      %get3A_18 = arith.constant 0 : index
      %get3A_19 = arith.constant 0 : index
      %get3A_20 = vector.load %arg6[%get3A_17, %get3A_18, %get3A_19] : memref<1x1024x1024xbf16, #tpu.memory_space<vmem>>, vector<1x1024x1024xbf16>
      %get3A_21 = vector.shape_cast %get3A_20 : vector<1x1024x1024xbf16> to vector<1024x1024xbf16>
      %dot_general3A_22 = arith.constant dense<0.000000e+00> : vector<256x1024xf32>
      %dot_general3A_23 = tpu.matmul %convert_element_type3A_10, %get3A_21, %dot_general3A_22 {dimension_numbers = #tpu.dot_dimension_numbers<[1], [1], [0], [0], [0, 0, 1, 0], [], []>, transpose_lhs_hint = false} : vector<256x1024xbf16>, vector<1024x1024xbf16>, vector<256x1024xf32> -> vector<256x1024xf32>
      %logistic3A = arith.negf %dot_general3A_16 : vector<256x1024xf32>
      %logistic3A_24 = math.exp %logistic3A : vector<256x1024xf32>
      %logistic3A_25 = arith.constant 1.000000e+00 : f32
      %logistic3A_26 = vector.broadcast %logistic3A_25 : f32 to vector<256x1024xf32>
      %logistic3A_27 = arith.addf %logistic3A_26, %logistic3A_24 : vector<256x1024xf32>
      %logistic3A_28 = arith.divf %logistic3A_26, %logistic3A_27 : vector<256x1024xf32>
      %mul3A = arith.mulf %dot_general3A_16, %logistic3A_28 : vector<256x1024xf32>
      %mul3A_29 = arith.mulf %mul3A, %dot_general3A_23 : vector<256x1024xf32>
      %convert_element_type3A_30 = arith.truncf %mul3A_29 : vector<256x1024xf32> to vector<256x1024xbf16>
      %get3A_31 = arith.constant 0 : index
      %get3A_32 = arith.constant 0 : index
      %get3A_33 = vector.load %arg4[%get3A_31, %get3A_32] : memref<256x1xf32, #tpu.memory_space<vmem>>, vector<256x1xf32>
      %get3A_34 = arith.constant 0 : index
      %get3A_35 = arith.constant 0 : index
      %get3A_36 = arith.constant 0 : index
      %get3A_37 = vector.load %arg7[%get3A_34, %get3A_35, %get3A_36] : memref<1x1024x1024xbf16, #tpu.memory_space<vmem>>, vector<1x1024x1024xbf16>
      %get3A_38 = vector.shape_cast %get3A_37 : vector<1x1024x1024xbf16> to vector<1024x1024xbf16>
      %dot_general3A_39 = arith.constant dense<0.000000e+00> : vector<256x1024xf32>
      %dot_general3A_40 = tpu.matmul %convert_element_type3A_30, %get3A_38, %dot_general3A_39 {dimension_numbers = #tpu.dot_dimension_numbers<[1], [1], [0], [0], [0, 0, 1, 0], [], []>, transpose_lhs_hint = false} : vector<256x1024xbf16>, vector<1024x1024xbf16>, vector<256x1024xf32> -> vector<256x1024xf32>
      %mul3A_41 = vector.broadcast %get3A_33 : vector<256x1xf32> to vector<256x1024xf32>
      %mul3A_42 = arith.mulf %mul3A_41, %dot_general3A_40 : vector<256x1024xf32>
      %swap3A = arith.constant 0 : index
      %swap3A_43 = arith.constant 0 : index
      %swap3A_44 = vector.load %arg8[%swap3A, %swap3A_43] : memref<256x1024xf32, #tpu.memory_space<vmem>>, vector<256x1024xf32>
      tpu.vector_store %arg8[%swap3A, %swap3A_43], %mul3A_42 {strides = array<i32>} : memref<256x1024xf32, #tpu.memory_space<vmem>>, vector<256x1024xf32>,
    } else {
    }
    %get3A_2 = arith.constant 0 : index
    %get3A_3 = memref.load %arg2[%get3A_2] : memref<1xi32, #tpu.memory_space<smem>>
    %ge3A = arith.cmpi sge, %arg0, %get3A_3 : i32
    %convert_element_type3A_4 = arith.extui %ge3A : i1 to i32
    %cond3A_5 = arith.constant 0 : i32
    %cond3A_6 = arith.cmpi ne, %convert_element_type3A_4, %cond3A_5 : i32
    scf.if %cond3A_6 {
      %broadcast_in_dim3A = arith.constant 0.000000e+00 : f32
      %broadcast_in_dim3A_7 = vector.broadcast %broadcast_in_dim3A : f32 to vector<256x1024xf32>
      %swap3A = arith.constant 0 : index
      %swap3A_8 = arith.constant 0 : index
      %swap3A_9 = vector.load %arg8[%swap3A, %swap3A_8] : memref<256x1024xf32, #tpu.memory_space<vmem>>, vector<256x1024xf32>
      tpu.vector_store %arg8[%swap3A, %swap3A_8], %broadcast_in_dim3A_7 {strides = array<i32>} : memref<256x1024xf32, #tpu.memory_space<vmem>>, vector<256x1024xf32>,
    } else {
    }
    return
  }
  func.func @transform_0(%arg0: i32, %arg1: memref<48xi32, #tpu.memory_space<smem>>, %arg2: memref<1xi32, #tpu.memory_space<smem>>) -> (i32, i32) {
    %c0_i32 = arith.constant 0 : i32
    %c0_i32_0 = arith.constant 0 : i32
    return %arg0, %c0_i32 : i32, i32
  }
  func.func @transform_1(%arg0: i32, %arg1: memref<48xi32, #tpu.memory_space<smem>>, %arg2: memref<1xi32, #tpu.memory_space<smem>>) -> (i32, i32) {
    %c0_i32 = arith.constant 0 : i32
    %c0_i32_0 = arith.constant 0 : i32
    return %arg0, %c0_i32 : i32, i32
  }
  func.func @transform_2(%arg0: i32, %arg1: memref<48xi32, #tpu.memory_space<smem>>, %arg2: memref<1xi32, #tpu.memory_space<smem>>) -> (i32, i32, i32) {
    %get3A = arith.index_cast %arg0 : i32 to index
    %get3A_0 = memref.load %arg1[%get3A] : memref<48xi32, #tpu.memory_space<smem>>
    %c0_i32 = arith.constant 0 : i32
    %c0_i32_1 = arith.constant 0 : i32
    %c0_i32_2 = arith.constant 0 : i32
    return %get3A_0, %c0_i32, %c0_i32_1 : i32, i32, i32
  }
  func.func @transform_3(%arg0: i32, %arg1: memref<48xi32, #tpu.memory_space<smem>>, %arg2: memref<1xi32, #tpu.memory_space<smem>>) -> (i32, i32, i32) {
    %get3A = arith.index_cast %arg0 : i32 to index
    %get3A_0 = memref.load %arg1[%get3A] : memref<48xi32, #tpu.memory_space<smem>>
    %c0_i32 = arith.constant 0 : i32
    %c0_i32_1 = arith.constant 0 : i32
    %c0_i32_2 = arith.constant 0 : i32
    return %get3A_0, %c0_i32, %c0_i32_1 : i32, i32, i32
  }
  func.func @transform_4(%arg0: i32, %arg1: memref<48xi32, #tpu.memory_space<smem>>, %arg2: memref<1xi32, #tpu.memory_space<smem>>) -> (i32, i32, i32) {
    %get3A = arith.index_cast %arg0 : i32 to index
    %get3A_0 = memref.load %arg1[%get3A] : memref<48xi32, #tpu.memory_space<smem>>
    %c0_i32 = arith.constant 0 : i32
    %c0_i32_1 = arith.constant 0 : i32
    %c0_i32_2 = arith.constant 0 : i32
    return %get3A_0, %c0_i32, %c0_i32_1 : i32, i32, i32
  }
  func.func @transform_5(%arg0: i32, %arg1: memref<48xi32, #tpu.memory_space<smem>>, %arg2: memref<1xi32, #tpu.memory_space<smem>>) -> (i32, i32) {
    %c0_i32 = arith.constant 0 : i32
    %c0_i32_0 = arith.constant 0 : i32
    return %arg0, %c0_i32 : i32, i32
  }
}

module attributes {stable_mosaic.version = 14 : i64} {
  func.func @_combine_kernel(%arg0: i32, %arg1: memref<512x1024xf32, #tpu.memory_space<vmem>>, %arg2: memref<512x1024xf32, #tpu.memory_space<vmem>>, %arg3: memref<512x1024xf32, #tpu.memory_space<vmem>>, %arg4: memref<512x1024xf32, #tpu.memory_space<vmem>>) attributes {dimension_semantics = [#tpu.dimension_semantics<arbitrary>], iteration_bounds = array<i64: 8>, scalar_prefetch = 0 : i64, scratch_operands = 0 : i64, tpu.core_type = #tpu.core_type<tc>, window_params = [{transform_indices = @transform_0, window_bounds = array<i64: 512, 1024>}, {transform_indices = @transform_1, window_bounds = array<i64: 512, 1024>}, {transform_indices = @transform_2, window_bounds = array<i64: 512, 1024>}, {transform_indices = @transform_3, window_bounds = array<i64: 512, 1024>}]} {
    %get3A = arith.constant 0 : index
    %get3A_0 = arith.constant 0 : index
    %get3A_1 = vector.load %arg1[%get3A, %get3A_0] : memref<512x1024xf32, #tpu.memory_space<vmem>>, vector<512x1024xf32>
    %get3A_2 = arith.constant 0 : index
    %get3A_3 = arith.constant 0 : index
    %get3A_4 = vector.load %arg2[%get3A_2, %get3A_3] : memref<512x1024xf32, #tpu.memory_space<vmem>>, vector<512x1024xf32>
    %add3A = arith.addf %get3A_1, %get3A_4 : vector<512x1024xf32>
    %get3A_5 = arith.constant 0 : index
    %get3A_6 = arith.constant 0 : index
    %get3A_7 = vector.load %arg3[%get3A_5, %get3A_6] : memref<512x1024xf32, #tpu.memory_space<vmem>>, vector<512x1024xf32>
    %add3A_8 = arith.addf %add3A, %get3A_7 : vector<512x1024xf32>
    %swap3A = arith.constant 0 : index
    %swap3A_9 = arith.constant 0 : index
    %swap3A_10 = vector.load %arg4[%swap3A, %swap3A_9] : memref<512x1024xf32, #tpu.memory_space<vmem>>, vector<512x1024xf32>
    tpu.vector_store %arg4[%swap3A, %swap3A_9], %add3A_8 {strides = array<i32>} : memref<512x1024xf32, #tpu.memory_space<vmem>>, vector<512x1024xf32>,
    return
  }
  func.func @transform_0(%arg0: i32) -> (i32, i32) {
    %c0_i32 = arith.constant 0 : i32
    %c0_i32_0 = arith.constant 0 : i32
    return %arg0, %c0_i32 : i32, i32
  }
  func.func @transform_1(%arg0: i32) -> (i32, i32) {
    %c0_i32 = arith.constant 0 : i32
    %c0_i32_0 = arith.constant 0 : i32
    return %arg0, %c0_i32 : i32, i32
  }
  func.func @transform_2(%arg0: i32) -> (i32, i32) {
    %c0_i32 = arith.constant 0 : i32
    %c0_i32_0 = arith.constant 0 : i32
    return %arg0, %c0_i32 : i32, i32
  }
  func.func @transform_3(%arg0: i32) -> (i32, i32) {
    %c0_i32 = arith.constant 0 : i32
    %c0_i32_0 = arith.constant 0 : i32
    return %arg0, %c0_i32 : i32, i32
  }
}

</mosaic_0001>

<sc_bundles>
// kernel: kernel.12.cloned.1.call-start
scs
__scs_entry_jumppad:
0x0: {  	(pc) =	sbr.rel $0x88, $3  }
0x1: {  	(tag) =	ssettag $0x0;
	lr =	simm.s32 $0x1  }
0x2: {  	[smem:$0x3F94] =	sst lr;
	_ =	strace $0xD0000000  }
0x3: {  	_ = 	snop  }
0x4: {  	_ = 	snop  }
0x5: {  	_ = 	snop  }
0x6: {  	_ = 	snop  }
0x7: {  	_ = 	snop  }
__scs_overlays_trampoline_lowered:
0x8: {  	[smem:$0x3FA3] =	sst s0  }
0x9: {  	[smem:$0x3FA4] =	sst s1  }
0xa: {  	[smem:$0x3FA5] =	sst s2  }
0xb: {  	[smem:$0x3FA6] =	sst s3  }
0xc: {  	[smem:$0x3FA7] =	sst s4  }
0xd: {  	[smem:$0x3FA8] =	sst s5  }
0xe: {  	[smem:$0x3FA9] =	sst s6  }
0xf: {  	[smem:$0x3FAA] =	sst s7  }
0x10: {  	[smem:$0x3FAB] =	sst s8  }
0x11: {  	[smem:$0x3FAC] =	sst s9;
	s0 =	simm.s32 @!p0 $0x0  }
0x12: {  	s1 =	sld [smem:$0x3F92];
	s0 =	simm.s32 @p0 $0x1  }
0x13: {  	[smem:$0x3FAD] =	sst s0;
	s0 =	simm.s32 @!p1 $0x0  }
0x14: {  	s2 =	sld [smem:$0x3F91];
	s0 =	simm.s32 @p1 $0x1  }
0x15: {  	[smem:$0x3FAE] =	sst s0;
	s0 =	simm.s32 @!p2 $0x0  }
0x16: {  	s3 =	sld [smem:$0x3FDB];
	s0 =	simm.s32 @p2 $0x1  }
0x17: {  	s4 =	simm.s32 $0x1BF5;
	[smem:$0x3FB0] =	sst s0  }
0x18: {  	s0 =	sld [smem:$0x3F93];
	_ =	swait.ge [sflag:s4], $0x0  }
0x19: {  	s7 =	sld [smem:$0x3F94]  }
0x1a: {  	s8 =	sadd.s32 $0xFFFFE003, lr  }
0x1b: {  	s9 =	sadd.s32 $0xFFFFFEF7, lr;
	s5 =	simm.s32 $0xFFFFFFFF;
	p2 =	slt.u32 s8, $0xFFFFF086  }
0x1c: {  	p1 =	slt.u32 s9, $0xF7A;
	s5 =	simm.s32 @!p2 $0x0  }
0x1d: {  	s5 =	simm.s32 @p1 $0x1;
	p0 =	seq.s32 s7, s2  }
0x1e: {  	s7 =	smul.u32 @!p0 $0xF7A, s2;
	p2 =	seq.s32 @!p0 s5, $0x0  }
0x1f: {  	s9 =	smul.u32 $0xF7A, s1;
	s8 =	simm.s32 @!p0 $0x1BF5;
	p2 =	por !p2, p0  }
0x20: {  	[sflag:s8] =	ssyncset.s32 @!p0 $0xFFFFF086;
	s6 =	sadd.s32 @!p0 s3, s7;
	s7 =	simm.s32 @!p0 $0x108  }
0x21: {  	s3 =	sadd.s32 s3, s9;
	s6 =	sadd.s32 @!p0 $0x88, s6;
	s7 =	simm.s32 @p2 $0x1082  }
0x22: {  	[simem:s7], [sflag:s8] =	dma.local @!p0 [hbm:s6], $0xF7A  }
0x23: {  	s9 =	sor.u32 $0xD0000000, s2;
	s6 =	simm.s32 $0x108;
	_ =	swait.ge @!p0 [sflag:s8], $0x0  }
0x24: {  	s3 =	sadd.s32 $0x88, s3;
	s6 =	simm.s32 @!p1 $0x1082;
	[sflag:s4] =	ssyncset.s32 $0xFFFFF086  }
0x25: {  	[simem:s6], [sflag:s4] =	dma.local [hbm:s3], $0xF7A  }
0x26: {  	[smem:$0x3F94] =	sst s1;
	(tag) =	ssettag s2;
	_ =	strace s9  }
0x27: {  	s1 =	sld [smem:$0x3FA4]  }
0x28: {  	s2 =	sld [smem:$0x3FA5]  }
0x29: {  	s4 =	sld [smem:$0x3FA7]  }
0x2a: {  	p0 =	seq.s32 s5, $0x0;
	s5 =	sld [smem:$0x3FA8]  }
0x2b: {  	s6 =	sld [smem:$0x3FA9]  }
0x2c: {  	s7 =	sld [smem:$0x3FAA]  }
0x2d: {  	s3 =	simm.s32 $0x108;
	s8 =	sld [smem:$0x3FAB]  }
0x2e: {  	s3 =	simm.s32 @!p0 $0x1082;
	s9 =	sld [smem:$0x3FAC]  }
0x2f: {  	lr =	sadd.s32 s0, s3;
	s0 =	sld [smem:$0x3FA3]  }
0x30: {  	s3 =	sld [smem:$0x3FA6]  }
0x31: {  	[smem:$0x3FAF] =	sst s10  }
0x32: {  	s10 =	sld [smem:$0x3FAD];
	_ =	sdelay $0x3  }
0x33: {  	p0 =	seq.s32 s10, $0x1;
	s10 =	sld [smem:$0x3FAF];
	_ =	sdelay $0x3  }
0x34: {  	[smem:$0x3FAF] =	sst s10  }
0x35: {  	s10 =	sld [smem:$0x3FAE];
	_ =	sdelay $0x3  }
0x36: {  	p1 =	seq.s32 s10, $0x1;
	s10 =	sld [smem:$0x3FAF];
	_ =	sdelay $0x3  }
0x37: {  	[smem:$0x3FAF] =	sst s10  }
0x38: {  	s10 =	sld [smem:$0x3FB0]  }
0x39: {  	_ = 	snop;
	(pc) =	sbr.ind lr, $3  }
0x3a: {  	_ = 	snop  }
0x3b: {  	_ = 	snop  }
0x3c: {  	p2 =	seq.s32 s10, $0x1;
	s10 =	sld [smem:$0x3FAF]  }
0x3d: {  	_ =	shalt  }
0x3e: {  	_ =	shalt  }
0x3f: {  	_ =	shalt  }
0x40: {  	_ =	shalt  }
0x41: {  	_ =	shalt  }
0x42: {  	_ =	shalt  }
0x43: {  	_ =	shalt  }
0x44: {  	_ =	shalt  }
0x45: {  	_ =	shalt  }
0x46: {  	_ =	shalt  }
0x47: {  	_ =	shalt  }
0x48: {  	_ =	shalt  }
0x49: {  	_ =	shalt  }
0x4a: {  	_ =	shalt  }
0x4b: {  	_ =	shalt  }
0x4c: {  	_ =	shalt  }
0x4d: {  	_ =	shalt  }
0x4e: {  	_ =	shalt  }
0x4f: {  	_ =	shalt  }
0x50: {  	_ =	shalt  }
0x51: {  	_ =	shalt  }
0x52: {  	_ =	shalt  }
0x53: {  	_ =	shalt  }
0x54: {  	_ =	shalt  }
0x55: {  	_ =	shalt  }
0x56: {  	_ =	shalt  }
0x57: {  	_ =	shalt  }
0x58: {  	_ =	shalt  }
0x59: {  	_ =	shalt  }
0x5a: {  	_ =	shalt  }
0x5b: {  	_ =	shalt  }
0x5c: {  	_ =	shalt  }
0x5d: {  	_ =	shalt  }
0x5e: {  	_ =	shalt  }
0x5f: {  	_ =	shalt  }
0x60: {  	_ =	shalt  }
0x61: {  	_ =	shalt  }
0x62: {  	_ =	shalt  }
0x63: {  	_ =	shalt  }
0x64: {  	_ =	shalt  }
0x65: {  	_ =	shalt  }
0x66: {  	_ =	shalt  }
0x67: {  	_ =	shalt  }
0x68: {  	_ =	shalt  }
0x69: {  	_ =	shalt  }
0x6a: {  	_ =	shalt  }
0x6b: {  	_ =	shalt  }
0x6c: {  	_ =	shalt  }
0x6d: {  	_ =	shalt  }
0x6e: {  	_ =	shalt  }
0x6f: {  	_ =	shalt  }
0x70: {  	_ =	shalt  }
0x71: {  	_ =	shalt  }
0x72: {  	_ =	shalt  }
0x73: {  	_ =	shalt  }
0x74: {  	_ =	shalt  }
0x75: {  	_ =	shalt  }
0x76: {  	_ =	shalt  }
0x77: {  	_ =	shalt  }
0x78: {  	_ =	shalt  }
0x79: {  	_ =	shalt  }
0x7a: {  	_ =	shalt  }
0x7b: {  	_ =	shalt  }
0x7c: {  	_ =	shalt  }
0x7d: {  	_ =	shalt  }
0x7e: {  	_ =	shalt  }
0x7f: {  	_ =	shalt  }
0x80: {  	_ =	shalt  }
0x81: {  	_ =	shalt  }
0x82: {  	_ =	shalt  }
0x83: {  	_ =	shalt  }
0x84: {  	_ =	shalt  }
0x85: {  	_ =	shalt  }
0x86: {  	_ =	shalt  }
0x87: {  	_ =	shalt  }
.Lfunc_end0:
.L_simem_size_0:
called_computation_lowered:
.L_overlay_start_0:
0x88: {  	s2 =	sld [smem:$0x3FD9]  }
0x89: {  	s3 =	sld [smem:$0x3FFE];
	_ =	sdelay $0x1  }
0x8a: {  	s1 =	srdreg.scid  }
0x8b: {  	s0 =	sand.u32 $0x1, s1  }
0x8c: {  	s16 =	sshll.u32 s0, $0xA;
	s2 =	sadd.s32 s3, s2  }
0x8d: {  	s2 =	sadd.s32 s2, s16  }
0x8e: {  	[smem:$0x3FBB] =	sst s2  }
0x8f: {  	_ = 	snop  }
0x90: {  	(tm) =	ssettm $0x1  }
0x91: {  	s17 =	sld [smem:$0x3FFB];
	_ =	sdelay $0x3  }
0x92: {  	_ =	strace s17  }
0x93: {  	s2 =	sld [smem:$0x3FFC];
	_ =	sdelay $0x3  }
0x94: {  	_ =	strace s2  }
0x95: {  	s2 =	sld [smem:$0x3FFD];
	_ =	sdelay $0x3  }
0x96: {  	_ =	strace s2  }
0x97: {  	_ =	strace $0x8FFFFFFF  }
0x98: {  	s18 =	sld [smem:$0x3FDB];
	_ =	sdelay $0x1  }
0x99: {  	s19 =	simm.s32 $_scs_section_size  }
0x9a: {  	s4 =	simm.s32 $_size__tile_overlayer_lowered;
	s5 =	simm.s32 $_tile_overlayer_lowered  }
0x9b: {  	s22 =	simm.s32 $0x1BFF;
	s21 =	sshll.u32 s5, $0x1;
	s2 =	sadd.s32 s19, s18  }
0x9c: {  	s6 =	simm.s32 $0x0;
	s20 =	sshll.u32 s4, $0x1;
	s4 =	sadd.s32 s21, s2  }
0x9d: {  	[timem:s6], [sflag:s22] =	dma.local [hbm:s4], s20  }
0x9e: {  	_ =	swait.ge [sflag:s22], s20  }
0x9f: {  	s3 =	ssub.s32 $0x0, s20;
	[sflag:s22] =	ssyncset.done $0x0  }
0xa0: {  	[sflag:s22] =	ssyncadd.s32 s3;
	_ =	sdelay $0x1  }
0xa1: {  	s23 =	simm.s32 $0x1B8B  }
0xa2: {  	_ =	swait.ge [sflag:s23], $0x1  }
0xa3: {  	[sflag:s23] =	ssyncset.done $0x0  }
0xa4: {  	s25 =	simm.s32 $0x1B8E;
	s24 =	sld [smem:$0x3FFE];
	[sflag:s23] =	ssyncadd.s32 $0xFFFFFFFF  }
0xa5: {  	s26 =	simm.s32 $execute0_lowered;
	[smem:$0x3FD2] =	sst s25  }
0xa6: {  	s4 =	sshll.u32 s26, $0x1;
	_ =	strace $0x80000046;
	[dreg:$0x1] =	wrdreg $0xFFFFFFFF  }
0xa7: {  	s28 =	simm.s32 $_size_execute0_lowered;
	s2 =	sadd.s32 s2, s4;
	[dreg:$0x0] =	wrdreg $0x0  }
0xa8: {  	s4 =	sshll.u32 s28, $0x1;
	[dreg:$0x2] =	wrdreg s2  }
0xa9: {  	[dreg:$0x3] =	wrdreg s4  }
0xaa: {  	[dreg:$0x4] =	wrdreg $0xC0  }
0xab: {  	_ =	task [dreg:s6], $0x5FFFF  }
0xac: {  	[dreg:$0x1] =	wrdreg $0xFFFFFFFF  }
0xad: {  	[dreg:$0x0] =	wrdreg $0x60  }
0xae: {  	[dreg:$0x2] =	wrdreg s24  }
0xaf: {  	[dreg:$0x3] =	wrdreg $0x9  }
0xb0: {  	_ =	task.clear_ibuf [dreg:s6], $0x4FFFF;
	_ =	strace $0x90000046  }
0xb1: {  	s29 =	simm.s32 $0x9;
	_ =	strace $0x80000048  }
0xb2: {  	_ =	swait.ge [sflag:s29], $0x1  }
0xb3: {  	[sflag:s29] =	ssyncadd.s32 $0xFFFFFFFF  }
0xb4: {  	_ =	strace $0x90000048  }
0xb5: {  	_ =	sfence  }
0xb6: {  	s30 =	sld [smem:$0x0];
	_ =	sdelay $0x2  }
0xb7: {  	s31 =	sshll.u32 s1, $0xD;
	s1 =	sshrl.u32 s1, $0x2  }
0xb8: {  	s3 =	sand.u32 $0x4000, s31;
	s1 =	sadd.s32 s1, s30  }
0xb9: {  	s0 =	sor.u32 s3, s0;
	s1 =	sshll.u32 s1, $0x11  }
0xba: {  	s0 =	sor.u32 s1, s0  }
0xbb: {  	s0 =	sadd.s32 $0x8F2B, s0  }
0xbc: {  	[sflag:s0] =	ssyncadd.remote.s32 $0x1  }
0xbd: {  	_ =	sfence.sel $0xFFFF  }
0xbe: {  	[dreg:$0x0] =	wrdreg $0xFFFFFFFF;
	(pc) =	sbr.abs _section_cstart, $3  }
0xbf: {  	[dreg:$0x1] =	wrdreg $0xFFFFFFFF  }
0xc0: {  	_ =	task.clear_ibuf [dreg:s6], $0x2FFFF;
	_ =	strace $0x9FFFFFFF  }
0xc1: {  	(tm) =	ssettm $0x7FFFFFFF  }
tec
execute0_lowered:
.L_overlay_start_1:
0x0: {  	(tag) =	ssettag $0x1  }
0x1: {  	s0 =	srdreg.scid  }
0x2: {  	s2 =	sand.u32 $0x1, s0;
	s0 =	stileid.u32  }
0x3: {  	s3 =	sshll.u32 s0, $0x1;
	s4 =	ssub.s32 $0x0, s2  }
0x4: {  	p0 =	sne.s32 s3, s4  }
.Ltmp0:
0x5: {  	_ = 	snop;
	(pc) =	sbr.rel @p0 .LBB2_7-.Ltmp0, $3  }
0x6: {  	_ =	sdelay $0x1  }
0x7: {  	s6 =	rddreg [dreg:$0x0]  }
0x8: {  	s1 =	rddreg [dreg:$0x1];
	_ =	strace $0x80000047  }
0x9: {  	s7 =	ssub.s32 $0x2, s2  }
0xa: {  	s2 =	sadd.s32 $0x94C00, s6;
	s3 =	sadd.s32 $0x3E00, s6;
	s4 =	sadd.s32 $0x94800, s6  }
0xb: {  	s5 =	sadd.s32 $0x95000, s6;
	s6 =	sadd.s32 $0x95600, s6;
	s9 =	simm.s32 $0x1  }
0xc: {  	s10 =	simm.s32 $0x2000;
	s11 =	simm.s32 $0x4000;
	s8 =	sshrl.u32 s7, $0x1  }
0xd: {  	s12 =	simm.s32 $0x6000;
	s13 =	simm.s32 $0x9000;
	s7 =	ssub.s32 s7, s8  }
0xe: {  	v0 =	vlaneseq.u32;
	v1 =	vimm.f32 $0.0e+00;
	s14 =	simm.s32 $0x0;
	s8 =	simm.s32 $0x0;
	s7 =	smax.u32 s7, $0x1  }
.LBB2_2:
0xf: {  	[tilespmem:s8], [sflag:$0x1] =	stream.linear.gather [hbm4b:s2+s8], $0x2000, $0x38;
	[tilespmem:$0xC000] =	vst v63  }
0x10: {  	_ =	swait.ge [sflag:s9], $0x2000  }
0x11: {  	[sflag:s9] =	ssyncset.done $0x0  }
0x12: {  	[sflag:s9] =	ssyncadd.s32 $0xFFFFE000  }
0x13: {  	[tilespmem:s10], [sflag:$0x1] =	stream.linear.gather [hbm4b:s3+s8], $0x2000, $0x38;
	[tilespmem:$0xC000] =	vst v63  }
0x14: {  	_ =	swait.ge [sflag:s9], $0x2000  }
0x15: {  	[sflag:s9] =	ssyncset.done $0x0  }
0x16: {  	[sflag:s9] =	ssyncadd.s32 $0xFFFFE000  }
0x17: {  	[tilespmem:s11], [sflag:$0x1] =	stream.linear.gather [hbm4b:s4+s8], $0x2000, $0x38;
	[tilespmem:$0xC000] =	vst v63  }
0x18: {  	_ =	swait.ge [sflag:s9], $0x2000  }
0x19: {  	s15 =	simm.s32 $0x9000;
	[sflag:s9] =	ssyncset.done $0x0  }
0x1a: {  	s16 =	simm.s32 $0x6000;
	s17 =	simm.s32 $0x0;
	[sflag:s9] =	ssyncadd.s32 $0xFFFFE000  }
.LBB2_3:
0x1b: {  	p0 =	sne.s32 s17, $0x2FF0  }
.Ltmp1:
0x1c: {  	_ = 	snop;
	(pc) =	sbr.rel @p0 .LBB2_3-.Ltmp1, $4  }
0x1d: {  	v2 =	vor.u32 s17, v0  }
0x1e: {  	v2 =	vand.u32 $0xFFF, v2  }
0x1f: {  	[tilespmem:s16+$0x0] =	vst v2  }
0x20: {  	s17 =	sadd.s32 $0x10, s17;
	s16 =	sadd.s32 $0x10, s16;
	[tilespmem:s15+$0x0] =	vst v1;
	s15 =	sadd.s32 $0x10, s15  }
0x21: {  	s17 =	simm.s32 $0x0  }
0x22: {  	v2 =	vld [tilespmem:s17+$0x0];
	_ =	sdelay $0x2  }
0x23: {  	v3 =	vld [tilespmem:s17+$0x2000];
	_ =	sdelay $0x4  }
0x24: {  	[tilespmem:v2+s12+$0x0] =	vst.idx.msk $0xffff, v3  }
0x25: {  	s15 =	simm.s32 $0x40;
	s16 =	simm.s32 $0x80;
	v3 =	vld [tilespmem:s17+$0x4000]  }
.LBB2_5:
0x26: {  	_ =	sdelay $0x2  }
0x27: {  	p0 =	sne.s32 s16, $0x7FC0  }
0x28: {  	s17 =	sshra.s32 s15, $0x2;
	s15 =	smov.u32 s16;
	s16 =	sadd.s32 $0x40, s16;
	[tilespmem:v2+s13+$0x0] =	vst.idx.msk $0xffff, v3  }
0x29: {  	v2 =	vld [tilespmem:s17+$0x0];
	_ =	sdelay $0x2  }
0x2a: {  	v3 =	vld [tilespmem:s17+$0x2000];
	_ =	sdelay $0x1  }
.Ltmp2:
0x2b: {  	(pc) =	sbr.rel @p0 .LBB2_5-.Ltmp2, $3  }
0x2c: {  	_ =	sdelay $0x1  }
0x2d: {  	[tilespmem:v2+s12+$0x0] =	vst.idx.msk $0xffff, v3  }
0x2e: {  	v3 =	vld [tilespmem:s17+$0x4000]  }
0x2f: {  	_ =	sdelay $0x3  }
0x30: {  	s15 =	sshra.s32 s15, $0x2;
	[tilespmem:v2+s13+$0x0] =	vst.idx.msk $0xffff, v3  }
0x31: {  	v2 =	vld [tilespmem:s15+$0x0];
	_ =	sdelay $0x2  }
0x32: {  	v3 =	vld [tilespmem:s15+$0x2000];
	_ =	sdelay $0x4  }
0x33: {  	[tilespmem:v2+s12+$0x0] =	vst.idx.msk $0xffff, v3  }
0x34: {  	v3 =	vld [tilespmem:s15+$0x4000];
	_ =	sdelay $0x4  }
0x35: {  	[tilespmem:v2+s13+$0x0] =	vst.idx.msk $0xffff, v3  }
0x36: {  	[hbm4b:s5+s8] =	stream.linear.scatter [tilespmem:s12], [sflag:$0x1], $0x3000, $0x38;
	[tilespmem:$0xC000] =	vst v63  }
0x37: {  	s14 =	sadd.s32 $0x1, s14;
	_ =	swait.ge [sflag:s9], $0x3000  }
0x38: {  	p0 =	sne.s32 s14, s7;
	[sflag:s9] =	ssyncset.done $0x0  }
.Ltmp3:
0x39: {  	[sflag:s9] =	ssyncadd.s32 $0xFFFFD000;
	(pc) =	sbr.rel @p0 .LBB2_2-.Ltmp3, $4  }
0x3a: {  	[hbm4b:s6+s8] =	stream.linear.scatter [tilespmem:s13], [sflag:$0x1], $0x3000, $0x38;
	[tilespmem:$0xC000] =	vst v63  }
0x3b: {  	_ =	swait.ge [sflag:s9], $0x3000  }
0x3c: {  	[sflag:s9] =	ssyncset.done $0x0  }
0x3d: {  	[sflag:s9] =	ssyncadd.s32 $0xFFFFD000  }
.LBB2_7:
0x3e: {  	_ =	sfence.sel $0x180000  }
0x3f: {  	[bflag:$0x0] =	sbarrier.arrive $0xFFFF  }
0x40: {  	p0 =	sne.s32 s0, $0x0;
	_ =	strace $0x90000047  }
0x41: {  	s0 =	sadd.s32 @!p0 $0x100000, s1;
	[bflag:$0x2] =	sbarrier.arrive $0xFFFF  }
0x42: {  	[sflag:s0] =	ssyncadd.tile.s32 @!p0 $0x1;
	_ =	shalt  }
.Lfunc_end2:
_tile_overlayer_lowered:
.L_overlay_start_2:
0x43: {  	(tag) =	ssettag $0x2  }
0x44: {  	s0 =	rddreg [dreg:$0x0];
	s2 =	stileid.u32  }
0x45: {  	s1 =	rddreg [dreg:$0x1];
	p0 =	sne.s32 s2, $0x0  }
0x46: {  	s3 =	rddreg [dreg:$0x2];
	[bflag:$0x3] =	sbarrier.arrive $0xFFFF;
	s2 =	simm.s32 @!p0 $0x1C01  }
0x47: {  	[timem:s3], [sflag:s2] =	dma.local @!p0 [hbm:s0], s1  }
0x48: {  	s0 =	simm.s32 @!p0 $0x1  }
0x49: {  	_ =	swait.ge @!p0 [sflag:s0], s1  }
0x4a: {  	s1 =	ssub.s32 @!p0 $0x0, s1;
	[sflag:s0] =	ssyncset.done @!p0 $0x0  }
0x4b: {  	[sflag:s0] =	ssyncadd.s32 @!p0 s1  }
0x4c: {  	[bflag:$0x3] =	sbarrier.arrive $0xFFFF  }
0x4d: {  	_ =	shalt  }

// kernel: kernel.15.cloned.1.call-start
scs
__scs_entry_jumppad:
0x0: {  	(pc) =	sbr.rel $0x88, $3  }
0x1: {  	(tag) =	ssettag $0x0;
	lr =	simm.s32 $0x1  }
0x2: {  	[smem:$0x3F94] =	sst lr;
	_ =	strace $0xD0000000  }
0x3: {  	_ = 	snop  }
0x4: {  	_ = 	snop  }
0x5: {  	_ = 	snop  }
0x6: {  	_ = 	snop  }
0x7: {  	_ = 	snop  }
__scs_overlays_trampoline_lowered:
0x8: {  	[smem:$0x3FA3] =	sst s0  }
0x9: {  	[smem:$0x3FA4] =	sst s1  }
0xa: {  	[smem:$0x3FA5] =	sst s2  }
0xb: {  	[smem:$0x3FA6] =	sst s3  }
0xc: {  	[smem:$0x3FA7] =	sst s4  }
0xd: {  	[smem:$0x3FA8] =	sst s5  }
0xe: {  	[smem:$0x3FA9] =	sst s6  }
0xf: {  	[smem:$0x3FAA] =	sst s7  }
0x10: {  	[smem:$0x3FAB] =	sst s8  }
0x11: {  	[smem:$0x3FAC] =	sst s9;
	s0 =	simm.s32 @!p0 $0x0  }
0x12: {  	s1 =	sld [smem:$0x3F92];
	s0 =	simm.s32 @p0 $0x1  }
0x13: {  	[smem:$0x3FAD] =	sst s0;
	s0 =	simm.s32 @!p1 $0x0  }
0x14: {  	s2 =	sld [smem:$0x3F91];
	s0 =	simm.s32 @p1 $0x1  }
0x15: {  	[smem:$0x3FAE] =	sst s0;
	s0 =	simm.s32 @!p2 $0x0  }
0x16: {  	s3 =	sld [smem:$0x3FDB];
	s0 =	simm.s32 @p2 $0x1  }
0x17: {  	s4 =	simm.s32 $0x1BF5;
	[smem:$0x3FB0] =	sst s0  }
0x18: {  	s0 =	sld [smem:$0x3F93];
	_ =	swait.ge [sflag:s4], $0x0  }
0x19: {  	s7 =	sld [smem:$0x3F94]  }
0x1a: {  	s8 =	sadd.s32 $0xFFFFE003, lr  }
0x1b: {  	s9 =	sadd.s32 $0xFFFFFEF7, lr;
	s5 =	simm.s32 $0xFFFFFFFF;
	p2 =	slt.u32 s8, $0xFFFFF086  }
0x1c: {  	p1 =	slt.u32 s9, $0xF7A;
	s5 =	simm.s32 @!p2 $0x0  }
0x1d: {  	s5 =	simm.s32 @p1 $0x1;
	p0 =	seq.s32 s7, s2  }
0x1e: {  	s7 =	smul.u32 @!p0 $0xF7A, s2;
	p2 =	seq.s32 @!p0 s5, $0x0  }
0x1f: {  	s9 =	smul.u32 $0xF7A, s1;
	s8 =	simm.s32 @!p0 $0x1BF5;
	p2 =	por !p2, p0  }
0x20: {  	[sflag:s8] =	ssyncset.s32 @!p0 $0xFFFFF086;
	s6 =	sadd.s32 @!p0 s3, s7;
	s7 =	simm.s32 @!p0 $0x108  }
0x21: {  	s3 =	sadd.s32 s3, s9;
	s6 =	sadd.s32 @!p0 $0x88, s6;
	s7 =	simm.s32 @p2 $0x1082  }
0x22: {  	[simem:s7], [sflag:s8] =	dma.local @!p0 [hbm:s6], $0xF7A  }
0x23: {  	s9 =	sor.u32 $0xD0000000, s2;
	s6 =	simm.s32 $0x108;
	_ =	swait.ge @!p0 [sflag:s8], $0x0  }
0x24: {  	s3 =	sadd.s32 $0x88, s3;
	s6 =	simm.s32 @!p1 $0x1082;
	[sflag:s4] =	ssyncset.s32 $0xFFFFF086  }
0x25: {  	[simem:s6], [sflag:s4] =	dma.local [hbm:s3], $0xF7A  }
0x26: {  	[smem:$0x3F94] =	sst s1;
	(tag) =	ssettag s2;
	_ =	strace s9  }
0x27: {  	s1 =	sld [smem:$0x3FA4]  }
0x28: {  	s2 =	sld [smem:$0x3FA5]  }
0x29: {  	s4 =	sld [smem:$0x3FA7]  }
0x2a: {  	p0 =	seq.s32 s5, $0x0;
	s5 =	sld [smem:$0x3FA8]  }
0x2b: {  	s6 =	sld [smem:$0x3FA9]  }
0x2c: {  	s7 =	sld [smem:$0x3FAA]  }
0x2d: {  	s3 =	simm.s32 $0x108;
	s8 =	sld [smem:$0x3FAB]  }
0x2e: {  	s3 =	simm.s32 @!p0 $0x1082;
	s9 =	sld [smem:$0x3FAC]  }
0x2f: {  	lr =	sadd.s32 s0, s3;
	s0 =	sld [smem:$0x3FA3]  }
0x30: {  	s3 =	sld [smem:$0x3FA6]  }
0x31: {  	[smem:$0x3FAF] =	sst s10  }
0x32: {  	s10 =	sld [smem:$0x3FAD];
	_ =	sdelay $0x3  }
0x33: {  	p0 =	seq.s32 s10, $0x1;
	s10 =	sld [smem:$0x3FAF];
	_ =	sdelay $0x3  }
0x34: {  	[smem:$0x3FAF] =	sst s10  }
0x35: {  	s10 =	sld [smem:$0x3FAE];
	_ =	sdelay $0x3  }
0x36: {  	p1 =	seq.s32 s10, $0x1;
	s10 =	sld [smem:$0x3FAF];
	_ =	sdelay $0x3  }
0x37: {  	[smem:$0x3FAF] =	sst s10  }
0x38: {  	s10 =	sld [smem:$0x3FB0]  }
0x39: {  	_ = 	snop;
	(pc) =	sbr.ind lr, $3  }
0x3a: {  	_ = 	snop  }
0x3b: {  	_ = 	snop  }
0x3c: {  	p2 =	seq.s32 s10, $0x1;
	s10 =	sld [smem:$0x3FAF]  }
0x3d: {  	_ =	shalt  }
0x3e: {  	_ =	shalt  }
0x3f: {  	_ =	shalt  }
0x40: {  	_ =	shalt  }
0x41: {  	_ =	shalt  }
0x42: {  	_ =	shalt  }
0x43: {  	_ =	shalt  }
0x44: {  	_ =	shalt  }
0x45: {  	_ =	shalt  }
0x46: {  	_ =	shalt  }
0x47: {  	_ =	shalt  }
0x48: {  	_ =	shalt  }
0x49: {  	_ =	shalt  }
0x4a: {  	_ =	shalt  }
0x4b: {  	_ =	shalt  }
0x4c: {  	_ =	shalt  }
0x4d: {  	_ =	shalt  }
0x4e: {  	_ =	shalt  }
0x4f: {  	_ =	shalt  }
0x50: {  	_ =	shalt  }
0x51: {  	_ =	shalt  }
0x52: {  	_ =	shalt  }
0x53: {  	_ =	shalt  }
0x54: {  	_ =	shalt  }
0x55: {  	_ =	shalt  }
0x56: {  	_ =	shalt  }
0x57: {  	_ =	shalt  }
0x58: {  	_ =	shalt  }
0x59: {  	_ =	shalt  }
0x5a: {  	_ =	shalt  }
0x5b: {  	_ =	shalt  }
0x5c: {  	_ =	shalt  }
0x5d: {  	_ =	shalt  }
0x5e: {  	_ =	shalt  }
0x5f: {  	_ =	shalt  }
0x60: {  	_ =	shalt  }
0x61: {  	_ =	shalt  }
0x62: {  	_ =	shalt  }
0x63: {  	_ =	shalt  }
0x64: {  	_ =	shalt  }
0x65: {  	_ =	shalt  }
0x66: {  	_ =	shalt  }
0x67: {  	_ =	shalt  }
0x68: {  	_ =	shalt  }
0x69: {  	_ =	shalt  }
0x6a: {  	_ =	shalt  }
0x6b: {  	_ =	shalt  }
0x6c: {  	_ =	shalt  }
0x6d: {  	_ =	shalt  }
0x6e: {  	_ =	shalt  }
0x6f: {  	_ =	shalt  }
0x70: {  	_ =	shalt  }
0x71: {  	_ =	shalt  }
0x72: {  	_ =	shalt  }
0x73: {  	_ =	shalt  }
0x74: {  	_ =	shalt  }
0x75: {  	_ =	shalt  }
0x76: {  	_ =	shalt  }
0x77: {  	_ =	shalt  }
0x78: {  	_ =	shalt  }
0x79: {  	_ =	shalt  }
0x7a: {  	_ =	shalt  }
0x7b: {  	_ =	shalt  }
0x7c: {  	_ =	shalt  }
0x7d: {  	_ =	shalt  }
0x7e: {  	_ =	shalt  }
0x7f: {  	_ =	shalt  }
0x80: {  	_ =	shalt  }
0x81: {  	_ =	shalt  }
0x82: {  	_ =	shalt  }
0x83: {  	_ =	shalt  }
0x84: {  	_ =	shalt  }
0x85: {  	_ =	shalt  }
0x86: {  	_ =	shalt  }
0x87: {  	_ =	shalt  }
.Lfunc_end0:
.L_simem_size_0:
called_computation.1_lowered:
.L_overlay_start_0:
0x88: {  	s2 =	sld [smem:$0x3FD9]  }
0x89: {  	s3 =	sld [smem:$0x3FFE];
	_ =	sdelay $0x1  }
0x8a: {  	s1 =	srdreg.scid  }
0x8b: {  	s0 =	sand.u32 $0x1, s1  }
0x8c: {  	s16 =	sshll.u32 s0, $0xA;
	s2 =	sadd.s32 s3, s2  }
0x8d: {  	s2 =	sadd.s32 s2, s16  }
0x8e: {  	[smem:$0x3FBB] =	sst s2  }
0x8f: {  	_ = 	snop  }
0x90: {  	(tm) =	ssettm $0x1  }
0x91: {  	s17 =	sld [smem:$0x3FFB];
	_ =	sdelay $0x3  }
0x92: {  	_ =	strace s17  }
0x93: {  	s2 =	sld [smem:$0x3FFC];
	_ =	sdelay $0x3  }
0x94: {  	_ =	strace s2  }
0x95: {  	s2 =	sld [smem:$0x3FFD];
	_ =	sdelay $0x3  }
0x96: {  	_ =	strace s2  }
0x97: {  	_ =	strace $0x8FFFFFFF  }
0x98: {  	s18 =	sld [smem:$0x3FDB];
	_ =	sdelay $0x1  }
0x99: {  	s19 =	simm.s32 $_scs_section_size  }
0x9a: {  	s4 =	simm.s32 $_size__tile_overlayer_lowered;
	s5 =	simm.s32 $_tile_overlayer_lowered  }
0x9b: {  	s22 =	simm.s32 $0x1BFF;
	s21 =	sshll.u32 s5, $0x1;
	s2 =	sadd.s32 s19, s18  }
0x9c: {  	s6 =	simm.s32 $0x0;
	s20 =	sshll.u32 s4, $0x1;
	s4 =	sadd.s32 s21, s2  }
0x9d: {  	[timem:s6], [sflag:s22] =	dma.local [hbm:s4], s20  }
0x9e: {  	_ =	swait.ge [sflag:s22], s20  }
0x9f: {  	s3 =	ssub.s32 $0x0, s20;
	[sflag:s22] =	ssyncset.done $0x0  }
0xa0: {  	[sflag:s22] =	ssyncadd.s32 s3;
	_ =	sdelay $0x1  }
0xa1: {  	s23 =	simm.s32 $0x1B8B  }
0xa2: {  	_ =	swait.ge [sflag:s23], $0x1  }
0xa3: {  	[sflag:s23] =	ssyncset.done $0x0  }
0xa4: {  	s25 =	simm.s32 $0x1B8E;
	s24 =	sld [smem:$0x3FFE];
	[sflag:s23] =	ssyncadd.s32 $0xFFFFFFFF  }
0xa5: {  	s26 =	simm.s32 $execute0_lowered;
	[smem:$0x3FD2] =	sst s25  }
0xa6: {  	s4 =	sshll.u32 s26, $0x1;
	_ =	strace $0x80000049;
	[dreg:$0x1] =	wrdreg $0xFFFFFFFF  }
0xa7: {  	s28 =	simm.s32 $_size_execute0_lowered;
	s2 =	sadd.s32 s2, s4;
	[dreg:$0x0] =	wrdreg $0x0  }
0xa8: {  	s4 =	sshll.u32 s28, $0x1;
	[dreg:$0x2] =	wrdreg s2  }
0xa9: {  	[dreg:$0x3] =	wrdreg s4  }
0xaa: {  	[dreg:$0x4] =	wrdreg $0xC0  }
0xab: {  	_ =	task [dreg:s6], $0x5FFFF  }
0xac: {  	[dreg:$0x1] =	wrdreg $0xFFFFFFFF  }
0xad: {  	[dreg:$0x0] =	wrdreg $0x60  }
0xae: {  	[dreg:$0x2] =	wrdreg s24  }
0xaf: {  	[dreg:$0x3] =	wrdreg $0x9  }
0xb0: {  	_ =	task.clear_ibuf [dreg:s6], $0x4FFFF;
	_ =	strace $0x90000049  }
0xb1: {  	s29 =	simm.s32 $0x9;
	_ =	strace $0x8000004B  }
0xb2: {  	_ =	swait.ge [sflag:s29], $0x1  }
0xb3: {  	[sflag:s29] =	ssyncadd.s32 $0xFFFFFFFF  }
0xb4: {  	_ =	strace $0x9000004B  }
0xb5: {  	_ =	sfence  }
0xb6: {  	s30 =	sld [smem:$0x0];
	_ =	sdelay $0x2  }
0xb7: {  	s31 =	sshll.u32 s1, $0xD;
	s1 =	sshrl.u32 s1, $0x2  }
0xb8: {  	s3 =	sand.u32 $0x4000, s31;
	s1 =	sadd.s32 s1, s30  }
0xb9: {  	s0 =	sor.u32 s3, s0;
	s1 =	sshll.u32 s1, $0x11  }
0xba: {  	s0 =	sor.u32 s1, s0  }
0xbb: {  	s0 =	sadd.s32 $0x8F2B, s0  }
0xbc: {  	[sflag:s0] =	ssyncadd.remote.s32 $0x1  }
0xbd: {  	_ =	sfence.sel $0xFFFF  }
0xbe: {  	[dreg:$0x0] =	wrdreg $0xFFFFFFFF;
	(pc) =	sbr.abs _section_cstart, $3  }
0xbf: {  	[dreg:$0x1] =	wrdreg $0xFFFFFFFF  }
0xc0: {  	_ =	task.clear_ibuf [dreg:s6], $0x2FFFF;
	_ =	strace $0x9FFFFFFF  }
0xc1: {  	(tm) =	ssettm $0x7FFFFFFF  }
tec
execute0_lowered:
.L_overlay_start_1:
0x0: {  	(tag) =	ssettag $0x1  }
0x1: {  	s1 =	srdreg.scid;
	s7 =	rddreg [dreg:$0x0];
	s2 =	simm.s32 $0x0  }
0x2: {  	s0 =	stileid.u32;
	s13 =	simm.s32 $0x1000;
	[smem:$0x7FF] =	sst s2  }
0x3: {  	s15 =	simm.s32 $0x1800;
	_ =	strace $0x8000004A;
	[dreg:$0x3] =	wrdreg s13  }
0x4: {  	s16 =	simm.s32 $0x2000;
	s17 =	simm.s32 $0x2800;
	[dreg:$0x4] =	wrdreg s15  }
0x5: {  	s18 =	simm.s32 $0x3000;
	s19 =	simm.s32 $0x3800;
	[dreg:$0x5] =	wrdreg s16  }
0x6: {  	s20 =	simm.s32 $0x4000;
	s21 =	simm.s32 $0x4800;
	[dreg:$0x6] =	wrdreg s17  }
0x7: {  	s22 =	simm.s32 $0x5000;
	s24 =	simm.s32 $0x5800;
	[dreg:$0x7] =	wrdreg s18  }
0x8: {  	s8 =	simm.s32 $0x6000;
	s25 =	simm.s32 $0x6800;
	[dreg:$0x8] =	wrdreg s19  }
0x9: {  	s9 =	simm.s32 $0x7000;
	s26 =	simm.s32 $0x7800;
	[dreg:$0x9] =	wrdreg s20  }
0xa: {  	s31 =	simm.s32 $0x8000;
	s10 =	simm.s32 $0x800;
	[dreg:$0xa] =	wrdreg s21  }
0xb: {  	s11 =	simm.s32 $0x8800;
	s12 =	simm.s32 $0x9000;
	[dreg:$0xb] =	wrdreg s22  }
0xc: {  	s28 =	simm.s32 $0x1;
	s29 =	simm.s32 $0x2;
	[dreg:$0xc] =	wrdreg s24  }
0xd: {  	s30 =	simm.s32 $0x0;
	s1 =	sand.u32 $0x1, s1;
	[dreg:$0xd] =	wrdreg s8  }
0xe: {  	s3 =	smul.u32 $0x18000, s0;
	s14 =	sshll.u32 s0, $0x9;
	[dreg:$0xe] =	wrdreg s25  }
0xf: {  	s4 =	smul.u32 $0xC000, s1;
	s5 =	sshll.u32 s1, $0x8;
	[dreg:$0xf] =	wrdreg s9  }
0x10: {  	s1 =	ssub.s32 $0x2, s1;
	s9 =	simm.s32 $0x3;
	[dreg:$0x10] =	wrdreg s26  }
0x11: {  	[dreg:$0x11] =	wrdreg s31;
	s13 =	simm.s32 $0x9800;
	s15 =	simm.s32 $0xA800  }
0x12: {  	s16 =	simm.s32 $0xB000;
	s17 =	simm.s32 $0xB800;
	s18 =	simm.s32 $0xC000  }
0x13: {  	s19 =	simm.s32 $0xC800;
	s20 =	simm.s32 $0xD000;
	s21 =	simm.s32 $0xD800  }
0x14: {  	s22 =	simm.s32 $0xE000;
	s24 =	simm.s32 $0xF000;
	s25 =	simm.s32 $0xF800  }
0x15: {  	s26 =	simm.s32 $0x10000;
	s3 =	sadd.s32 s3, s7;
	s6 =	sshrl.u32 s1, $0x1  }
0x16: {  	s3 =	sadd.s32 s4, s3;
	s4 =	sor.u32 s5, s14;
	s1 =	ssub.s32 s1, s6  }
0x17: {  	s5 =	sadd.s32 $0x4300, s7;
	s6 =	sadd.s32 $0x4400, s7;
	s14 =	simm.s32 $0xA000  }
0x18: {  	v2 =	vlaneseq.u32;
	s3 =	sadd.s32 $0x97C00, s3;
	s4 =	sadd.s32 s4, s7;
	s8 =	smax.u32 s1, $0x1  }
0x19: {  	vm0 =	vmmov $0xffff;
	v1 =	vshrl.u32 v2, $0x3;
	[dreg:$0x2] =	wrdreg s3;
	s3 =	sadd.s32 $0x4200, s7;
	s23 =	sadd.s32 $0x95C00, s4  }
0x1a: {  	v0 =	vand.u32 $0x7, v2;
	v2 =	vor.u32 $0x8, v2;
	v1 =	vmul.u32 $0x8, v1;
	s7 =	sadd.s32 $0x4500, s7;
	[dreg:$0x12] =	wrdreg s23;
	s23 =	simm.s32 $0xE800  }
.LBB2_1:
0x1b: {  	s0 =	rddreg [dreg:$0x12]  }
0x1c: {  	[tilespmem:s2], [sflag:$0x3] =	stream.linear.gather [hbm4b:s0+s2], $0x600, $0x38;
	[tilespmem:$0x10800] =	vst v63  }
0x1d: {  	_ =	swait.ge [sflag:s9], $0x600  }
0x1e: {  	[sflag:s9] =	ssyncset.done $0x0  }
0x1f: {  	s31 =	simm.s32 $0x90;
	s1 =	simm.s32 $0x0;
	[sflag:s9] =	ssyncadd.s32 $0xFFFFFA00  }
.LBB2_2:
0x20: {  	v3 =	vld [tilespmem:s31+$0xFFFFFF70];
	_ =	sdelay $0x4  }
0x21: {  	v4 =	vshll.u32 v3, $0x3  }
0x22: {  	v3 =	vand.u32 $0x7, v3;
	v4 =	vand.u32 $0xFFFFFFC0, v4  }
0x23: {  	v3 =	vor.u32 v3, v4  }
0x24: {  	v4 =	vperm.xlane v3, v0;
	_ =	sdelay $0x1  }
0x25: {  	v4 =	vadd.s32 v1, v4;
	_ =	sdelay $0x4  }
0x26: {  	[tilespmem:s10], [sflag:$0x1] =	stream.indirect_vreg.gather [hbm4b:s3+s2], $0x80, v4, vm0, $0xb8;
	[tilespmem:$0x10800] =	vst v63  }
0x27: {  	s0 =	rddreg [dreg:$0x3];
	v3 =	vperm.xlane v3, v2  }
0x28: {  	[tilespmem:s0], [sflag:$0x1] =	stream.indirect_vreg.gather [hbm4b:s5+s2], $0x80, v4, vm0, $0xb8;
	[tilespmem:$0x10800] =	vst v63  }
0x29: {  	s4 =	rddreg [dreg:$0x4];
	v3 =	vadd.s32 v1, v3  }
0x2a: {  	[tilespmem:s4], [sflag:$0x1] =	stream.indirect_vreg.gather [hbm4b:s6+s2], $0x80, v4, vm0, $0xb8;
	[tilespmem:$0x10800] =	vst v63  }
0x2b: {  	s0 =	rddreg [dreg:$0x5]  }
0x2c: {  	[tilespmem:s0], [sflag:$0x1] =	stream.indirect_vreg.gather [hbm4b:s7+s2], $0x80, v4, vm0, $0xb8;
	[tilespmem:$0x10800] =	vst v63  }
0x2d: {  	s4 =	rddreg [dreg:$0x6]  }
0x2e: {  	[tilespmem:s4], [sflag:$0x1] =	stream.indirect_vreg.gather [hbm4b:s3+s2], $0x80, v3, vm0, $0xb8;
	[tilespmem:$0x10800] =	vst v63  }
0x2f: {  	s0 =	rddreg [dreg:$0x7]  }
0x30: {  	[tilespmem:s0], [sflag:$0x1] =	stream.indirect_vreg.gather [hbm4b:s5+s2], $0x80, v3, vm0, $0xb8;
	[tilespmem:$0x10800] =	vst v63  }
0x31: {  	s4 =	rddreg [dreg:$0x8]  }
0x32: {  	[tilespmem:s4], [sflag:$0x1] =	stream.indirect_vreg.gather [hbm4b:s6+s2], $0x80, v3, vm0, $0xb8;
	[tilespmem:$0x10800] =	vst v63  }
0x33: {  	s0 =	rddreg [dreg:$0x9]  }
0x34: {  	[tilespmem:s0], [sflag:$0x1] =	stream.indirect_vreg.gather [hbm4b:s7+s2], $0x80, v3, vm0, $0xb8;
	[tilespmem:$0x10800] =	vst v63  }
0x35: {  	v3 =	vld [tilespmem:s31+$0xFFFFFF80];
	_ =	sdelay $0x4  }
0x36: {  	v61 =	vshll.u32 v3, $0x3  }
0x37: {  	v3 =	vand.u32 $0x7, v3;
	v4 =	vand.u32 $0xFFFFFFC0, v61  }
0x38: {  	v3 =	vor.u32 v3, v4  }
0x39: {  	v4 =	vperm.xlane v3, v0;
	_ =	sdelay $0x1  }
0x3a: {  	v4 =	vadd.s32 v1, v4;
	_ =	sdelay $0x3  }
0x3b: {  	s0 =	rddreg [dreg:$0xa]  }
0x3c: {  	[tilespmem:s0], [sflag:$0x1] =	stream.indirect_vreg.gather [hbm4b:s3+s2], $0x80, v4, vm0, $0xb8;
	[tilespmem:$0x10800] =	vst v63  }
0x3d: {  	s4 =	rddreg [dreg:$0xb];
	v3 =	vperm.xlane v3, v2  }
0x3e: {  	[tilespmem:s4], [sflag:$0x1] =	stream.indirect_vreg.gather [hbm4b:s5+s2], $0x80, v4, vm0, $0xb8;
	[tilespmem:$0x10800] =	vst v63  }
0x3f: {  	v3 =	vadd.s32 v1, v3;
	s0 =	rddreg [dreg:$0xc]  }
0x40: {  	[tilespmem:s0], [sflag:$0x1] =	stream.indirect_vreg.gather [hbm4b:s6+s2], $0x80, v4, vm0, $0xb8;
	[tilespmem:$0x10800] =	vst v63  }
0x41: {  	s4 =	rddreg [dreg:$0xd]  }
0x42: {  	[tilespmem:s4], [sflag:$0x1] =	stream.indirect_vreg.gather [hbm4b:s7+s2], $0x80, v4, vm0, $0xb8;
	[tilespmem:$0x10800] =	vst v63  }
0x43: {  	s0 =	rddreg [dreg:$0xe]  }
0x44: {  	[tilespmem:s0], [sflag:$0x1] =	stream.indirect_vreg.gather [hbm4b:s3+s2], $0x80, v3, vm0, $0xb8;
	[tilespmem:$0x10800] =	vst v63  }
0x45: {  	s4 =	rddreg [dreg:$0xf]  }
0x46: {  	[tilespmem:s4], [sflag:$0x1] =	stream.indirect_vreg.gather [hbm4b:s5+s2], $0x80, v3, vm0, $0xb8;
	[tilespmem:$0x10800] =	vst v63  }
0x47: {  	s0 =	rddreg [dreg:$0x10]  }
0x48: {  	[tilespmem:s0], [sflag:$0x1] =	stream.indirect_vreg.gather [hbm4b:s6+s2], $0x80, v3, vm0, $0xb8;
	[tilespmem:$0x10800] =	vst v63  }
0x49: {  	s4 =	rddreg [dreg:$0x11]  }
0x4a: {  	[tilespmem:s4], [sflag:$0x1] =	stream.indirect_vreg.gather [hbm4b:s7+s2], $0x80, v3, vm0, $0xb8;
	[tilespmem:$0x10800] =	vst v63  }
0x4b: {  	v3 =	vld [tilespmem:s31+$0xFFFFFFF0];
	_ =	sdelay $0x4  }
0x4c: {  	v62 =	vshll.u32 v3, $0x3  }
0x4d: {  	v3 =	vand.u32 $0x7, v3;
	v4 =	vand.u32 $0xFFFFFFC0, v62  }
0x4e: {  	v3 =	vor.u32 v3, v4  }
0x4f: {  	v4 =	vperm.xlane v3, v0;
	_ =	sdelay $0x1  }
0x50: {  	v4 =	vadd.s32 v1, v4;
	_ =	sdelay $0x4  }
0x51: {  	[tilespmem:s11], [sflag:$0x2] =	stream.indirect_vreg.gather [hbm4b:s3+s2], $0x80, v4, vm0, $0xb8;
	[tilespmem:$0x10800] =	vst v63  }
0x52: {  	v3 =	vperm.xlane v3, v2  }
0x53: {  	[tilespmem:s12], [sflag:$0x2] =	stream.indirect_vreg.gather [hbm4b:s5+s2], $0x80, v4, vm0, $0xb8;
	[tilespmem:$0x10800] =	vst v63  }
0x54: {  	v3 =	vadd.s32 v1, v3  }
0x55: {  	[tilespmem:s13], [sflag:$0x2] =	stream.indirect_vreg.gather [hbm4b:s6+s2], $0x80, v4, vm0, $0xb8;
	[tilespmem:$0x10800] =	vst v63  }
0x56: {  	_ = 	snop  }
0x57: {  	[tilespmem:s14], [sflag:$0x2] =	stream.indirect_vreg.gather [hbm4b:s7+s2], $0x80, v4, vm0, $0xb8;
	[tilespmem:$0x10800] =	vst v63  }
0x58: {  	_ = 	snop  }
0x59: {  	[tilespmem:s15], [sflag:$0x2] =	stream.indirect_vreg.gather [hbm4b:s3+s2], $0x80, v3, vm0, $0xb8;
	[tilespmem:$0x10800] =	vst v63  }
0x5a: {  	_ = 	snop  }
0x5b: {  	[tilespmem:s16], [sflag:$0x2] =	stream.indirect_vreg.gather [hbm4b:s5+s2], $0x80, v3, vm0, $0xb8;
	[tilespmem:$0x10800] =	vst v63  }
0x5c: {  	_ = 	snop  }
0x5d: {  	[tilespmem:s17], [sflag:$0x2] =	stream.indirect_vreg.gather [hbm4b:s6+s2], $0x80, v3, vm0, $0xb8;
	[tilespmem:$0x10800] =	vst v63  }
0x5e: {  	_ = 	snop  }
0x5f: {  	[tilespmem:s18], [sflag:$0x2] =	stream.indirect_vreg.gather [hbm4b:s7+s2], $0x80, v3, vm0, $0xb8;
	[tilespmem:$0x10800] =	vst v63  }
0x60: {  	v3 =	vld [tilespmem:s31+$0x0];
	_ =	sdelay $0x4  }
0x61: {  	v63 =	vshll.u32 v3, $0x3  }
0x62: {  	v3 =	vand.u32 $0x7, v3;
	v4 =	vand.u32 $0xFFFFFFC0, v63  }
0x63: {  	v3 =	vor.u32 v3, v4  }
0x64: {  	v4 =	vperm.xlane v3, v0;
	_ =	sdelay $0x1  }
0x65: {  	v4 =	vadd.s32 v1, v4;
	_ =	sdelay $0x4  }
0x66: {  	[tilespmem:s19], [sflag:$0x2] =	stream.indirect_vreg.gather [hbm4b:s3+s2], $0x80, v4, vm0, $0xb8;
	[tilespmem:$0x10800] =	vst v63  }
0x67: {  	v3 =	vperm.xlane v3, v2  }
0x68: {  	[tilespmem:s20], [sflag:$0x2] =	stream.indirect_vreg.gather [hbm4b:s5+s2], $0x80, v4, vm0, $0xb8;
	[tilespmem:$0x10800] =	vst v63  }
0x69: {  	v3 =	vadd.s32 v1, v3  }
0x6a: {  	[tilespmem:s21], [sflag:$0x2] =	stream.indirect_vreg.gather [hbm4b:s6+s2], $0x80, v4, vm0, $0xb8;
	[tilespmem:$0x10800] =	vst v63  }
0x6b: {  	_ = 	snop  }
0x6c: {  	[tilespmem:s22], [sflag:$0x2] =	stream.indirect_vreg.gather [hbm4b:s7+s2], $0x80, v4, vm0, $0xb8;
	[tilespmem:$0x10800] =	vst v63  }
0x6d: {  	_ = 	snop  }
0x6e: {  	[tilespmem:s23], [sflag:$0x2] =	stream.indirect_vreg.gather [hbm4b:s3+s2], $0x80, v3, vm0, $0xb8;
	[tilespmem:$0x10800] =	vst v63  }
0x6f: {  	_ = 	snop  }
0x70: {  	[tilespmem:s24], [sflag:$0x2] =	stream.indirect_vreg.gather [hbm4b:s5+s2], $0x80, v3, vm0, $0xb8;
	[tilespmem:$0x10800] =	vst v63  }
0x71: {  	_ = 	snop  }
0x72: {  	[tilespmem:s25], [sflag:$0x2] =	stream.indirect_vreg.gather [hbm4b:s6+s2], $0x80, v3, vm0, $0xb8;
	[tilespmem:$0x10800] =	vst v63  }
0x73: {  	_ = 	snop  }
0x74: {  	[tilespmem:s26], [sflag:$0x2] =	stream.indirect_vreg.gather [hbm4b:s7+s2], $0x80, v3, vm0, $0xb8;
	[tilespmem:$0x10800] =	vst v63  }
0x75: {  	_ =	swait.ge [sflag:s28], $0x8000  }
0x76: {  	[sflag:s28] =	ssyncset.done $0x0  }
0x77: {  	[sflag:s28] =	ssyncadd.s32 $0xFFFF8000  }
0x78: {  	_ =	swait.ge [sflag:s29], $0x8000  }
0x79: {  	s4 =	rddreg [dreg:$0x2];
	[sflag:s29] =	ssyncset.done $0x0  }
0x7a: {  	[sflag:s29] =	ssyncadd.s32 $0xFFFF8000;
	s0 =	sadd.s32 s1, s4  }
0x7b: {  	[hbm4b:s0+s2] =	stream.linear.scatter [tilespmem:s10], [sflag:$0x3], $0x8000, $0x38;
	[tilespmem:$0x10800] =	vst v63  }
0x7c: {  	_ =	swait.ge [sflag:s9], $0x8000  }
0x7d: {  	p0 =	sne.s32 s1, $0xA000;
	[sflag:s9] =	ssyncset.done $0x0  }
.Ltmp0:
0x7e: {  	s0 =	sadd.s32 $0x1000, s0;
	[sflag:s9] =	ssyncadd.s32 $0xFFFF8000;
	(pc) =	sbr.rel @p0 .LBB2_2-.Ltmp0, $4  }
0x7f: {  	[hbm4b:s0+s2] =	stream.linear.scatter [tilespmem:s11], [sflag:$0x3], $0x8000, $0x38;
	[tilespmem:$0x10800] =	vst v63  }
0x80: {  	_ =	swait.ge [sflag:s9], $0x8000  }
0x81: {  	[sflag:s9] =	ssyncset.done $0x0  }
0x82: {  	s31 =	sadd.s32 $0x100, s31;
	s1 =	sadd.s32 $0x2000, s1;
	[sflag:s9] =	ssyncadd.s32 $0xFFFF8000  }
0x83: {  	s30 =	sadd.s32 $0x1, s30  }
0x84: {  	p0 =	sne.s32 s30, s8  }
.Ltmp1:
0x85: {  	_ = 	snop;
	(pc) =	sbr.rel @p0 .LBB2_1-.Ltmp1, $1  }
0x86: {  	_ =	sdelay $0x3  }
0x87: {  	_ =	sfence.sel $0x180000  }
0x88: {  	[bflag:$0x0] =	sbarrier.arrive $0xFFFF  }
0x89: {  	_ =	strace $0x9000004A  }
0x8a: {  	s0 =	stileid.u32;
	[bflag:$0x2] =	sbarrier.arrive $0xFFFF  }
0x8b: {  	p0 =	sne.s32 s0, $0x0;
	s0 =	rddreg [dreg:$0x1]  }
0x8c: {  	s0 =	sadd.s32 @!p0 $0x100000, s0  }
0x8d: {  	[sflag:s0] =	ssyncadd.tile.s32 @!p0 $0x1;
	_ =	shalt  }
.Lfunc_end2:
_tile_overlayer_lowered:
.L_overlay_start_2:
0x8e: {  	(tag) =	ssettag $0x2  }
0x8f: {  	s0 =	rddreg [dreg:$0x0];
	s2 =	stileid.u32  }
0x90: {  	s1 =	rddreg [dreg:$0x1];
	p0 =	sne.s32 s2, $0x0  }
0x91: {  	s3 =	rddreg [dreg:$0x2];
	[bflag:$0x3] =	sbarrier.arrive $0xFFFF;
	s2 =	simm.s32 @!p0 $0x1C03  }
0x92: {  	[timem:s3], [sflag:s2] =	dma.local @!p0 [hbm:s0], s1  }
0x93: {  	s0 =	simm.s32 @!p0 $0x3  }
0x94: {  	_ =	swait.ge @!p0 [sflag:s0], s1  }
0x95: {  	s1 =	ssub.s32 @!p0 $0x0, s1;
	[sflag:s0] =	ssyncset.done @!p0 $0x0  }
0x96: {  	[sflag:s0] =	ssyncadd.s32 @!p0 s1  }
0x97: {  	[bflag:$0x3] =	sbarrier.arrive $0xFFFF  }
0x98: {  	_ =	shalt  }

// kernel: kernel.18.cloned.1.call-start
scs
__scs_entry_jumppad:
0x0: {  	(pc) =	sbr.rel $0x88, $3  }
0x1: {  	(tag) =	ssettag $0x0;
	lr =	simm.s32 $0x1  }
0x2: {  	[smem:$0x3F94] =	sst lr;
	_ =	strace $0xD0000000  }
0x3: {  	_ = 	snop  }
0x4: {  	_ = 	snop  }
0x5: {  	_ = 	snop  }
0x6: {  	_ = 	snop  }
0x7: {  	_ = 	snop  }
__scs_overlays_trampoline_lowered:
0x8: {  	[smem:$0x3FA3] =	sst s0  }
0x9: {  	[smem:$0x3FA4] =	sst s1  }
0xa: {  	[smem:$0x3FA5] =	sst s2  }
0xb: {  	[smem:$0x3FA6] =	sst s3  }
0xc: {  	[smem:$0x3FA7] =	sst s4  }
0xd: {  	[smem:$0x3FA8] =	sst s5  }
0xe: {  	[smem:$0x3FA9] =	sst s6  }
0xf: {  	[smem:$0x3FAA] =	sst s7  }
0x10: {  	[smem:$0x3FAB] =	sst s8  }
0x11: {  	[smem:$0x3FAC] =	sst s9;
	s0 =	simm.s32 @!p0 $0x0  }
0x12: {  	s1 =	sld [smem:$0x3F92];
	s0 =	simm.s32 @p0 $0x1  }
0x13: {  	[smem:$0x3FAD] =	sst s0;
	s0 =	simm.s32 @!p1 $0x0  }
0x14: {  	s2 =	sld [smem:$0x3F91];
	s0 =	simm.s32 @p1 $0x1  }
0x15: {  	[smem:$0x3FAE] =	sst s0;
	s0 =	simm.s32 @!p2 $0x0  }
0x16: {  	s3 =	sld [smem:$0x3FDB];
	s0 =	simm.s32 @p2 $0x1  }
0x17: {  	s4 =	simm.s32 $0x1BF5;
	[smem:$0x3FB0] =	sst s0  }
0x18: {  	s0 =	sld [smem:$0x3F93];
	_ =	swait.ge [sflag:s4], $0x0  }
0x19: {  	s7 =	sld [smem:$0x3F94]  }
0x1a: {  	s8 =	sadd.s32 $0xFFFFE003, lr  }
0x1b: {  	s9 =	sadd.s32 $0xFFFFFEF7, lr;
	s5 =	simm.s32 $0xFFFFFFFF;
	p2 =	slt.u32 s8, $0xFFFFF086  }
0x1c: {  	p1 =	slt.u32 s9, $0xF7A;
	s5 =	simm.s32 @!p2 $0x0  }
0x1d: {  	s5 =	simm.s32 @p1 $0x1;
	p0 =	seq.s32 s7, s2  }
0x1e: {  	s7 =	smul.u32 @!p0 $0xF7A, s2;
	p2 =	seq.s32 @!p0 s5, $0x0  }
0x1f: {  	s9 =	smul.u32 $0xF7A, s1;
	s8 =	simm.s32 @!p0 $0x1BF5;
	p2 =	por !p2, p0  }
0x20: {  	[sflag:s8] =	ssyncset.s32 @!p0 $0xFFFFF086;
	s6 =	sadd.s32 @!p0 s3, s7;
	s7 =	simm.s32 @!p0 $0x108  }
0x21: {  	s3 =	sadd.s32 s3, s9;
	s6 =	sadd.s32 @!p0 $0x88, s6;
	s7 =	simm.s32 @p2 $0x1082  }
0x22: {  	[simem:s7], [sflag:s8] =	dma.local @!p0 [hbm:s6], $0xF7A  }
0x23: {  	s9 =	sor.u32 $0xD0000000, s2;
	s6 =	simm.s32 $0x108;
	_ =	swait.ge @!p0 [sflag:s8], $0x0  }
0x24: {  	s3 =	sadd.s32 $0x88, s3;
	s6 =	simm.s32 @!p1 $0x1082;
	[sflag:s4] =	ssyncset.s32 $0xFFFFF086  }
0x25: {  	[simem:s6], [sflag:s4] =	dma.local [hbm:s3], $0xF7A  }
0x26: {  	[smem:$0x3F94] =	sst s1;
	(tag) =	ssettag s2;
	_ =	strace s9  }
0x27: {  	s1 =	sld [smem:$0x3FA4]  }
0x28: {  	s2 =	sld [smem:$0x3FA5]  }
0x29: {  	s4 =	sld [smem:$0x3FA7]  }
0x2a: {  	p0 =	seq.s32 s5, $0x0;
	s5 =	sld [smem:$0x3FA8]  }
0x2b: {  	s6 =	sld [smem:$0x3FA9]  }
0x2c: {  	s7 =	sld [smem:$0x3FAA]  }
0x2d: {  	s3 =	simm.s32 $0x108;
	s8 =	sld [smem:$0x3FAB]  }
0x2e: {  	s3 =	simm.s32 @!p0 $0x1082;
	s9 =	sld [smem:$0x3FAC]  }
0x2f: {  	lr =	sadd.s32 s0, s3;
	s0 =	sld [smem:$0x3FA3]  }
0x30: {  	s3 =	sld [smem:$0x3FA6]  }
0x31: {  	[smem:$0x3FAF] =	sst s10  }
0x32: {  	s10 =	sld [smem:$0x3FAD];
	_ =	sdelay $0x3  }
0x33: {  	p0 =	seq.s32 s10, $0x1;
	s10 =	sld [smem:$0x3FAF];
	_ =	sdelay $0x3  }
0x34: {  	[smem:$0x3FAF] =	sst s10  }
0x35: {  	s10 =	sld [smem:$0x3FAE];
	_ =	sdelay $0x3  }
0x36: {  	p1 =	seq.s32 s10, $0x1;
	s10 =	sld [smem:$0x3FAF];
	_ =	sdelay $0x3  }
0x37: {  	[smem:$0x3FAF] =	sst s10  }
0x38: {  	s10 =	sld [smem:$0x3FB0]  }
0x39: {  	_ = 	snop;
	(pc) =	sbr.ind lr, $3  }
0x3a: {  	_ = 	snop  }
0x3b: {  	_ = 	snop  }
0x3c: {  	p2 =	seq.s32 s10, $0x1;
	s10 =	sld [smem:$0x3FAF]  }
0x3d: {  	_ =	shalt  }
0x3e: {  	_ =	shalt  }
0x3f: {  	_ =	shalt  }
0x40: {  	_ =	shalt  }
0x41: {  	_ =	shalt  }
0x42: {  	_ =	shalt  }
0x43: {  	_ =	shalt  }
0x44: {  	_ =	shalt  }
0x45: {  	_ =	shalt  }
0x46: {  	_ =	shalt  }
0x47: {  	_ =	shalt  }
0x48: {  	_ =	shalt  }
0x49: {  	_ =	shalt  }
0x4a: {  	_ =	shalt  }
0x4b: {  	_ =	shalt  }
0x4c: {  	_ =	shalt  }
0x4d: {  	_ =	shalt  }
0x4e: {  	_ =	shalt  }
0x4f: {  	_ =	shalt  }
0x50: {  	_ =	shalt  }
0x51: {  	_ =	shalt  }
0x52: {  	_ =	shalt  }
0x53: {  	_ =	shalt  }
0x54: {  	_ =	shalt  }
0x55: {  	_ =	shalt  }
0x56: {  	_ =	shalt  }
0x57: {  	_ =	shalt  }
0x58: {  	_ =	shalt  }
0x59: {  	_ =	shalt  }
0x5a: {  	_ =	shalt  }
0x5b: {  	_ =	shalt  }
0x5c: {  	_ =	shalt  }
0x5d: {  	_ =	shalt  }
0x5e: {  	_ =	shalt  }
0x5f: {  	_ =	shalt  }
0x60: {  	_ =	shalt  }
0x61: {  	_ =	shalt  }
0x62: {  	_ =	shalt  }
0x63: {  	_ =	shalt  }
0x64: {  	_ =	shalt  }
0x65: {  	_ =	shalt  }
0x66: {  	_ =	shalt  }
0x67: {  	_ =	shalt  }
0x68: {  	_ =	shalt  }
0x69: {  	_ =	shalt  }
0x6a: {  	_ =	shalt  }
0x6b: {  	_ =	shalt  }
0x6c: {  	_ =	shalt  }
0x6d: {  	_ =	shalt  }
0x6e: {  	_ =	shalt  }
0x6f: {  	_ =	shalt  }
0x70: {  	_ =	shalt  }
0x71: {  	_ =	shalt  }
0x72: {  	_ =	shalt  }
0x73: {  	_ =	shalt  }
0x74: {  	_ =	shalt  }
0x75: {  	_ =	shalt  }
0x76: {  	_ =	shalt  }
0x77: {  	_ =	shalt  }
0x78: {  	_ =	shalt  }
0x79: {  	_ =	shalt  }
0x7a: {  	_ =	shalt  }
0x7b: {  	_ =	shalt  }
0x7c: {  	_ =	shalt  }
0x7d: {  	_ =	shalt  }
0x7e: {  	_ =	shalt  }
0x7f: {  	_ =	shalt  }
0x80: {  	_ =	shalt  }
0x81: {  	_ =	shalt  }
0x82: {  	_ =	shalt  }
0x83: {  	_ =	shalt  }
0x84: {  	_ =	shalt  }
0x85: {  	_ =	shalt  }
0x86: {  	_ =	shalt  }
0x87: {  	_ =	shalt  }
.Lfunc_end0:
.L_simem_size_0:
called_computation.2_lowered:
.L_overlay_start_0:
0x88: {  	s2 =	sld [smem:$0x3FD9]  }
0x89: {  	s3 =	sld [smem:$0x3FFE];
	_ =	sdelay $0x1  }
0x8a: {  	s1 =	srdreg.scid  }
0x8b: {  	s0 =	sand.u32 $0x1, s1  }
0x8c: {  	s16 =	sshll.u32 s0, $0xA;
	s2 =	sadd.s32 s3, s2  }
0x8d: {  	s2 =	sadd.s32 s2, s16  }
0x8e: {  	[smem:$0x3FBB] =	sst s2  }
0x8f: {  	_ = 	snop  }
0x90: {  	(tm) =	ssettm $0x1  }
0x91: {  	s17 =	sld [smem:$0x3FFB];
	_ =	sdelay $0x3  }
0x92: {  	_ =	strace s17  }
0x93: {  	s2 =	sld [smem:$0x3FFC];
	_ =	sdelay $0x3  }
0x94: {  	_ =	strace s2  }
0x95: {  	s2 =	sld [smem:$0x3FFD];
	_ =	sdelay $0x3  }
0x96: {  	_ =	strace s2  }
0x97: {  	_ =	strace $0x8FFFFFFF  }
0x98: {  	s18 =	sld [smem:$0x3FDB];
	_ =	sdelay $0x1  }
0x99: {  	s19 =	simm.s32 $_scs_section_size  }
0x9a: {  	s4 =	simm.s32 $_size__tile_overlayer_lowered;
	s5 =	simm.s32 $_tile_overlayer_lowered  }
0x9b: {  	s22 =	simm.s32 $0x1BFF;
	s21 =	sshll.u32 s5, $0x1;
	s2 =	sadd.s32 s19, s18  }
0x9c: {  	s6 =	simm.s32 $0x0;
	s20 =	sshll.u32 s4, $0x1;
	s4 =	sadd.s32 s21, s2  }
0x9d: {  	[timem:s6], [sflag:s22] =	dma.local [hbm:s4], s20  }
0x9e: {  	_ =	swait.ge [sflag:s22], s20  }
0x9f: {  	s3 =	ssub.s32 $0x0, s20;
	[sflag:s22] =	ssyncset.done $0x0  }
0xa0: {  	[sflag:s22] =	ssyncadd.s32 s3;
	_ =	sdelay $0x1  }
0xa1: {  	s23 =	simm.s32 $0x1B8B  }
0xa2: {  	_ =	swait.ge [sflag:s23], $0x1  }
0xa3: {  	[sflag:s23] =	ssyncset.done $0x0  }
0xa4: {  	s25 =	simm.s32 $0x1B8E;
	s24 =	sld [smem:$0x3FFE];
	[sflag:s23] =	ssyncadd.s32 $0xFFFFFFFF  }
0xa5: {  	s26 =	simm.s32 $execute0_lowered;
	[smem:$0x3FD2] =	sst s25  }
0xa6: {  	s4 =	sshll.u32 s26, $0x1;
	_ =	strace $0x8000004C;
	[dreg:$0x1] =	wrdreg $0xFFFFFFFF  }
0xa7: {  	s28 =	simm.s32 $_size_execute0_lowered;
	s2 =	sadd.s32 s2, s4;
	[dreg:$0x0] =	wrdreg $0x0  }
0xa8: {  	s4 =	sshll.u32 s28, $0x1;
	[dreg:$0x2] =	wrdreg s2  }
0xa9: {  	[dreg:$0x3] =	wrdreg s4  }
0xaa: {  	[dreg:$0x4] =	wrdreg $0xC0  }
0xab: {  	_ =	task [dreg:s6], $0x5FFFF  }
0xac: {  	[dreg:$0x1] =	wrdreg $0xFFFFFFFF  }
0xad: {  	[dreg:$0x0] =	wrdreg $0x60  }
0xae: {  	[dreg:$0x2] =	wrdreg s24  }
0xaf: {  	[dreg:$0x3] =	wrdreg $0x9  }
0xb0: {  	_ =	task.clear_ibuf [dreg:s6], $0x4FFFF;
	_ =	strace $0x9000004C  }
0xb1: {  	s29 =	simm.s32 $0x9;
	_ =	strace $0x8000004E  }
0xb2: {  	_ =	swait.ge [sflag:s29], $0x1  }
0xb3: {  	[sflag:s29] =	ssyncadd.s32 $0xFFFFFFFF  }
0xb4: {  	_ =	strace $0x9000004E  }
0xb5: {  	_ =	sfence  }
0xb6: {  	s30 =	sld [smem:$0x0];
	_ =	sdelay $0x2  }
0xb7: {  	s31 =	sshll.u32 s1, $0xD;
	s1 =	sshrl.u32 s1, $0x2  }
0xb8: {  	s3 =	sand.u32 $0x4000, s31;
	s1 =	sadd.s32 s1, s30  }
0xb9: {  	s0 =	sor.u32 s3, s0;
	s1 =	sshll.u32 s1, $0x11  }
0xba: {  	s0 =	sor.u32 s1, s0  }
0xbb: {  	s0 =	sadd.s32 $0x8F2B, s0  }
0xbc: {  	[sflag:s0] =	ssyncadd.remote.s32 $0x1  }
0xbd: {  	_ =	sfence.sel $0xFFFF  }
0xbe: {  	[dreg:$0x0] =	wrdreg $0xFFFFFFFF;
	(pc) =	sbr.abs _section_cstart, $3  }
0xbf: {  	[dreg:$0x1] =	wrdreg $0xFFFFFFFF  }
0xc0: {  	_ =	task.clear_ibuf [dreg:s6], $0x2FFFF;
	_ =	strace $0x9FFFFFFF  }
0xc1: {  	(tm) =	ssettm $0x7FFFFFFF  }
tec
execute0_lowered:
.L_overlay_start_1:
0x0: {  	(tag) =	ssettag $0x1  }
0x1: {  	s0 =	rddreg [dreg:$0x0];
	s2 =	simm.s32 $0x0  }
0x2: {  	s1 =	srdreg.scid;
	s12 =	simm.s32 $0xC00;
	[smem:$0x7FF] =	sst s2  }
0x3: {  	s14 =	simm.s32 $0x1400;
	_ =	strace $0x8000004D;
	[dreg:$0x4] =	wrdreg s12  }
0x4: {  	s5 =	stileid.u32;
	s15 =	simm.s32 $0x1C00;
	[dreg:$0x5] =	wrdreg s14  }
0x5: {  	s16 =	simm.s32 $0x2400;
	s17 =	simm.s32 $0x2C00;
	[dreg:$0x6] =	wrdreg s15  }
0x6: {  	s18 =	simm.s32 $0x3400;
	s19 =	simm.s32 $0x3C00;
	[dreg:$0x7] =	wrdreg s16  }
0x7: {  	s20 =	simm.s32 $0x4400;
	s22 =	simm.s32 $0x4C00;
	[dreg:$0x8] =	wrdreg s17  }
0x8: {  	s7 =	simm.s32 $0x5400;
	s8 =	simm.s32 $0x5C00;
	[dreg:$0x9] =	wrdreg s18  }
0x9: {  	s9 =	simm.s32 $0x6400;
	s23 =	simm.s32 $0x6C00;
	[dreg:$0xa] =	wrdreg s19  }
0xa: {  	s24 =	simm.s32 $0x7400;
	s10 =	simm.s32 $0x3;
	[dreg:$0xb] =	wrdreg s20  }
0xb: {  	s25 =	simm.s32 $0x7C00;
	s26 =	simm.s32 $0x8C00;
	[dreg:$0xc] =	wrdreg s22  }
0xc: {  	s31 =	simm.s32 $0x9400;
	s28 =	simm.s32 $0x1;
	[dreg:$0xd] =	wrdreg s7  }
0xd: {  	s29 =	simm.s32 $0x2;
	s30 =	simm.s32 $0x0;
	[dreg:$0xe] =	wrdreg s8  }
0xe: {  	s1 =	sand.u32 $0x1, s1;
	s3 =	sshll.u32 s5, $0xF;
	[dreg:$0xf] =	wrdreg s9  }
0xf: {  	s11 =	sshll.u32 s5, $0x7;
	s3 =	sadd.s32 s3, s0;
	[dreg:$0x10] =	wrdreg s23  }
0x10: {  	s4 =	sshll.u32 s1, $0xE;
	s13 =	sshll.u32 s1, $0x6;
	[dreg:$0x11] =	wrdreg s24  }
0x11: {  	s1 =	ssub.s32 $0x2, s1;
	s7 =	sadd.s32 $0x517E00, s0;
	[dreg:$0x12] =	wrdreg s25  }
0x12: {  	s8 =	sadd.s32 $0x517F00, s0;
	s12 =	simm.s32 $0x400;
	[dreg:$0x13] =	wrdreg s26  }
0x13: {  	[dreg:$0x14] =	wrdreg s31;
	s14 =	simm.s32 $0x9C00;
	s15 =	simm.s32 $0xA400  }
0x14: {  	s16 =	simm.s32 $0xAC00;
	s17 =	simm.s32 $0xB400;
	s18 =	simm.s32 $0xBC00  }
0x15: {  	s19 =	simm.s32 $0xC400;
	s20 =	simm.s32 $0xCC00;
	s22 =	simm.s32 $0xDC00  }
0x16: {  	s23 =	simm.s32 $0xE400;
	s24 =	simm.s32 $0xEC00;
	s25 =	simm.s32 $0xF400  }
0x17: {  	s26 =	simm.s32 $0xFC00;
	s3 =	sadd.s32 s4, s3;
	s6 =	sshrl.u32 s1, $0x1  }
0x18: {  	s4 =	sadd.s32 $0x95600, s3;
	s3 =	sadd.s32 $0x3E00, s3;
	s1 =	ssub.s32 s1, s6  }
0x19: {  	s6 =	sadd.s32 $0x517D00, s0;
	[dreg:$0x2] =	wrdreg s4;
	s4 =	sor.u32 s13, s11  }
0x1a: {  	v2 =	vlaneseq.u32;
	[dreg:$0x3] =	wrdreg s3;
	s3 =	sadd.s32 $0x517C00, s0;
	s5 =	sadd.s32 s4, s0  }
0x1b: {  	vm0 =	vmmov $0xffff;
	v1 =	vshrl.u32 v2, $0x3;
	s9 =	smax.u32 s1, $0x1;
	s13 =	simm.s32 $0x8400;
	s21 =	sadd.s32 $0x94E00, s5  }
0x1c: {  	v0 =	vand.u32 $0x7, v2;
	v2 =	vor.u32 $0x8, v2;
	v1 =	vmul.u32 $0x8, v1;
	s5 =	sadd.s32 $0x94600, s5;
	[dreg:$0x15] =	wrdreg s21;
	s21 =	simm.s32 $0xD400  }
.LBB2_1:
0x1d: {  	s0 =	rddreg [dreg:$0x15]  }
0x1e: {  	[tilespmem:s2], [sflag:$0x3] =	stream.linear.gather [hbm4b:s0+s2], $0x200, $0x38;
	[tilespmem:$0x10400] =	vst v63  }
0x1f: {  	_ =	swait.ge [sflag:s10], $0x200  }
0x20: {  	[sflag:s10] =	ssyncset.done $0x0  }
0x21: {  	s11 =	simm.s32 $0x200;
	[sflag:s10] =	ssyncadd.s32 $0xFFFFFE00  }
0x22: {  	[tilespmem:s11], [sflag:$0x3] =	stream.linear.gather [hbm4b:s5+s2], $0x200, $0x38;
	[tilespmem:$0x10400] =	vst v63  }
0x23: {  	_ =	swait.ge [sflag:s10], $0x200  }
0x24: {  	s31 =	simm.s32 $0x210;
	[sflag:s10] =	ssyncset.done $0x0  }
0x25: {  	s1 =	simm.s32 $0x0;
	s0 =	simm.s32 $0x10;
	[sflag:s10] =	ssyncadd.s32 $0xFFFFFE00  }
.LBB2_2:
0x26: {  	v3 =	vld [tilespmem:s0+$0xFFFFFFF0];
	_ =	sdelay $0x4  }
0x27: {  	v4 =	vshll.u32 v3, $0x3  }
0x28: {  	v3 =	vand.u32 $0x7, v3;
	v4 =	vand.u32 $0xFFFFFFC0, v4  }
0x29: {  	v3 =	vor.u32 v3, v4  }
0x2a: {  	v4 =	vperm.xlane v3, v0;
	_ =	sdelay $0x1  }
0x2b: {  	v4 =	vadd.s32 v1, v4;
	_ =	sdelay $0x4  }
0x2c: {  	[tilespmem:s12], [sflag:$0x1] =	stream.indirect_vreg.gather [hbm4b:s3+s2], $0x80, v4, vm0, $0xb8;
	[tilespmem:$0x10400] =	vst v63  }
0x2d: {  	s11 =	rddreg [dreg:$0x4];
	v3 =	vperm.xlane v3, v2  }
0x2e: {  	[tilespmem:s11], [sflag:$0x1] =	stream.indirect_vreg.gather [hbm4b:s6+s2], $0x80, v4, vm0, $0xb8;
	[tilespmem:$0x10400] =	vst v63  }
0x2f: {  	s4 =	rddreg [dreg:$0x5];
	v3 =	vadd.s32 v1, v3  }
0x30: {  	[tilespmem:s4], [sflag:$0x1] =	stream.indirect_vreg.gather [hbm4b:s7+s2], $0x80, v4, vm0, $0xb8;
	[tilespmem:$0x10400] =	vst v63  }
0x31: {  	s11 =	rddreg [dreg:$0x6]  }
0x32: {  	[tilespmem:s11], [sflag:$0x1] =	stream.indirect_vreg.gather [hbm4b:s8+s2], $0x80, v4, vm0, $0xb8;
	[tilespmem:$0x10400] =	vst v63  }
0x33: {  	s4 =	rddreg [dreg:$0x7]  }
0x34: {  	[tilespmem:s4], [sflag:$0x1] =	stream.indirect_vreg.gather [hbm4b:s3+s2], $0x80, v3, vm0, $0xb8;
	[tilespmem:$0x10400] =	vst v63  }
0x35: {  	s11 =	rddreg [dreg:$0x8]  }
0x36: {  	[tilespmem:s11], [sflag:$0x1] =	stream.indirect_vreg.gather [hbm4b:s6+s2], $0x80, v3, vm0, $0xb8;
	[tilespmem:$0x10400] =	vst v63  }
0x37: {  	s4 =	rddreg [dreg:$0x9]  }
0x38: {  	[tilespmem:s4], [sflag:$0x1] =	stream.indirect_vreg.gather [hbm4b:s7+s2], $0x80, v3, vm0, $0xb8;
	[tilespmem:$0x10400] =	vst v63  }
0x39: {  	s11 =	rddreg [dreg:$0xa]  }
0x3a: {  	[tilespmem:s11], [sflag:$0x1] =	stream.indirect_vreg.gather [hbm4b:s8+s2], $0x80, v3, vm0, $0xb8;
	[tilespmem:$0x10400] =	vst v63  }
0x3b: {  	v3 =	vld [tilespmem:s0+$0x0];
	_ =	sdelay $0x4  }
0x3c: {  	v61 =	vshll.u32 v3, $0x3  }
0x3d: {  	v3 =	vand.u32 $0x7, v3;
	v4 =	vand.u32 $0xFFFFFFC0, v61  }
0x3e: {  	v3 =	vor.u32 v3, v4  }
0x3f: {  	v4 =	vperm.xlane v3, v0;
	_ =	sdelay $0x1  }
0x40: {  	v4 =	vadd.s32 v1, v4;
	_ =	sdelay $0x3  }
0x41: {  	s4 =	rddreg [dreg:$0xb]  }
0x42: {  	[tilespmem:s4], [sflag:$0x1] =	stream.indirect_vreg.gather [hbm4b:s3+s2], $0x80, v4, vm0, $0xb8;
	[tilespmem:$0x10400] =	vst v63  }
0x43: {  	s11 =	rddreg [dreg:$0xc];
	v3 =	vperm.xlane v3, v2  }
0x44: {  	[tilespmem:s11], [sflag:$0x1] =	stream.indirect_vreg.gather [hbm4b:s6+s2], $0x80, v4, vm0, $0xb8;
	[tilespmem:$0x10400] =	vst v63  }
0x45: {  	v3 =	vadd.s32 v1, v3;
	s4 =	rddreg [dreg:$0xd]  }
0x46: {  	[tilespmem:s4], [sflag:$0x1] =	stream.indirect_vreg.gather [hbm4b:s7+s2], $0x80, v4, vm0, $0xb8;
	[tilespmem:$0x10400] =	vst v63  }
0x47: {  	s11 =	rddreg [dreg:$0xe]  }
0x48: {  	[tilespmem:s11], [sflag:$0x1] =	stream.indirect_vreg.gather [hbm4b:s8+s2], $0x80, v4, vm0, $0xb8;
	[tilespmem:$0x10400] =	vst v63  }
0x49: {  	s4 =	rddreg [dreg:$0xf]  }
0x4a: {  	[tilespmem:s4], [sflag:$0x1] =	stream.indirect_vreg.gather [hbm4b:s3+s2], $0x80, v3, vm0, $0xb8;
	[tilespmem:$0x10400] =	vst v63  }
0x4b: {  	s11 =	rddreg [dreg:$0x10]  }
0x4c: {  	[tilespmem:s11], [sflag:$0x1] =	stream.indirect_vreg.gather [hbm4b:s6+s2], $0x80, v3, vm0, $0xb8;
	[tilespmem:$0x10400] =	vst v63  }
0x4d: {  	s4 =	rddreg [dreg:$0x11]  }
0x4e: {  	[tilespmem:s4], [sflag:$0x1] =	stream.indirect_vreg.gather [hbm4b:s7+s2], $0x80, v3, vm0, $0xb8;
	[tilespmem:$0x10400] =	vst v63  }
0x4f: {  	s11 =	rddreg [dreg:$0x12]  }
0x50: {  	[tilespmem:s11], [sflag:$0x1] =	stream.indirect_vreg.gather [hbm4b:s8+s2], $0x80, v3, vm0, $0xb8;
	[tilespmem:$0x10400] =	vst v63  }
0x51: {  	v3 =	vld [tilespmem:s31+$0xFFFFFFF0];
	_ =	sdelay $0x4  }
0x52: {  	v62 =	vshll.u32 v3, $0x3  }
0x53: {  	v3 =	vand.u32 $0x7, v3;
	v4 =	vand.u32 $0xFFFFFFC0, v62  }
0x54: {  	v3 =	vor.u32 v3, v4  }
0x55: {  	v4 =	vperm.xlane v3, v0;
	_ =	sdelay $0x1  }
0x56: {  	v4 =	vadd.s32 v1, v4;
	_ =	sdelay $0x4  }
0x57: {  	[tilespmem:s13], [sflag:$0x2] =	stream.indirect_vreg.gather [hbm4b:s3+s2], $0x80, v4, vm0, $0xb8;
	[tilespmem:$0x10400] =	vst v63  }
0x58: {  	s4 =	rddreg [dreg:$0x13];
	v3 =	vperm.xlane v3, v2  }
0x59: {  	[tilespmem:s4], [sflag:$0x2] =	stream.indirect_vreg.gather [hbm4b:s6+s2], $0x80, v4, vm0, $0xb8;
	[tilespmem:$0x10400] =	vst v63  }
0x5a: {  	s11 =	rddreg [dreg:$0x14];
	v3 =	vadd.s32 v1, v3  }
0x5b: {  	[tilespmem:s11], [sflag:$0x2] =	stream.indirect_vreg.gather [hbm4b:s7+s2], $0x80, v4, vm0, $0xb8;
	[tilespmem:$0x10400] =	vst v63  }
0x5c: {  	_ = 	snop  }
0x5d: {  	[tilespmem:s14], [sflag:$0x2] =	stream.indirect_vreg.gather [hbm4b:s8+s2], $0x80, v4, vm0, $0xb8;
	[tilespmem:$0x10400] =	vst v63  }
0x5e: {  	_ = 	snop  }
0x5f: {  	[tilespmem:s15], [sflag:$0x2] =	stream.indirect_vreg.gather [hbm4b:s3+s2], $0x80, v3, vm0, $0xb8;
	[tilespmem:$0x10400] =	vst v63  }
0x60: {  	_ = 	snop  }
0x61: {  	[tilespmem:s16], [sflag:$0x2] =	stream.indirect_vreg.gather [hbm4b:s6+s2], $0x80, v3, vm0, $0xb8;
	[tilespmem:$0x10400] =	vst v63  }
0x62: {  	_ = 	snop  }
0x63: {  	[tilespmem:s17], [sflag:$0x2] =	stream.indirect_vreg.gather [hbm4b:s7+s2], $0x80, v3, vm0, $0xb8;
	[tilespmem:$0x10400] =	vst v63  }
0x64: {  	_ = 	snop  }
0x65: {  	[tilespmem:s18], [sflag:$0x2] =	stream.indirect_vreg.gather [hbm4b:s8+s2], $0x80, v3, vm0, $0xb8;
	[tilespmem:$0x10400] =	vst v63  }
0x66: {  	v3 =	vld [tilespmem:s31+$0x0];
	_ =	sdelay $0x4  }
0x67: {  	v63 =	vshll.u32 v3, $0x3  }
0x68: {  	v3 =	vand.u32 $0x7, v3;
	v4 =	vand.u32 $0xFFFFFFC0, v63  }
0x69: {  	v3 =	vor.u32 v3, v4  }
0x6a: {  	v4 =	vperm.xlane v3, v0;
	_ =	sdelay $0x1  }
0x6b: {  	v4 =	vadd.s32 v1, v4;
	_ =	sdelay $0x4  }
0x6c: {  	[tilespmem:s19], [sflag:$0x2] =	stream.indirect_vreg.gather [hbm4b:s3+s2], $0x80, v4, vm0, $0xb8;
	[tilespmem:$0x10400] =	vst v63  }
0x6d: {  	v3 =	vperm.xlane v3, v2  }
0x6e: {  	[tilespmem:s20], [sflag:$0x2] =	stream.indirect_vreg.gather [hbm4b:s6+s2], $0x80, v4, vm0, $0xb8;
	[tilespmem:$0x10400] =	vst v63  }
0x6f: {  	v3 =	vadd.s32 v1, v3  }
0x70: {  	[tilespmem:s21], [sflag:$0x2] =	stream.indirect_vreg.gather [hbm4b:s7+s2], $0x80, v4, vm0, $0xb8;
	[tilespmem:$0x10400] =	vst v63  }
0x71: {  	_ = 	snop  }
0x72: {  	[tilespmem:s22], [sflag:$0x2] =	stream.indirect_vreg.gather [hbm4b:s8+s2], $0x80, v4, vm0, $0xb8;
	[tilespmem:$0x10400] =	vst v63  }
0x73: {  	_ = 	snop  }
0x74: {  	[tilespmem:s23], [sflag:$0x2] =	stream.indirect_vreg.gather [hbm4b:s3+s2], $0x80, v3, vm0, $0xb8;
	[tilespmem:$0x10400] =	vst v63  }
0x75: {  	_ = 	snop  }
0x76: {  	[tilespmem:s24], [sflag:$0x2] =	stream.indirect_vreg.gather [hbm4b:s6+s2], $0x80, v3, vm0, $0xb8;
	[tilespmem:$0x10400] =	vst v63  }
0x77: {  	_ = 	snop  }
0x78: {  	[tilespmem:s25], [sflag:$0x2] =	stream.indirect_vreg.gather [hbm4b:s7+s2], $0x80, v3, vm0, $0xb8;
	[tilespmem:$0x10400] =	vst v63  }
0x79: {  	_ = 	snop  }
0x7a: {  	[tilespmem:s26], [sflag:$0x2] =	stream.indirect_vreg.gather [hbm4b:s8+s2], $0x80, v3, vm0, $0xb8;
	[tilespmem:$0x10400] =	vst v63  }
0x7b: {  	_ =	swait.ge [sflag:s28], $0x8000  }
0x7c: {  	[sflag:s28] =	ssyncset.done $0x0  }
0x7d: {  	[sflag:s28] =	ssyncadd.s32 $0xFFFF8000  }
0x7e: {  	_ =	swait.ge [sflag:s29], $0x8000  }
0x7f: {  	s11 =	rddreg [dreg:$0x3];
	[sflag:s29] =	ssyncset.done $0x0  }
0x80: {  	[sflag:s29] =	ssyncadd.s32 $0xFFFF8000;
	s4 =	sadd.s32 s1, s11  }
0x81: {  	[hbm4b:s4+s2] =	stream.linear.scatter [tilespmem:s12], [sflag:$0x3], $0x8000, $0x38;
	[tilespmem:$0x10400] =	vst v63  }
0x82: {  	_ =	swait.ge [sflag:s10], $0x8000  }
0x83: {  	p0 =	sne.s32 s1, $0x3000;
	s11 =	rddreg [dreg:$0x2];
	[sflag:s10] =	ssyncset.done $0x0  }
.Ltmp0:
0x84: {  	[sflag:s10] =	ssyncadd.s32 $0xFFFF8000;
	s4 =	sadd.s32 s1, s11;
	(pc) =	sbr.rel @p0 .LBB2_2-.Ltmp0, $4  }
0x85: {  	[hbm4b:s4+s2] =	stream.linear.scatter [tilespmem:s13], [sflag:$0x3], $0x8000, $0x38;
	[tilespmem:$0x10400] =	vst v63  }
0x86: {  	_ =	swait.ge [sflag:s10], $0x8000  }
0x87: {  	s0 =	sadd.s32 $0x80, s0;
	[sflag:s10] =	ssyncset.done $0x0  }
0x88: {  	s31 =	sadd.s32 $0x80, s31;
	s1 =	sadd.s32 $0x1000, s1;
	[sflag:s10] =	ssyncadd.s32 $0xFFFF8000  }
0x89: {  	s30 =	sadd.s32 $0x1, s30  }
0x8a: {  	p0 =	sne.s32 s30, s9  }
.Ltmp1:
0x8b: {  	_ = 	snop;
	(pc) =	sbr.rel @p0 .LBB2_1-.Ltmp1, $1  }
0x8c: {  	_ =	sdelay $0x3  }
0x8d: {  	_ =	sfence.sel $0x180000  }
0x8e: {  	[bflag:$0x0] =	sbarrier.arrive $0xFFFF  }
0x8f: {  	_ =	strace $0x9000004D  }
0x90: {  	s0 =	stileid.u32;
	[bflag:$0x2] =	sbarrier.arrive $0xFFFF  }
0x91: {  	p0 =	sne.s32 s0, $0x0;
	s0 =	rddreg [dreg:$0x1]  }
0x92: {  	s0 =	sadd.s32 @!p0 $0x100000, s0  }
0x93: {  	[sflag:s0] =	ssyncadd.tile.s32 @!p0 $0x1;
	_ =	shalt  }
.Lfunc_end2:
_tile_overlayer_lowered:
.L_overlay_start_2:
0x94: {  	(tag) =	ssettag $0x2  }
0x95: {  	s0 =	rddreg [dreg:$0x0];
	s2 =	stileid.u32  }
0x96: {  	s1 =	rddreg [dreg:$0x1];
	p0 =	sne.s32 s2, $0x0  }
0x97: {  	s3 =	rddreg [dreg:$0x2];
	[bflag:$0x3] =	sbarrier.arrive $0xFFFF;
	s2 =	simm.s32 @!p0 $0x1C03  }
0x98: {  	[timem:s3], [sflag:s2] =	dma.local @!p0 [hbm:s0], s1  }
0x99: {  	s0 =	simm.s32 @!p0 $0x3  }
0x9a: {  	_ =	swait.ge @!p0 [sflag:s0], s1  }
0x9b: {  	s1 =	ssub.s32 @!p0 $0x0, s1;
	[sflag:s0] =	ssyncset.done @!p0 $0x0  }
0x9c: {  	[sflag:s0] =	ssyncadd.s32 @!p0 s1  }
0x9d: {  	[bflag:$0x3] =	sbarrier.arrive $0xFFFF  }
0x9e: {  	_ =	shalt  }

</sc_bundles>
